<compile_context>
chip_gen: v7x
topology: tpu7x:2x2x1
jax: 0.10.2.dev20260603
libtpu: 0.0.44.dev20260713+nightly
codegen_flags: <defaults>
</compile_context>

<pallas_src>
import functools

import jax
import jax.numpy as jnp
from jax import lax
from jax.experimental import pallas as pl
from jax.experimental.pallas import tpu as pltpu
from jax.experimental.pallas import tpu_sc as plsc

NC = 2
NS = 16
NW = NC * NS
LANES = 16


def _tc_body(x_ref, wm_ref, m_ref, bsum_ref, msum_ref):
    i = pl.program_id(0)
    wm = wm_ref[...]
    x0 = x_ref[0]
    mx = x0
    for k in (1, 2, 3, 4):
        mx = jnp.maximum(mx, x_ref[k])
    t = jnp.exp(x0 - mx)
    for k in (1, 2, 3, 4):
        t = t + jnp.exp(x_ref[k] - mx)
    lse = jnp.log(t) + mx
    bpart = jnp.sum(wm * lse)
    mpart = jnp.sum(m_ref[...].astype(jnp.float32))

    @pl.when(i == 0)
    def _():
        bsum_ref[0, 0] = 0.0
        msum_ref[0, 0] = 0.0

    bsum_ref[0, 0] += bpart
    msum_ref[0, 0] += mpart


def _tc_call(x_t, wm, m):
    C, B, S = x_t.shape
    bb = 512
    grid = (B // bb,)
    bsum, msum = pl.pallas_call(
        _tc_body,
        grid=grid,
        in_specs=[
            pl.BlockSpec((C, bb, S), lambda i: (0, i, 0)),
            pl.BlockSpec((bb, S), lambda i: (i, 0)),
            pl.BlockSpec((bb, S), lambda i: (i, 0)),
        ],
        out_specs=[
            pl.BlockSpec((1, 1), lambda i: (0, 0), memory_space=pltpu.SMEM),
            pl.BlockSpec((1, 1), lambda i: (0, 0), memory_space=pltpu.SMEM),
        ],
        out_shape=[
            jax.ShapeDtypeStruct((1, 1), jnp.float32),
            jax.ShapeDtypeStruct((1, 1), jnp.float32),
        ],
        compiler_params=pltpu.CompilerParams(
            dimension_semantics=("arbitrary",),
        ),
    )(x_t, wm, m)
    return bsum, msum


def _sc_call(conf_lin, x_lin, wm, idx):
    V5, S = conf_lin.shape
    V = V5 // 5
    B = wm.shape[0]
    NB = B // NW
    CH = 16
    NCH = NB // CH
    GC = 5 * CH
    KS = S // LANES

    mesh = plsc.VectorSubcoreMesh(core_axis_name="c", subcore_axis_name="s")

    @functools.partial(
        pl.kernel,
        out_type=jax.ShapeDtypeStruct((NW * LANES,), jnp.float32),
        mesh=mesh,
        scratch_types=[
            pltpu.VMEM((NB,), jnp.int32),
            pltpu.VMEM((NCH * GC,), jnp.int32),
            pltpu.VMEM((NCH * GC,), jnp.int32),
            pltpu.VMEM((3, GC, S), jnp.float32),
            pltpu.VMEM((3, GC, S), jnp.float32),
            pltpu.VMEM((3, CH, S), jnp.float32),
            pltpu.VMEM((LANES,), jnp.float32),
            pltpu.SemaphoreType.DMA,
            pltpu.SemaphoreType.DMA,
            pltpu.SemaphoreType.DMA,
        ],
    )
    def sc_kernel(conf_hbm, x_hbm, wm_hbm, idx_hbm, out_hbm,
                  idx_v, gidx, xidx, conf_buf, x_buf, wm_buf, acc_buf,
                  sem0, sem1, sem2):
        wid = lax.axis_index("s") * NC + lax.axis_index("c")
        base = wid * NB
        ih = pltpu.async_copy(idx_hbm.at[pl.ds(base, NB)], idx_v, sem0)
        lanes = lax.iota(jnp.int32, LANES)

        def xidx_body(t, carry):
            for c in range(5):
                xidx[pl.ds(t * GC + c * CH, CH)] = (c * B + base) + t * CH + lanes
            return carry

        lax.fori_loop(0, NCH, xidx_body, 0)

        sems = (sem0, sem1, sem2)

        def fire_x(t, slot):
            h2 = pltpu.async_copy(
                x_hbm.at[xidx.at[pl.ds(t * GC, GC)]], x_buf.at[slot], sems[slot])
            h3 = pltpu.async_copy(
                wm_hbm.at[pl.ds(base + t * CH, CH)], wm_buf.at[slot], sems[slot])
            return (h2, h3)

        def fire_c(t, slot):
            return (pltpu.async_copy(
                conf_hbm.at[gidx.at[pl.ds(t * GC, GC)]], conf_buf.at[slot],
                sems[slot]),)

        p1 = fire_x(0, 0)
        ih.wait()

        def gidx_body(t, carry):
            iv = idx_v[pl.ds(t * CH, CH)]
            for c in range(5):
                gidx[pl.ds(t * GC + c * CH, CH)] = iv + c * V
            return carry

        lax.fori_loop(0, NCH, gidx_body, 0)

        pending = {0: fire_c(0, 0) + p1,
                   1: fire_c(1, 1) + fire_x(1, 1)}
        acc = jnp.zeros((LANES,), jnp.float32)
        for t in range(NCH):
            slot = t % 3
            if t + 2 < NCH:
                pending[t + 2] = (fire_c(t + 2, (t + 2) % 3)
                                  + fire_x(t + 2, (t + 2) % 3))
            for h in pending.pop(t):
                h.wait()

            def sample_body(i, a):
                def k_body(k, a2):
                    wmv = wm_buf[slot, i, pl.ds(k * LANES, LANES)]
                    for c in range(5):
                        r = c * CH + i
                        a2 = a2 + (conf_buf[slot, r, pl.ds(k * LANES, LANES)]
                                   * x_buf[slot, r, pl.ds(k * LANES, LANES)]
                                   * wmv)
                    return a2
                return lax.fori_loop(0, KS, k_body, a)

            acc = lax.fori_loop(0, CH, sample_body, acc)
        acc_buf[...] = acc
        pltpu.sync_copy(acc_buf, out_hbm.at[pl.ds(wid * LANES, LANES)])

    return sc_kernel(conf_lin, x_lin, wm, idx)


def kernel(outputs, index, pad_mask, weights, confidence):
    B, S, C = outputs.shape
    V = confidence.shape[0]

    x_t = jnp.transpose(outputs, (2, 0, 1))
    conf_t = jnp.transpose(confidence, (2, 0, 1))
    x_lin = x_t.reshape(C * B, S)
    conf_lin = conf_t.reshape(C * V, S)
    wm = weights * pad_mask
    idx = index.astype(jnp.int32)

    bsum, msum = _tc_call(x_t, wm, pad_mask)
    partials = _sc_call(conf_lin, x_lin, wm, idx)
    a = jnp.sum(partials, dtype=jnp.float32)
    return (bsum[0, 0] - a) / msum[0, 0]

# --- scband reference (transcript-rebuilt; emitter-appended) ---
"""Pipeline reference for scband-partial-loss-81329500717526 (READ-ONLY COPY).

The authoritative reference and input builder live on the scoring server;
editing this copy changes nothing except your own understanding.
"""

import jax, jax.numpy as jnp
import numpy as np

NUM_SAMPLES = 100000
B = 4096
S = 128
C = 5


def setup_inputs(seed: int = 0) -> dict:
    key = jax.random.key(seed)
    k1, k2, k3, k4, k5 = jax.random.split(key, 5)
    outputs = jax.random.normal(k1, (B, S, C), dtype=jnp.float32)
    index = jax.random.randint(k2, (B,), 0, NUM_SAMPLES, dtype=jnp.int64 if jax.config.jax_enable_x64 else jnp.int32)
    pad_mask = jax.random.randint(k3, (B, S), 0, 2).astype(bool)
    weights = jax.random.uniform(k4, (B, S), dtype=jnp.float32)
    confidence = jax.random.uniform(k5, (NUM_SAMPLES, S, C), dtype=jnp.float32)
    confidence = confidence / jnp.sum(confidence, axis=-1, keepdims=True)
    return {"outputs": outputs, "index": index, "pad_mask": pad_mask, "weights": weights, "confidence": confidence}


def reference(outputs, index, pad_mask, weights, confidence):
    # postprocess_pseudo=False path of partial_loss.forward
    # torch: logsm = log_softmax(outputs[pad_mask], dim=1)  (row-wise softmax over classes)
    # Equivalent (same math): row-wise log_softmax over full tensor, then masked mean.
    seq = outputs.shape[1]
    logsm = jax.nn.log_softmax(outputs, axis=-1)
    # gather confidence rows for this batch: confidence[index, :S]  -> [B, S, C]
    conf_g = jnp.take(confidence, index, axis=0)[:, :seq, :]
    final = logsm * conf_g                      # [B, S, C]
    per_span = jnp.sum(final, axis=-1) * weights  # [B, S]
    m = pad_mask.astype(jnp.float32)
    average_loss = -jnp.sum(per_span * m) / jnp.sum(m)
    return average_loss

if __name__ == "__main__":
    import jax
    _d = setup_inputs()
    print(jax.jit(kernel)(*tuple(_d.values())))

</pallas_src>

<mosaic_0001>
#map = affine_map<(d0, d1) -> (0, 0)>
#map1 = affine_map<(d0, d1) -> (0)>
module attributes {stable_mosaic.version = 14 : i64} {
  func.func @sc_kernel(%arg0: i32, %arg1: i32, %arg2: memref<500000x128xf32, #tpu.memory_space<hbm>>, %arg3: memref<20480x128xf32, #tpu.memory_space<hbm>>, %arg4: memref<4096x128xf32, #tpu.memory_space<hbm>>, %arg5: memref<4096xi32, #tpu.memory_space<hbm>>, %arg6: memref<512xf32, #tpu.memory_space<hbm>>, %arg7: memref<128xi32, #tpu.memory_space<vmem>>, %arg8: memref<640xi32, #tpu.memory_space<vmem>>, %arg9: memref<640xi32, #tpu.memory_space<vmem>>, %arg10: memref<3x80x128xf32, #tpu.memory_space<vmem>>, %arg11: memref<3x80x128xf32, #tpu.memory_space<vmem>>, %arg12: memref<3x16x128xf32, #tpu.memory_space<vmem>>, %arg13: memref<16xf32, #tpu.memory_space<vmem>>, %arg14: memref<!tpu.dma_semaphore, #tpu.memory_space<semaphore_mem>>, %arg15: memref<!tpu.dma_semaphore, #tpu.memory_space<semaphore_mem>>, %arg16: memref<!tpu.dma_semaphore, #tpu.memory_space<semaphore_mem>>) attributes {dimension_semantics = [#tpu.dimension_semantics<core_parallel>, #tpu.dimension_semantics<subcore_parallel>], iteration_bounds = array<i64: 2, 16>, scalar_prefetch = 0 : i64, scratch_operands = 10 : i64, tpu.core_type = #tpu.core_type<sc_vector_subcore>, window_params = [{transform_indices = #map}, {transform_indices = #map}, {transform_indices = #map}, {transform_indices = #map1}, {transform_indices = #map1}]} {
    %mul3A = arith.constant 2 : i32
    %mul3A_0 = arith.muli %arg1, %mul3A : i32
    %add3A = arith.addi %mul3A_0, %arg0 : i32
    %mul3A_1 = arith.constant 128 : i32
    %mul3A_2 = arith.muli %add3A, %mul3A_1 : i32
    %dma_start3A = tpu.memref_slice %arg5[%mul3A_2] : memref<4096xi32, #tpu.memory_space<hbm>> -> memref<128xi32, #tpu.memory_space<hbm>>
    %dma_start3A_3 = tpu.memref_slice %arg5[%mul3A_2] : memref<4096xi32, #tpu.memory_space<hbm>> -> memref<128xi32, #tpu.memory_space<hbm>>
    tpu.enqueue_dma source(%dma_start3A_3 : memref<128xi32, #tpu.memory_space<hbm>>) target(%arg7 : memref<128xi32, #tpu.memory_space<vmem>>) target_semaphore(%arg14 : memref<!tpu.dma_semaphore, #tpu.memory_space<semaphore_mem>>)
    %iota3A = tpu.iota {dimensions = array<i32: 0>} : vector<16xi32>
    %scan3A = arith.constant 0 : i32
    %scan3A_4 = arith.constant 0 : i32
    %scan3A_5 = arith.constant 8 : i32
    %scan3A_6 = arith.addi %scan3A_4, %scan3A_5 : i32
    %scan3A_7 = arith.constant 1 : i32
    scf.for %scan3A_614 = %scan3A_4 to %scan3A_6 step %scan3A_7  : i32 {
      %add3A_615 = arith.constant 0 : i32
      %add3A_616 = arith.addi %add3A_615, %mul3A_2 : i32
      %mul3A_617 = arith.constant 16 : i32
      %mul3A_618 = arith.muli %scan3A_614, %mul3A_617 : i32
      %add3A_619 = arith.addi %add3A_616, %mul3A_618 : i32
      %add3A_620 = vector.broadcast %add3A_619 : i32 to vector<16xi32>
      %add3A_621 = arith.addi %add3A_620, %iota3A : vector<16xi32>
      %mul3A_622 = arith.constant 80 : i32
      %mul3A_623 = arith.muli %scan3A_614, %mul3A_622 : i32
      %add3A_624 = arith.constant 0 : i32
      %add3A_625 = arith.addi %mul3A_623, %add3A_624 : i32
      %swap3A_626 = arith.index_cast %add3A_625 : i32 to index
      %swap3A_627 = tpu.vector_load %arg9[%swap3A_626] {strides = array<i32>} : memref<640xi32, #tpu.memory_space<vmem>>, vector<16xi32>,
      %swap3A_628 = vector.shape_cast %swap3A_627 : vector<16xi32> to vector<16xi32>
      %swap3A_629 = vector.shape_cast %add3A_621 : vector<16xi32> to vector<16xi32>
      tpu.vector_store %arg9[%swap3A_626], %swap3A_629 {strides = array<i32>} : memref<640xi32, #tpu.memory_space<vmem>>, vector<16xi32>,
      %add3A_630 = arith.constant 4096 : i32
      %add3A_631 = arith.addi %add3A_630, %mul3A_2 : i32
      %mul3A_632 = arith.constant 16 : i32
      %mul3A_633 = arith.muli %scan3A_614, %mul3A_632 : i32
      %add3A_634 = arith.addi %add3A_631, %mul3A_633 : i32
      %add3A_635 = vector.broadcast %add3A_634 : i32 to vector<16xi32>
      %add3A_636 = arith.addi %add3A_635, %iota3A : vector<16xi32>
      %mul3A_637 = arith.constant 80 : i32
      %mul3A_638 = arith.muli %scan3A_614, %mul3A_637 : i32
      %add3A_639 = arith.constant 16 : i32
      %add3A_640 = arith.addi %mul3A_638, %add3A_639 : i32
      %swap3A_641 = arith.index_cast %add3A_640 : i32 to index
      %swap3A_642 = tpu.vector_load %arg9[%swap3A_641] {strides = array<i32>} : memref<640xi32, #tpu.memory_space<vmem>>, vector<16xi32>,
      %swap3A_643 = vector.shape_cast %swap3A_642 : vector<16xi32> to vector<16xi32>
      %swap3A_644 = vector.shape_cast %add3A_636 : vector<16xi32> to vector<16xi32>
      tpu.vector_store %arg9[%swap3A_641], %swap3A_644 {strides = array<i32>} : memref<640xi32, #tpu.memory_space<vmem>>, vector<16xi32>,
      %add3A_645 = arith.constant 8192 : i32
      %add3A_646 = arith.addi %add3A_645, %mul3A_2 : i32
      %mul3A_647 = arith.constant 16 : i32
      %mul3A_648 = arith.muli %scan3A_614, %mul3A_647 : i32
      %add3A_649 = arith.addi %add3A_646, %mul3A_648 : i32
      %add3A_650 = vector.broadcast %add3A_649 : i32 to vector<16xi32>
      %add3A_651 = arith.addi %add3A_650, %iota3A : vector<16xi32>
      %mul3A_652 = arith.constant 80 : i32
      %mul3A_653 = arith.muli %scan3A_614, %mul3A_652 : i32
      %add3A_654 = arith.constant 32 : i32
      %add3A_655 = arith.addi %mul3A_653, %add3A_654 : i32
      %swap3A_656 = arith.index_cast %add3A_655 : i32 to index
      %swap3A_657 = tpu.vector_load %arg9[%swap3A_656] {strides = array<i32>} : memref<640xi32, #tpu.memory_space<vmem>>, vector<16xi32>,
      %swap3A_658 = vector.shape_cast %swap3A_657 : vector<16xi32> to vector<16xi32>
      %swap3A_659 = vector.shape_cast %add3A_651 : vector<16xi32> to vector<16xi32>
      tpu.vector_store %arg9[%swap3A_656], %swap3A_659 {strides = array<i32>} : memref<640xi32, #tpu.memory_space<vmem>>, vector<16xi32>,
      %add3A_660 = arith.constant 12288 : i32
      %add3A_661 = arith.addi %add3A_660, %mul3A_2 : i32
      %mul3A_662 = arith.constant 16 : i32
      %mul3A_663 = arith.muli %scan3A_614, %mul3A_662 : i32
      %add3A_664 = arith.addi %add3A_661, %mul3A_663 : i32
      %add3A_665 = vector.broadcast %add3A_664 : i32 to vector<16xi32>
      %add3A_666 = arith.addi %add3A_665, %iota3A : vector<16xi32>
      %mul3A_667 = arith.constant 80 : i32
      %mul3A_668 = arith.muli %scan3A_614, %mul3A_667 : i32
      %add3A_669 = arith.constant 48 : i32
      %add3A_670 = arith.addi %mul3A_668, %add3A_669 : i32
      %swap3A_671 = arith.index_cast %add3A_670 : i32 to index
      %swap3A_672 = tpu.vector_load %arg9[%swap3A_671] {strides = array<i32>} : memref<640xi32, #tpu.memory_space<vmem>>, vector<16xi32>,
      %swap3A_673 = vector.shape_cast %swap3A_672 : vector<16xi32> to vector<16xi32>
      %swap3A_674 = vector.shape_cast %add3A_666 : vector<16xi32> to vector<16xi32>
      tpu.vector_store %arg9[%swap3A_671], %swap3A_674 {strides = array<i32>} : memref<640xi32, #tpu.memory_space<vmem>>, vector<16xi32>,
      %add3A_675 = arith.constant 16384 : i32
      %add3A_676 = arith.addi %add3A_675, %mul3A_2 : i32
      %mul3A_677 = arith.constant 16 : i32
      %mul3A_678 = arith.muli %scan3A_614, %mul3A_677 : i32
      %add3A_679 = arith.addi %add3A_676, %mul3A_678 : i32
      %add3A_680 = vector.broadcast %add3A_679 : i32 to vector<16xi32>
      %add3A_681 = arith.addi %add3A_680, %iota3A : vector<16xi32>
      %mul3A_682 = arith.constant 80 : i32
      %mul3A_683 = arith.muli %scan3A_614, %mul3A_682 : i32
      %add3A_684 = arith.constant 64 : i32
      %add3A_685 = arith.addi %mul3A_683, %add3A_684 : i32
      %swap3A_686 = arith.index_cast %add3A_685 : i32 to index
      %swap3A_687 = tpu.vector_load %arg9[%swap3A_686] {strides = array<i32>} : memref<640xi32, #tpu.memory_space<vmem>>, vector<16xi32>,
      %swap3A_688 = vector.shape_cast %swap3A_687 : vector<16xi32> to vector<16xi32>
      %swap3A_689 = vector.shape_cast %add3A_681 : vector<16xi32> to vector<16xi32>
      tpu.vector_store %arg9[%swap3A_686], %swap3A_689 {strides = array<i32>} : memref<640xi32, #tpu.memory_space<vmem>>, vector<16xi32>,
    }
    %scan3A_8 = arith.constant 8 : i32
    %dma_start3A_9 = arith.constant 0 : i32
    %dma_start3A_10 = arith.constant 0 : i32
    %dma_start3A_11 = arith.constant 0 : i32
    %dma_start3A_12 = tpu.memref_slice %arg11[%dma_start3A_9, %dma_start3A_10, %dma_start3A_11] : memref<3x80x128xf32, #tpu.memory_space<vmem>> -> memref<1x80x128xf32, #tpu.memory_space<vmem>>
    %dma_start3A_13 = tpu.memref_squeeze %dma_start3A_12 : memref<1x80x128xf32, #tpu.memory_space<vmem>> -> memref<80x128xf32, #tpu.memory_space<vmem>>
    %dma_start3A_14 = arith.constant 0 : i32
    %dma_start3A_15 = tpu.memref_slice %arg9[%dma_start3A_14] : memref<640xi32, #tpu.memory_space<vmem>> -> memref<80xi32, #tpu.memory_space<vmem>>
    %dma_start3A_16 = arith.constant 0 : i32
    %dma_start3A_17 = arith.constant 0 : i32
    %dma_start3A_18 = tpu.memref_slice %arg3[%dma_start3A_16, %dma_start3A_17] : memref<20480x128xf32, #tpu.memory_space<hbm>> -> memref<20480x128xf32, #tpu.memory_space<hbm>>
    tpu.enqueue_indirect_dma source(%dma_start3A_18 : memref<20480x128xf32, #tpu.memory_space<hbm>>) target(%dma_start3A_13 : memref<80x128xf32, #tpu.memory_space<vmem>>) offsets(%dma_start3A_15 : memref<80xi32, #tpu.memory_space<vmem>>) semaphore(%arg14 : memref<!tpu.dma_semaphore, #tpu.memory_space<semaphore_mem>>)
    %add3A_19 = arith.constant 0 : i32
    %add3A_20 = arith.addi %mul3A_2, %add3A_19 : i32
    %dma_start3A_21 = arith.constant 0 : i32
    %dma_start3A_22 = arith.constant 0 : i32
    %dma_start3A_23 = arith.constant 0 : i32
    %dma_start3A_24 = tpu.memref_slice %arg12[%dma_start3A_21, %dma_start3A_22, %dma_start3A_23] : memref<3x16x128xf32, #tpu.memory_space<vmem>> -> memref<1x16x128xf32, #tpu.memory_space<vmem>>
    %dma_start3A_25 = tpu.memref_squeeze %dma_start3A_24 : memref<1x16x128xf32, #tpu.memory_space<vmem>> -> memref<16x128xf32, #tpu.memory_space<vmem>>
    %dma_start3A_26 = arith.constant 0 : i32
    %dma_start3A_27 = tpu.memref_slice %arg4[%add3A_20, %dma_start3A_26] : memref<4096x128xf32, #tpu.memory_space<hbm>> -> memref<16x128xf32, #tpu.memory_space<hbm>>
    %dma_start3A_28 = arith.constant 0 : i32
    %dma_start3A_29 = arith.constant 0 : i32
    %dma_start3A_30 = tpu.memref_slice %arg12[%dma_start3A_21, %dma_start3A_28, %dma_start3A_29] : memref<3x16x128xf32, #tpu.memory_space<vmem>> -> memref<1x16x128xf32, #tpu.memory_space<vmem>>
    %dma_start3A_31 = tpu.memref_squeeze %dma_start3A_30 : memref<1x16x128xf32, #tpu.memory_space<vmem>> -> memref<16x128xf32, #tpu.memory_space<vmem>>
    %dma_start3A_32 = arith.constant 0 : i32
    %dma_start3A_33 = tpu.memref_slice %arg4[%add3A_20, %dma_start3A_32] : memref<4096x128xf32, #tpu.memory_space<hbm>> -> memref<16x128xf32, #tpu.memory_space<hbm>>
    tpu.enqueue_dma source(%dma_start3A_33 : memref<16x128xf32, #tpu.memory_space<hbm>>) target(%dma_start3A_31 : memref<16x128xf32, #tpu.memory_space<vmem>>) target_semaphore(%arg14 : memref<!tpu.dma_semaphore, #tpu.memory_space<semaphore_mem>>)
    %dma_wait3A = tpu.memref_slice %arg5[%mul3A_2] : memref<4096xi32, #tpu.memory_space<hbm>> -> memref<128xi32, #tpu.memory_space<hbm>>
    %dma_wait3A_34 = tpu.memref_slice %arg5[%mul3A_2] : memref<4096xi32, #tpu.memory_space<hbm>> -> memref<128xi32, #tpu.memory_space<hbm>>
    tpu.wait_dma2 semaphore(%arg14 : memref<!tpu.dma_semaphore, #tpu.memory_space<semaphore_mem>>) src(%dma_wait3A_34 : memref<128xi32, #tpu.memory_space<hbm>>) dst(%arg7 : memref<128xi32, #tpu.memory_space<vmem>>)
    %scan3A_35 = arith.constant 0 : i32
    %scan3A_36 = arith.constant 0 : i32
    %scan3A_37 = arith.constant 8 : i32
    %scan3A_38 = arith.addi %scan3A_36, %scan3A_37 : i32
    %scan3A_39 = arith.constant 1 : i32
    scf.for %scan3A_614 = %scan3A_36 to %scan3A_38 step %scan3A_39  : i32 {
      %mul3A_615 = arith.constant 16 : i32
      %mul3A_616 = arith.muli %scan3A_614, %mul3A_615 : i32
      %get3A = arith.index_cast %mul3A_616 : i32 to index
      %get3A_617 = tpu.vector_load %arg7[%get3A] {strides = array<i32>} : memref<128xi32, #tpu.memory_space<vmem>>, vector<16xi32>,
      %get3A_618 = vector.shape_cast %get3A_617 : vector<16xi32> to vector<16xi32>
      %add3A_619 = arith.constant 0 : i32
      %add3A_620 = vector.broadcast %add3A_619 : i32 to vector<16xi32>
      %add3A_621 = arith.addi %get3A_618, %add3A_620 : vector<16xi32>
      %mul3A_622 = arith.constant 80 : i32
      %mul3A_623 = arith.muli %scan3A_614, %mul3A_622 : i32
      %add3A_624 = arith.constant 0 : i32
      %add3A_625 = arith.addi %mul3A_623, %add3A_624 : i32
      %swap3A_626 = arith.index_cast %add3A_625 : i32 to index
      %swap3A_627 = tpu.vector_load %arg8[%swap3A_626] {strides = array<i32>} : memref<640xi32, #tpu.memory_space<vmem>>, vector<16xi32>,
      %swap3A_628 = vector.shape_cast %swap3A_627 : vector<16xi32> to vector<16xi32>
      %swap3A_629 = vector.shape_cast %add3A_621 : vector<16xi32> to vector<16xi32>
      tpu.vector_store %arg8[%swap3A_626], %swap3A_629 {strides = array<i32>} : memref<640xi32, #tpu.memory_space<vmem>>, vector<16xi32>,
      %add3A_630 = arith.constant 100000 : i32
      %add3A_631 = vector.broadcast %add3A_630 : i32 to vector<16xi32>
      %add3A_632 = arith.addi %get3A_618, %add3A_631 : vector<16xi32>
      %mul3A_633 = arith.constant 80 : i32
      %mul3A_634 = arith.muli %scan3A_614, %mul3A_633 : i32
      %add3A_635 = arith.constant 16 : i32
      %add3A_636 = arith.addi %mul3A_634, %add3A_635 : i32
      %swap3A_637 = arith.index_cast %add3A_636 : i32 to index
      %swap3A_638 = tpu.vector_load %arg8[%swap3A_637] {strides = array<i32>} : memref<640xi32, #tpu.memory_space<vmem>>, vector<16xi32>,
      %swap3A_639 = vector.shape_cast %swap3A_638 : vector<16xi32> to vector<16xi32>
      %swap3A_640 = vector.shape_cast %add3A_632 : vector<16xi32> to vector<16xi32>
      tpu.vector_store %arg8[%swap3A_637], %swap3A_640 {strides = array<i32>} : memref<640xi32, #tpu.memory_space<vmem>>, vector<16xi32>,
      %add3A_641 = arith.constant 200000 : i32
      %add3A_642 = vector.broadcast %add3A_641 : i32 to vector<16xi32>
      %add3A_643 = arith.addi %get3A_618, %add3A_642 : vector<16xi32>
      %mul3A_644 = arith.constant 80 : i32
      %mul3A_645 = arith.muli %scan3A_614, %mul3A_644 : i32
      %add3A_646 = arith.constant 32 : i32
      %add3A_647 = arith.addi %mul3A_645, %add3A_646 : i32
      %swap3A_648 = arith.index_cast %add3A_647 : i32 to index
      %swap3A_649 = tpu.vector_load %arg8[%swap3A_648] {strides = array<i32>} : memref<640xi32, #tpu.memory_space<vmem>>, vector<16xi32>,
      %swap3A_650 = vector.shape_cast %swap3A_649 : vector<16xi32> to vector<16xi32>
      %swap3A_651 = vector.shape_cast %add3A_643 : vector<16xi32> to vector<16xi32>
      tpu.vector_store %arg8[%swap3A_648], %swap3A_651 {strides = array<i32>} : memref<640xi32, #tpu.memory_space<vmem>>, vector<16xi32>,
      %add3A_652 = arith.constant 300000 : i32
      %add3A_653 = vector.broadcast %add3A_652 : i32 to vector<16xi32>
      %add3A_654 = arith.addi %get3A_618, %add3A_653 : vector<16xi32>
      %mul3A_655 = arith.constant 80 : i32
      %mul3A_656 = arith.muli %scan3A_614, %mul3A_655 : i32
      %add3A_657 = arith.constant 48 : i32
      %add3A_658 = arith.addi %mul3A_656, %add3A_657 : i32
      %swap3A_659 = arith.index_cast %add3A_658 : i32 to index
      %swap3A_660 = tpu.vector_load %arg8[%swap3A_659] {strides = array<i32>} : memref<640xi32, #tpu.memory_space<vmem>>, vector<16xi32>,
      %swap3A_661 = vector.shape_cast %swap3A_660 : vector<16xi32> to vector<16xi32>
      %swap3A_662 = vector.shape_cast %add3A_654 : vector<16xi32> to vector<16xi32>
      tpu.vector_store %arg8[%swap3A_659], %swap3A_662 {strides = array<i32>} : memref<640xi32, #tpu.memory_space<vmem>>, vector<16xi32>,
      %add3A_663 = arith.constant 400000 : i32
      %add3A_664 = vector.broadcast %add3A_663 : i32 to vector<16xi32>
      %add3A_665 = arith.addi %get3A_618, %add3A_664 : vector<16xi32>
      %mul3A_666 = arith.constant 80 : i32
      %mul3A_667 = arith.muli %scan3A_614, %mul3A_666 : i32
      %add3A_668 = arith.constant 64 : i32
      %add3A_669 = arith.addi %mul3A_667, %add3A_668 : i32
      %swap3A_670 = arith.index_cast %add3A_669 : i32 to index
      %swap3A_671 = tpu.vector_load %arg8[%swap3A_670] {strides = array<i32>} : memref<640xi32, #tpu.memory_space<vmem>>, vector<16xi32>,
      %swap3A_672 = vector.shape_cast %swap3A_671 : vector<16xi32> to vector<16xi32>
      %swap3A_673 = vector.shape_cast %add3A_665 : vector<16xi32> to vector<16xi32>
      tpu.vector_store %arg8[%swap3A_670], %swap3A_673 {strides = array<i32>} : memref<640xi32, #tpu.memory_space<vmem>>, vector<16xi32>,
    }
    %scan3A_40 = arith.constant 8 : i32
    %dma_start3A_41 = arith.constant 0 : i32
    %dma_start3A_42 = arith.constant 0 : i32
    %dma_start3A_43 = arith.constant 0 : i32
    %dma_start3A_44 = tpu.memref_slice %arg10[%dma_start3A_41, %dma_start3A_42, %dma_start3A_43] : memref<3x80x128xf32, #tpu.memory_space<vmem>> -> memref<1x80x128xf32, #tpu.memory_space<vmem>>
    %dma_start3A_45 = tpu.memref_squeeze %dma_start3A_44 : memref<1x80x128xf32, #tpu.memory_space<vmem>> -> memref<80x128xf32, #tpu.memory_space<vmem>>
    %dma_start3A_46 = arith.constant 0 : i32
    %dma_start3A_47 = tpu.memref_slice %arg8[%dma_start3A_46] : memref<640xi32, #tpu.memory_space<vmem>> -> memref<80xi32, #tpu.memory_space<vmem>>
    %dma_start3A_48 = arith.constant 0 : i32
    %dma_start3A_49 = arith.constant 0 : i32
    %dma_start3A_50 = tpu.memref_slice %arg2[%dma_start3A_48, %dma_start3A_49] : memref<500000x128xf32, #tpu.memory_space<hbm>> -> memref<500000x128xf32, #tpu.memory_space<hbm>>
    tpu.enqueue_indirect_dma source(%dma_start3A_50 : memref<500000x128xf32, #tpu.memory_space<hbm>>) target(%dma_start3A_45 : memref<80x128xf32, #tpu.memory_space<vmem>>) offsets(%dma_start3A_47 : memref<80xi32, #tpu.memory_space<vmem>>) semaphore(%arg14 : memref<!tpu.dma_semaphore, #tpu.memory_space<semaphore_mem>>)
    %dma_start3A_51 = arith.constant 1 : i32
    %dma_start3A_52 = arith.constant 0 : i32
    %dma_start3A_53 = arith.constant 0 : i32
    %dma_start3A_54 = tpu.memref_slice %arg10[%dma_start3A_51, %dma_start3A_52, %dma_start3A_53] : memref<3x80x128xf32, #tpu.memory_space<vmem>> -> memref<1x80x128xf32, #tpu.memory_space<vmem>>
    %dma_start3A_55 = tpu.memref_squeeze %dma_start3A_54 : memref<1x80x128xf32, #tpu.memory_space<vmem>> -> memref<80x128xf32, #tpu.memory_space<vmem>>
    %dma_start3A_56 = arith.constant 80 : i32
    %dma_start3A_57 = tpu.memref_slice %arg8[%dma_start3A_56] : memref<640xi32, #tpu.memory_space<vmem>> -> memref<80xi32, #tpu.memory_space<vmem>>
    %dma_start3A_58 = arith.constant 0 : i32
    %dma_start3A_59 = arith.constant 0 : i32
    %dma_start3A_60 = tpu.memref_slice %arg2[%dma_start3A_58, %dma_start3A_59] : memref<500000x128xf32, #tpu.memory_space<hbm>> -> memref<500000x128xf32, #tpu.memory_space<hbm>>
    tpu.enqueue_indirect_dma source(%dma_start3A_60 : memref<500000x128xf32, #tpu.memory_space<hbm>>) target(%dma_start3A_55 : memref<80x128xf32, #tpu.memory_space<vmem>>) offsets(%dma_start3A_57 : memref<80xi32, #tpu.memory_space<vmem>>) semaphore(%arg15 : memref<!tpu.dma_semaphore, #tpu.memory_space<semaphore_mem>>)
    %dma_start3A_61 = arith.constant 1 : i32
    %dma_start3A_62 = arith.constant 0 : i32
    %dma_start3A_63 = arith.constant 0 : i32
    %dma_start3A_64 = tpu.memref_slice %arg11[%dma_start3A_61, %dma_start3A_62, %dma_start3A_63] : memref<3x80x128xf32, #tpu.memory_space<vmem>> -> memref<1x80x128xf32, #tpu.memory_space<vmem>>
    %dma_start3A_65 = tpu.memref_squeeze %dma_start3A_64 : memref<1x80x128xf32, #tpu.memory_space<vmem>> -> memref<80x128xf32, #tpu.memory_space<vmem>>
    %dma_start3A_66 = arith.constant 80 : i32
    %dma_start3A_67 = tpu.memref_slice %arg9[%dma_start3A_66] : memref<640xi32, #tpu.memory_space<vmem>> -> memref<80xi32, #tpu.memory_space<vmem>>
    %dma_start3A_68 = arith.constant 0 : i32
    %dma_start3A_69 = arith.constant 0 : i32
    %dma_start3A_70 = tpu.memref_slice %arg3[%dma_start3A_68, %dma_start3A_69] : memref<20480x128xf32, #tpu.memory_space<hbm>> -> memref<20480x128xf32, #tpu.memory_space<hbm>>
    tpu.enqueue_indirect_dma source(%dma_start3A_70 : memref<20480x128xf32, #tpu.memory_space<hbm>>) target(%dma_start3A_65 : memref<80x128xf32, #tpu.memory_space<vmem>>) offsets(%dma_start3A_67 : memref<80xi32, #tpu.memory_space<vmem>>) semaphore(%arg15 : memref<!tpu.dma_semaphore, #tpu.memory_space<semaphore_mem>>)
    %add3A_71 = arith.constant 16 : i32
    %add3A_72 = arith.addi %mul3A_2, %add3A_71 : i32
    %dma_start3A_73 = arith.constant 1 : i32
    %dma_start3A_74 = arith.constant 0 : i32
    %dma_start3A_75 = arith.constant 0 : i32
    %dma_start3A_76 = tpu.memref_slice %arg12[%dma_start3A_73, %dma_start3A_74, %dma_start3A_75] : memref<3x16x128xf32, #tpu.memory_space<vmem>> -> memref<1x16x128xf32, #tpu.memory_space<vmem>>
    %dma_start3A_77 = tpu.memref_squeeze %dma_start3A_76 : memref<1x16x128xf32, #tpu.memory_space<vmem>> -> memref<16x128xf32, #tpu.memory_space<vmem>>
    %dma_start3A_78 = arith.constant 0 : i32
    %dma_start3A_79 = tpu.memref_slice %arg4[%add3A_72, %dma_start3A_78] : memref<4096x128xf32, #tpu.memory_space<hbm>> -> memref<16x128xf32, #tpu.memory_space<hbm>>
    %dma_start3A_80 = arith.constant 0 : i32
    %dma_start3A_81 = arith.constant 0 : i32
    %dma_start3A_82 = tpu.memref_slice %arg12[%dma_start3A_73, %dma_start3A_80, %dma_start3A_81] : memref<3x16x128xf32, #tpu.memory_space<vmem>> -> memref<1x16x128xf32, #tpu.memory_space<vmem>>
    %dma_start3A_83 = tpu.memref_squeeze %dma_start3A_82 : memref<1x16x128xf32, #tpu.memory_space<vmem>> -> memref<16x128xf32, #tpu.memory_space<vmem>>
    %dma_start3A_84 = arith.constant 0 : i32
    %dma_start3A_85 = tpu.memref_slice %arg4[%add3A_72, %dma_start3A_84] : memref<4096x128xf32, #tpu.memory_space<hbm>> -> memref<16x128xf32, #tpu.memory_space<hbm>>
    tpu.enqueue_dma source(%dma_start3A_85 : memref<16x128xf32, #tpu.memory_space<hbm>>) target(%dma_start3A_83 : memref<16x128xf32, #tpu.memory_space<vmem>>) target_semaphore(%arg15 : memref<!tpu.dma_semaphore, #tpu.memory_space<semaphore_mem>>)
    %broadcast_in_dim3A = arith.constant 0.000000e+00 : f32
    %broadcast_in_dim3A_86 = vector.broadcast %broadcast_in_dim3A : f32 to vector<16xf32>
    %dma_start3A_87 = arith.constant 2 : i32
    %dma_start3A_88 = arith.constant 0 : i32
    %dma_start3A_89 = arith.constant 0 : i32
    %dma_start3A_90 = tpu.memref_slice %arg10[%dma_start3A_87, %dma_start3A_88, %dma_start3A_89] : memref<3x80x128xf32, #tpu.memory_space<vmem>> -> memref<1x80x128xf32, #tpu.memory_space<vmem>>
    %dma_start3A_91 = tpu.memref_squeeze %dma_start3A_90 : memref<1x80x128xf32, #tpu.memory_space<vmem>> -> memref<80x128xf32, #tpu.memory_space<vmem>>
    %dma_start3A_92 = arith.constant 160 : i32
    %dma_start3A_93 = tpu.memref_slice %arg8[%dma_start3A_92] : memref<640xi32, #tpu.memory_space<vmem>> -> memref<80xi32, #tpu.memory_space<vmem>>
    %dma_start3A_94 = arith.constant 0 : i32
    %dma_start3A_95 = arith.constant 0 : i32
    %dma_start3A_96 = tpu.memref_slice %arg2[%dma_start3A_94, %dma_start3A_95] : memref<500000x128xf32, #tpu.memory_space<hbm>> -> memref<500000x128xf32, #tpu.memory_space<hbm>>
    tpu.enqueue_indirect_dma source(%dma_start3A_96 : memref<500000x128xf32, #tpu.memory_space<hbm>>) target(%dma_start3A_91 : memref<80x128xf32, #tpu.memory_space<vmem>>) offsets(%dma_start3A_93 : memref<80xi32, #tpu.memory_space<vmem>>) semaphore(%arg16 : memref<!tpu.dma_semaphore, #tpu.memory_space<semaphore_mem>>)
    %dma_start3A_97 = arith.constant 2 : i32
    %dma_start3A_98 = arith.constant 0 : i32
    %dma_start3A_99 = arith.constant 0 : i32
    %dma_start3A_100 = tpu.memref_slice %arg11[%dma_start3A_97, %dma_start3A_98, %dma_start3A_99] : memref<3x80x128xf32, #tpu.memory_space<vmem>> -> memref<1x80x128xf32, #tpu.memory_space<vmem>>
    %dma_start3A_101 = tpu.memref_squeeze %dma_start3A_100 : memref<1x80x128xf32, #tpu.memory_space<vmem>> -> memref<80x128xf32, #tpu.memory_space<vmem>>
    %dma_start3A_102 = arith.constant 160 : i32
    %dma_start3A_103 = tpu.memref_slice %arg9[%dma_start3A_102] : memref<640xi32, #tpu.memory_space<vmem>> -> memref<80xi32, #tpu.memory_space<vmem>>
    %dma_start3A_104 = arith.constant 0 : i32
    %dma_start3A_105 = arith.constant 0 : i32
    %dma_start3A_106 = tpu.memref_slice %arg3[%dma_start3A_104, %dma_start3A_105] : memref<20480x128xf32, #tpu.memory_space<hbm>> -> memref<20480x128xf32, #tpu.memory_space<hbm>>
    tpu.enqueue_indirect_dma source(%dma_start3A_106 : memref<20480x128xf32, #tpu.memory_space<hbm>>) target(%dma_start3A_101 : memref<80x128xf32, #tpu.memory_space<vmem>>) offsets(%dma_start3A_103 : memref<80xi32, #tpu.memory_space<vmem>>) semaphore(%arg16 : memref<!tpu.dma_semaphore, #tpu.memory_space<semaphore_mem>>)
    %add3A_107 = arith.constant 32 : i32
    %add3A_108 = arith.addi %mul3A_2, %add3A_107 : i32
    %dma_start3A_109 = arith.constant 2 : i32
    %dma_start3A_110 = arith.constant 0 : i32
    %dma_start3A_111 = arith.constant 0 : i32
    %dma_start3A_112 = tpu.memref_slice %arg12[%dma_start3A_109, %dma_start3A_110, %dma_start3A_111] : memref<3x16x128xf32, #tpu.memory_space<vmem>> -> memref<1x16x128xf32, #tpu.memory_space<vmem>>
    %dma_start3A_113 = tpu.memref_squeeze %dma_start3A_112 : memref<1x16x128xf32, #tpu.memory_space<vmem>> -> memref<16x128xf32, #tpu.memory_space<vmem>>
    %dma_start3A_114 = arith.constant 0 : i32
    %dma_start3A_115 = tpu.memref_slice %arg4[%add3A_108, %dma_start3A_114] : memref<4096x128xf32, #tpu.memory_space<hbm>> -> memref<16x128xf32, #tpu.memory_space<hbm>>
    %dma_start3A_116 = arith.constant 0 : i32
    %dma_start3A_117 = arith.constant 0 : i32
    %dma_start3A_118 = tpu.memref_slice %arg12[%dma_start3A_109, %dma_start3A_116, %dma_start3A_117] : memref<3x16x128xf32, #tpu.memory_space<vmem>> -> memref<1x16x128xf32, #tpu.memory_space<vmem>>
    %dma_start3A_119 = tpu.memref_squeeze %dma_start3A_118 : memref<1x16x128xf32, #tpu.memory_space<vmem>> -> memref<16x128xf32, #tpu.memory_space<vmem>>
    %dma_start3A_120 = arith.constant 0 : i32
    %dma_start3A_121 = tpu.memref_slice %arg4[%add3A_108, %dma_start3A_120] : memref<4096x128xf32, #tpu.memory_space<hbm>> -> memref<16x128xf32, #tpu.memory_space<hbm>>
    tpu.enqueue_dma source(%dma_start3A_121 : memref<16x128xf32, #tpu.memory_space<hbm>>) target(%dma_start3A_119 : memref<16x128xf32, #tpu.memory_space<vmem>>) target_semaphore(%arg16 : memref<!tpu.dma_semaphore, #tpu.memory_space<semaphore_mem>>)
    %dma_wait3A_122 = arith.constant 0 : i32
    %dma_wait3A_123 = arith.constant 0 : i32
    %dma_wait3A_124 = arith.constant 0 : i32
    %dma_wait3A_125 = tpu.memref_slice %arg10[%dma_wait3A_122, %dma_wait3A_123, %dma_wait3A_124] : memref<3x80x128xf32, #tpu.memory_space<vmem>> -> memref<1x80x128xf32, #tpu.memory_space<vmem>>
    %dma_wait3A_126 = tpu.memref_squeeze %dma_wait3A_125 : memref<1x80x128xf32, #tpu.memory_space<vmem>> -> memref<80x128xf32, #tpu.memory_space<vmem>>
    %dma_wait3A_127 = arith.constant 0 : i32
    %dma_wait3A_128 = tpu.memref_slice %arg8[%dma_wait3A_127] : memref<640xi32, #tpu.memory_space<vmem>> -> memref<80xi32, #tpu.memory_space<vmem>>
    %dma_wait3A_129 = arith.constant 0 : i32
    %dma_wait3A_130 = arith.constant 0 : i32
    %dma_wait3A_131 = tpu.memref_slice %arg2[%dma_wait3A_129, %dma_wait3A_130] : memref<500000x128xf32, #tpu.memory_space<hbm>> -> memref<500000x128xf32, #tpu.memory_space<hbm>>
    tpu.wait_indirect_dma semaphore(%arg14 : memref<!tpu.dma_semaphore, #tpu.memory_space<semaphore_mem>>) src(%dma_wait3A_131 : memref<500000x128xf32, #tpu.memory_space<hbm>>) dst(%dma_wait3A_126 : memref<80x128xf32, #tpu.memory_space<vmem>>)
    %dma_wait3A_132 = arith.constant 0 : i32
    %dma_wait3A_133 = arith.constant 0 : i32
    %dma_wait3A_134 = arith.constant 0 : i32
    %dma_wait3A_135 = tpu.memref_slice %arg11[%dma_wait3A_132, %dma_wait3A_133, %dma_wait3A_134] : memref<3x80x128xf32, #tpu.memory_space<vmem>> -> memref<1x80x128xf32, #tpu.memory_space<vmem>>
    %dma_wait3A_136 = tpu.memref_squeeze %dma_wait3A_135 : memref<1x80x128xf32, #tpu.memory_space<vmem>> -> memref<80x128xf32, #tpu.memory_space<vmem>>
    %dma_wait3A_137 = arith.constant 0 : i32
    %dma_wait3A_138 = tpu.memref_slice %arg9[%dma_wait3A_137] : memref<640xi32, #tpu.memory_space<vmem>> -> memref<80xi32, #tpu.memory_space<vmem>>
    %dma_wait3A_139 = arith.constant 0 : i32
    %dma_wait3A_140 = arith.constant 0 : i32
    %dma_wait3A_141 = tpu.memref_slice %arg3[%dma_wait3A_139, %dma_wait3A_140] : memref<20480x128xf32, #tpu.memory_space<hbm>> -> memref<20480x128xf32, #tpu.memory_space<hbm>>
    tpu.wait_indirect_dma semaphore(%arg14 : memref<!tpu.dma_semaphore, #tpu.memory_space<semaphore_mem>>) src(%dma_wait3A_141 : memref<20480x128xf32, #tpu.memory_space<hbm>>) dst(%dma_wait3A_136 : memref<80x128xf32, #tpu.memory_space<vmem>>)
    %dma_wait3A_142 = arith.constant 0 : i32
    %dma_wait3A_143 = arith.constant 0 : i32
    %dma_wait3A_144 = arith.constant 0 : i32
    %dma_wait3A_145 = tpu.memref_slice %arg12[%dma_wait3A_142, %dma_wait3A_143, %dma_wait3A_144] : memref<3x16x128xf32, #tpu.memory_space<vmem>> -> memref<1x16x128xf32, #tpu.memory_space<vmem>>
    %dma_wait3A_146 = tpu.memref_squeeze %dma_wait3A_145 : memref<1x16x128xf32, #tpu.memory_space<vmem>> -> memref<16x128xf32, #tpu.memory_space<vmem>>
    %dma_wait3A_147 = arith.constant 0 : i32
    %dma_wait3A_148 = tpu.memref_slice %arg4[%add3A_20, %dma_wait3A_147] : memref<4096x128xf32, #tpu.memory_space<hbm>> -> memref<16x128xf32, #tpu.memory_space<hbm>>
    %dma_wait3A_149 = arith.constant 0 : i32
    %dma_wait3A_150 = arith.constant 0 : i32
    %dma_wait3A_151 = tpu.memref_slice %arg12[%dma_wait3A_142, %dma_wait3A_149, %dma_wait3A_150] : memref<3x16x128xf32, #tpu.memory_space<vmem>> -> memref<1x16x128xf32, #tpu.memory_space<vmem>>
    %dma_wait3A_152 = tpu.memref_squeeze %dma_wait3A_151 : memref<1x16x128xf32, #tpu.memory_space<vmem>> -> memref<16x128xf32, #tpu.memory_space<vmem>>
    %dma_wait3A_153 = arith.constant 0 : i32
    %dma_wait3A_154 = tpu.memref_slice %arg4[%add3A_20, %dma_wait3A_153] : memref<4096x128xf32, #tpu.memory_space<hbm>> -> memref<16x128xf32, #tpu.memory_space<hbm>>
    tpu.wait_dma2 semaphore(%arg14 : memref<!tpu.dma_semaphore, #tpu.memory_space<semaphore_mem>>) src(%dma_wait3A_154 : memref<16x128xf32, #tpu.memory_space<hbm>>) dst(%dma_wait3A_152 : memref<16x128xf32, #tpu.memory_space<vmem>>)
    %scan3A_155 = arith.constant 0 : i32
    %scan3A_156 = arith.constant 16 : i32
    %scan3A_157 = arith.addi %scan3A_155, %scan3A_156 : i32
    %scan3A_158 = arith.constant 1 : i32
    %scan3A_159 = scf.for %scan3A_614 = %scan3A_155 to %scan3A_157 step %scan3A_158 iter_args(%scan3A_615 = %broadcast_in_dim3A_86) -> (vector<16xf32>)  : i32 {
      %scan3A_616 = arith.constant 0 : i32
      %scan3A_617 = arith.constant 8 : i32
      %scan3A_618 = arith.addi %scan3A_616, %scan3A_617 : i32
      %scan3A_619 = arith.constant 1 : i32
      %scan3A_620 = scf.for %scan3A_622 = %scan3A_616 to %scan3A_618 step %scan3A_619 iter_args(%scan3A_623 = %scan3A_615) -> (vector<16xf32>)  : i32 {
        %mul3A_624 = arith.constant 16 : i32
        %mul3A_625 = arith.muli %scan3A_622, %mul3A_624 : i32
        %get3A = arith.constant 0 : i32
        %get3A_626 = arith.index_cast %get3A : i32 to index
        %get3A_627 = arith.index_cast %scan3A_614 : i32 to index
        %get3A_628 = arith.index_cast %mul3A_625 : i32 to index
        %get3A_629 = tpu.vector_load %arg12[%get3A_626, %get3A_627, %get3A_628] {strides = array<i32>} : memref<3x16x128xf32, #tpu.memory_space<vmem>>, vector<1x1x16xf32>,
        %get3A_630 = vector.shape_cast %get3A_629 : vector<1x1x16xf32> to vector<16xf32>
        %add3A_631 = arith.constant 0 : i32
        %add3A_632 = arith.addi %add3A_631, %scan3A_614 : i32
        %mul3A_633 = arith.constant 16 : i32
        %mul3A_634 = arith.muli %scan3A_622, %mul3A_633 : i32
        %get3A_635 = arith.constant 0 : i32
        %get3A_636 = arith.index_cast %get3A_635 : i32 to index
        %get3A_637 = arith.index_cast %add3A_632 : i32 to index
        %get3A_638 = arith.index_cast %mul3A_634 : i32 to index
        %get3A_639 = tpu.vector_load %arg10[%get3A_636, %get3A_637, %get3A_638] {strides = array<i32>} : memref<3x80x128xf32, #tpu.memory_space<vmem>>, vector<1x1x16xf32>,
        %get3A_640 = vector.shape_cast %get3A_639 : vector<1x1x16xf32> to vector<16xf32>
        %mul3A_641 = arith.constant 16 : i32
        %mul3A_642 = arith.muli %scan3A_622, %mul3A_641 : i32
        %get3A_643 = arith.constant 0 : i32
        %get3A_644 = arith.index_cast %get3A_643 : i32 to index
        %get3A_645 = arith.index_cast %add3A_632 : i32 to index
        %get3A_646 = arith.index_cast %mul3A_642 : i32 to index
        %get3A_647 = tpu.vector_load %arg11[%get3A_644, %get3A_645, %get3A_646] {strides = array<i32>} : memref<3x80x128xf32, #tpu.memory_space<vmem>>, vector<1x1x16xf32>,
        %get3A_648 = vector.shape_cast %get3A_647 : vector<1x1x16xf32> to vector<16xf32>
        %mul3A_649 = arith.mulf %get3A_640, %get3A_648 : vector<16xf32>
        %mul3A_650 = arith.mulf %mul3A_649, %get3A_630 : vector<16xf32>
        %add3A_651 = arith.addf %scan3A_623, %mul3A_650 : vector<16xf32>
        %add3A_652 = arith.constant 16 : i32
        %add3A_653 = arith.addi %add3A_652, %scan3A_614 : i32
        %mul3A_654 = arith.constant 16 : i32
        %mul3A_655 = arith.muli %scan3A_622, %mul3A_654 : i32
        %get3A_656 = arith.constant 0 : i32
        %get3A_657 = arith.index_cast %get3A_656 : i32 to index
        %get3A_658 = arith.index_cast %add3A_653 : i32 to index
        %get3A_659 = arith.index_cast %mul3A_655 : i32 to index
        %get3A_660 = tpu.vector_load %arg10[%get3A_657, %get3A_658, %get3A_659] {strides = array<i32>} : memref<3x80x128xf32, #tpu.memory_space<vmem>>, vector<1x1x16xf32>,
        %get3A_661 = vector.shape_cast %get3A_660 : vector<1x1x16xf32> to vector<16xf32>
        %mul3A_662 = arith.constant 16 : i32
        %mul3A_663 = arith.muli %scan3A_622, %mul3A_662 : i32
        %get3A_664 = arith.constant 0 : i32
        %get3A_665 = arith.index_cast %get3A_664 : i32 to index
        %get3A_666 = arith.index_cast %add3A_653 : i32 to index
        %get3A_667 = arith.index_cast %mul3A_663 : i32 to index
        %get3A_668 = tpu.vector_load %arg11[%get3A_665, %get3A_666, %get3A_667] {strides = array<i32>} : memref<3x80x128xf32, #tpu.memory_space<vmem>>, vector<1x1x16xf32>,
        %get3A_669 = vector.shape_cast %get3A_668 : vector<1x1x16xf32> to vector<16xf32>
        %mul3A_670 = arith.mulf %get3A_661, %get3A_669 : vector<16xf32>
        %mul3A_671 = arith.mulf %mul3A_670, %get3A_630 : vector<16xf32>
        %add3A_672 = arith.addf %add3A_651, %mul3A_671 : vector<16xf32>
        %add3A_673 = arith.constant 32 : i32
        %add3A_674 = arith.addi %add3A_673, %scan3A_614 : i32
        %mul3A_675 = arith.constant 16 : i32
        %mul3A_676 = arith.muli %scan3A_622, %mul3A_675 : i32
        %get3A_677 = arith.constant 0 : i32
        %get3A_678 = arith.index_cast %get3A_677 : i32 to index
        %get3A_679 = arith.index_cast %add3A_674 : i32 to index
        %get3A_680 = arith.index_cast %mul3A_676 : i32 to index
        %get3A_681 = tpu.vector_load %arg10[%get3A_678, %get3A_679, %get3A_680] {strides = array<i32>} : memref<3x80x128xf32, #tpu.memory_space<vmem>>, vector<1x1x16xf32>,
        %get3A_682 = vector.shape_cast %get3A_681 : vector<1x1x16xf32> to vector<16xf32>
        %mul3A_683 = arith.constant 16 : i32
        %mul3A_684 = arith.muli %scan3A_622, %mul3A_683 : i32
        %get3A_685 = arith.constant 0 : i32
        %get3A_686 = arith.index_cast %get3A_685 : i32 to index
        %get3A_687 = arith.index_cast %add3A_674 : i32 to index
        %get3A_688 = arith.index_cast %mul3A_684 : i32 to index
        %get3A_689 = tpu.vector_load %arg11[%get3A_686, %get3A_687, %get3A_688] {strides = array<i32>} : memref<3x80x128xf32, #tpu.memory_space<vmem>>, vector<1x1x16xf32>,
        %get3A_690 = vector.shape_cast %get3A_689 : vector<1x1x16xf32> to vector<16xf32>
        %mul3A_691 = arith.mulf %get3A_682, %get3A_690 : vector<16xf32>
        %mul3A_692 = arith.mulf %mul3A_691, %get3A_630 : vector<16xf32>
        %add3A_693 = arith.addf %add3A_672, %mul3A_692 : vector<16xf32>
        %add3A_694 = arith.constant 48 : i32
        %add3A_695 = arith.addi %add3A_694, %scan3A_614 : i32
        %mul3A_696 = arith.constant 16 : i32
        %mul3A_697 = arith.muli %scan3A_622, %mul3A_696 : i32
        %get3A_698 = arith.constant 0 : i32
        %get3A_699 = arith.index_cast %get3A_698 : i32 to index
        %get3A_700 = arith.index_cast %add3A_695 : i32 to index
        %get3A_701 = arith.index_cast %mul3A_697 : i32 to index
        %get3A_702 = tpu.vector_load %arg10[%get3A_699, %get3A_700, %get3A_701] {strides = array<i32>} : memref<3x80x128xf32, #tpu.memory_space<vmem>>, vector<1x1x16xf32>,
        %get3A_703 = vector.shape_cast %get3A_702 : vector<1x1x16xf32> to vector<16xf32>
        %mul3A_704 = arith.constant 16 : i32
        %mul3A_705 = arith.muli %scan3A_622, %mul3A_704 : i32
        %get3A_706 = arith.constant 0 : i32
        %get3A_707 = arith.index_cast %get3A_706 : i32 to index
        %get3A_708 = arith.index_cast %add3A_695 : i32 to index
        %get3A_709 = arith.index_cast %mul3A_705 : i32 to index
        %get3A_710 = tpu.vector_load %arg11[%get3A_707, %get3A_708, %get3A_709] {strides = array<i32>} : memref<3x80x128xf32, #tpu.memory_space<vmem>>, vector<1x1x16xf32>,
        %get3A_711 = vector.shape_cast %get3A_710 : vector<1x1x16xf32> to vector<16xf32>
        %mul3A_712 = arith.mulf %get3A_703, %get3A_711 : vector<16xf32>
        %mul3A_713 = arith.mulf %mul3A_712, %get3A_630 : vector<16xf32>
        %add3A_714 = arith.addf %add3A_693, %mul3A_713 : vector<16xf32>
        %add3A_715 = arith.constant 64 : i32
        %add3A_716 = arith.addi %add3A_715, %scan3A_614 : i32
        %mul3A_717 = arith.constant 16 : i32
        %mul3A_718 = arith.muli %scan3A_622, %mul3A_717 : i32
        %get3A_719 = arith.constant 0 : i32
        %get3A_720 = arith.index_cast %get3A_719 : i32 to index
        %get3A_721 = arith.index_cast %add3A_716 : i32 to index
        %get3A_722 = arith.index_cast %mul3A_718 : i32 to index
        %get3A_723 = tpu.vector_load %arg10[%get3A_720, %get3A_721, %get3A_722] {strides = array<i32>} : memref<3x80x128xf32, #tpu.memory_space<vmem>>, vector<1x1x16xf32>,
        %get3A_724 = vector.shape_cast %get3A_723 : vector<1x1x16xf32> to vector<16xf32>
        %mul3A_725 = arith.constant 16 : i32
        %mul3A_726 = arith.muli %scan3A_622, %mul3A_725 : i32
        %get3A_727 = arith.constant 0 : i32
        %get3A_728 = arith.index_cast %get3A_727 : i32 to index
        %get3A_729 = arith.index_cast %add3A_716 : i32 to index
        %get3A_730 = arith.index_cast %mul3A_726 : i32 to index
        %get3A_731 = tpu.vector_load %arg11[%get3A_728, %get3A_729, %get3A_730] {strides = array<i32>} : memref<3x80x128xf32, #tpu.memory_space<vmem>>, vector<1x1x16xf32>,
        %get3A_732 = vector.shape_cast %get3A_731 : vector<1x1x16xf32> to vector<16xf32>
        %mul3A_733 = arith.mulf %get3A_724, %get3A_732 : vector<16xf32>
        %mul3A_734 = arith.mulf %mul3A_733, %get3A_630 : vector<16xf32>
        %add3A_735 = arith.addf %add3A_714, %mul3A_734 : vector<16xf32>
        scf.yield %add3A_735 : vector<16xf32>
      }
      %scan3A_621 = arith.constant 8 : i32
      scf.yield %scan3A_620 : vector<16xf32>
    }
    %scan3A_160 = arith.constant 16 : i32
    %dma_start3A_161 = arith.constant 0 : i32
    %dma_start3A_162 = arith.constant 0 : i32
    %dma_start3A_163 = arith.constant 0 : i32
    %dma_start3A_164 = tpu.memref_slice %arg10[%dma_start3A_161, %dma_start3A_162, %dma_start3A_163] : memref<3x80x128xf32, #tpu.memory_space<vmem>> -> memref<1x80x128xf32, #tpu.memory_space<vmem>>
    %dma_start3A_165 = tpu.memref_squeeze %dma_start3A_164 : memref<1x80x128xf32, #tpu.memory_space<vmem>> -> memref<80x128xf32, #tpu.memory_space<vmem>>
    %dma_start3A_166 = arith.constant 240 : i32
    %dma_start3A_167 = tpu.memref_slice %arg8[%dma_start3A_166] : memref<640xi32, #tpu.memory_space<vmem>> -> memref<80xi32, #tpu.memory_space<vmem>>
    %dma_start3A_168 = arith.constant 0 : i32
    %dma_start3A_169 = arith.constant 0 : i32
    %dma_start3A_170 = tpu.memref_slice %arg2[%dma_start3A_168, %dma_start3A_169] : memref<500000x128xf32, #tpu.memory_space<hbm>> -> memref<500000x128xf32, #tpu.memory_space<hbm>>
    tpu.enqueue_indirect_dma source(%dma_start3A_170 : memref<500000x128xf32, #tpu.memory_space<hbm>>) target(%dma_start3A_165 : memref<80x128xf32, #tpu.memory_space<vmem>>) offsets(%dma_start3A_167 : memref<80xi32, #tpu.memory_space<vmem>>) semaphore(%arg14 : memref<!tpu.dma_semaphore, #tpu.memory_space<semaphore_mem>>)
    %dma_start3A_171 = arith.constant 0 : i32
    %dma_start3A_172 = arith.constant 0 : i32
    %dma_start3A_173 = arith.constant 0 : i32
    %dma_start3A_174 = tpu.memref_slice %arg11[%dma_start3A_171, %dma_start3A_172, %dma_start3A_173] : memref<3x80x128xf32, #tpu.memory_space<vmem>> -> memref<1x80x128xf32, #tpu.memory_space<vmem>>
    %dma_start3A_175 = tpu.memref_squeeze %dma_start3A_174 : memref<1x80x128xf32, #tpu.memory_space<vmem>> -> memref<80x128xf32, #tpu.memory_space<vmem>>
    %dma_start3A_176 = arith.constant 240 : i32
    %dma_start3A_177 = tpu.memref_slice %arg9[%dma_start3A_176] : memref<640xi32, #tpu.memory_space<vmem>> -> memref<80xi32, #tpu.memory_space<vmem>>
    %dma_start3A_178 = arith.constant 0 : i32
    %dma_start3A_179 = arith.constant 0 : i32
    %dma_start3A_180 = tpu.memref_slice %arg3[%dma_start3A_178, %dma_start3A_179] : memref<20480x128xf32, #tpu.memory_space<hbm>> -> memref<20480x128xf32, #tpu.memory_space<hbm>>
    tpu.enqueue_indirect_dma source(%dma_start3A_180 : memref<20480x128xf32, #tpu.memory_space<hbm>>) target(%dma_start3A_175 : memref<80x128xf32, #tpu.memory_space<vmem>>) offsets(%dma_start3A_177 : memref<80xi32, #tpu.memory_space<vmem>>) semaphore(%arg14 : memref<!tpu.dma_semaphore, #tpu.memory_space<semaphore_mem>>)
    %add3A_181 = arith.constant 48 : i32
    %add3A_182 = arith.addi %mul3A_2, %add3A_181 : i32
    %dma_start3A_183 = arith.constant 0 : i32
    %dma_start3A_184 = arith.constant 0 : i32
    %dma_start3A_185 = arith.constant 0 : i32
    %dma_start3A_186 = tpu.memref_slice %arg12[%dma_start3A_183, %dma_start3A_184, %dma_start3A_185] : memref<3x16x128xf32, #tpu.memory_space<vmem>> -> memref<1x16x128xf32, #tpu.memory_space<vmem>>
    %dma_start3A_187 = tpu.memref_squeeze %dma_start3A_186 : memref<1x16x128xf32, #tpu.memory_space<vmem>> -> memref<16x128xf32, #tpu.memory_space<vmem>>
    %dma_start3A_188 = arith.constant 0 : i32
    %dma_start3A_189 = tpu.memref_slice %arg4[%add3A_182, %dma_start3A_188] : memref<4096x128xf32, #tpu.memory_space<hbm>> -> memref<16x128xf32, #tpu.memory_space<hbm>>
    %dma_start3A_190 = arith.constant 0 : i32
    %dma_start3A_191 = arith.constant 0 : i32
    %dma_start3A_192 = tpu.memref_slice %arg12[%dma_start3A_183, %dma_start3A_190, %dma_start3A_191] : memref<3x16x128xf32, #tpu.memory_space<vmem>> -> memref<1x16x128xf32, #tpu.memory_space<vmem>>
    %dma_start3A_193 = tpu.memref_squeeze %dma_start3A_192 : memref<1x16x128xf32, #tpu.memory_space<vmem>> -> memref<16x128xf32, #tpu.memory_space<vmem>>
    %dma_start3A_194 = arith.constant 0 : i32
    %dma_start3A_195 = tpu.memref_slice %arg4[%add3A_182, %dma_start3A_194] : memref<4096x128xf32, #tpu.memory_space<hbm>> -> memref<16x128xf32, #tpu.memory_space<hbm>>
    tpu.enqueue_dma source(%dma_start3A_195 : memref<16x128xf32, #tpu.memory_space<hbm>>) target(%dma_start3A_193 : memref<16x128xf32, #tpu.memory_space<vmem>>) target_semaphore(%arg14 : memref<!tpu.dma_semaphore, #tpu.memory_space<semaphore_mem>>)
    %dma_wait3A_196 = arith.constant 1 : i32
    %dma_wait3A_197 = arith.constant 0 : i32
    %dma_wait3A_198 = arith.constant 0 : i32
    %dma_wait3A_199 = tpu.memref_slice %arg10[%dma_wait3A_196, %dma_wait3A_197, %dma_wait3A_198] : memref<3x80x128xf32, #tpu.memory_space<vmem>> -> memref<1x80x128xf32, #tpu.memory_space<vmem>>
    %dma_wait3A_200 = tpu.memref_squeeze %dma_wait3A_199 : memref<1x80x128xf32, #tpu.memory_space<vmem>> -> memref<80x128xf32, #tpu.memory_space<vmem>>
    %dma_wait3A_201 = arith.constant 80 : i32
    %dma_wait3A_202 = tpu.memref_slice %arg8[%dma_wait3A_201] : memref<640xi32, #tpu.memory_space<vmem>> -> memref<80xi32, #tpu.memory_space<vmem>>
    %dma_wait3A_203 = arith.constant 0 : i32
    %dma_wait3A_204 = arith.constant 0 : i32
    %dma_wait3A_205 = tpu.memref_slice %arg2[%dma_wait3A_203, %dma_wait3A_204] : memref<500000x128xf32, #tpu.memory_space<hbm>> -> memref<500000x128xf32, #tpu.memory_space<hbm>>
    tpu.wait_indirect_dma semaphore(%arg15 : memref<!tpu.dma_semaphore, #tpu.memory_space<semaphore_mem>>) src(%dma_wait3A_205 : memref<500000x128xf32, #tpu.memory_space<hbm>>) dst(%dma_wait3A_200 : memref<80x128xf32, #tpu.memory_space<vmem>>)
    %dma_wait3A_206 = arith.constant 1 : i32
    %dma_wait3A_207 = arith.constant 0 : i32
    %dma_wait3A_208 = arith.constant 0 : i32
    %dma_wait3A_209 = tpu.memref_slice %arg11[%dma_wait3A_206, %dma_wait3A_207, %dma_wait3A_208] : memref<3x80x128xf32, #tpu.memory_space<vmem>> -> memref<1x80x128xf32, #tpu.memory_space<vmem>>
    %dma_wait3A_210 = tpu.memref_squeeze %dma_wait3A_209 : memref<1x80x128xf32, #tpu.memory_space<vmem>> -> memref<80x128xf32, #tpu.memory_space<vmem>>
    %dma_wait3A_211 = arith.constant 80 : i32
    %dma_wait3A_212 = tpu.memref_slice %arg9[%dma_wait3A_211] : memref<640xi32, #tpu.memory_space<vmem>> -> memref<80xi32, #tpu.memory_space<vmem>>
    %dma_wait3A_213 = arith.constant 0 : i32
    %dma_wait3A_214 = arith.constant 0 : i32
    %dma_wait3A_215 = tpu.memref_slice %arg3[%dma_wait3A_213, %dma_wait3A_214] : memref<20480x128xf32, #tpu.memory_space<hbm>> -> memref<20480x128xf32, #tpu.memory_space<hbm>>
    tpu.wait_indirect_dma semaphore(%arg15 : memref<!tpu.dma_semaphore, #tpu.memory_space<semaphore_mem>>) src(%dma_wait3A_215 : memref<20480x128xf32, #tpu.memory_space<hbm>>) dst(%dma_wait3A_210 : memref<80x128xf32, #tpu.memory_space<vmem>>)
    %dma_wait3A_216 = arith.constant 1 : i32
    %dma_wait3A_217 = arith.constant 0 : i32
    %dma_wait3A_218 = arith.constant 0 : i32
    %dma_wait3A_219 = tpu.memref_slice %arg12[%dma_wait3A_216, %dma_wait3A_217, %dma_wait3A_218] : memref<3x16x128xf32, #tpu.memory_space<vmem>> -> memref<1x16x128xf32, #tpu.memory_space<vmem>>
    %dma_wait3A_220 = tpu.memref_squeeze %dma_wait3A_219 : memref<1x16x128xf32, #tpu.memory_space<vmem>> -> memref<16x128xf32, #tpu.memory_space<vmem>>
    %dma_wait3A_221 = arith.constant 0 : i32
    %dma_wait3A_222 = tpu.memref_slice %arg4[%add3A_72, %dma_wait3A_221] : memref<4096x128xf32, #tpu.memory_space<hbm>> -> memref<16x128xf32, #tpu.memory_space<hbm>>
    %dma_wait3A_223 = arith.constant 0 : i32
    %dma_wait3A_224 = arith.constant 0 : i32
    %dma_wait3A_225 = tpu.memref_slice %arg12[%dma_wait3A_216, %dma_wait3A_223, %dma_wait3A_224] : memref<3x16x128xf32, #tpu.memory_space<vmem>> -> memref<1x16x128xf32, #tpu.memory_space<vmem>>
    %dma_wait3A_226 = tpu.memref_squeeze %dma_wait3A_225 : memref<1x16x128xf32, #tpu.memory_space<vmem>> -> memref<16x128xf32, #tpu.memory_space<vmem>>
    %dma_wait3A_227 = arith.constant 0 : i32
    %dma_wait3A_228 = tpu.memref_slice %arg4[%add3A_72, %dma_wait3A_227] : memref<4096x128xf32, #tpu.memory_space<hbm>> -> memref<16x128xf32, #tpu.memory_space<hbm>>
    tpu.wait_dma2 semaphore(%arg15 : memref<!tpu.dma_semaphore, #tpu.memory_space<semaphore_mem>>) src(%dma_wait3A_228 : memref<16x128xf32, #tpu.memory_space<hbm>>) dst(%dma_wait3A_226 : memref<16x128xf32, #tpu.memory_space<vmem>>)
    %scan3A_229 = arith.constant 0 : i32
    %scan3A_230 = arith.constant 16 : i32
    %scan3A_231 = arith.addi %scan3A_229, %scan3A_230 : i32
    %scan3A_232 = arith.constant 1 : i32
    %scan3A_233 = scf.for %scan3A_614 = %scan3A_229 to %scan3A_231 step %scan3A_232 iter_args(%scan3A_615 = %scan3A_159) -> (vector<16xf32>)  : i32 {
      %scan3A_616 = arith.constant 0 : i32
      %scan3A_617 = arith.constant 8 : i32
      %scan3A_618 = arith.addi %scan3A_616, %scan3A_617 : i32
      %scan3A_619 = arith.constant 1 : i32
      %scan3A_620 = scf.for %scan3A_622 = %scan3A_616 to %scan3A_618 step %scan3A_619 iter_args(%scan3A_623 = %scan3A_615) -> (vector<16xf32>)  : i32 {
        %mul3A_624 = arith.constant 16 : i32
        %mul3A_625 = arith.muli %scan3A_622, %mul3A_624 : i32
        %get3A = arith.constant 1 : i32
        %get3A_626 = arith.index_cast %get3A : i32 to index
        %get3A_627 = arith.index_cast %scan3A_614 : i32 to index
        %get3A_628 = arith.index_cast %mul3A_625 : i32 to index
        %get3A_629 = tpu.vector_load %arg12[%get3A_626, %get3A_627, %get3A_628] {strides = array<i32>} : memref<3x16x128xf32, #tpu.memory_space<vmem>>, vector<1x1x16xf32>,
        %get3A_630 = vector.shape_cast %get3A_629 : vector<1x1x16xf32> to vector<16xf32>
        %add3A_631 = arith.constant 0 : i32
        %add3A_632 = arith.addi %add3A_631, %scan3A_614 : i32
        %mul3A_633 = arith.constant 16 : i32
        %mul3A_634 = arith.muli %scan3A_622, %mul3A_633 : i32
        %get3A_635 = arith.constant 1 : i32
        %get3A_636 = arith.index_cast %get3A_635 : i32 to index
        %get3A_637 = arith.index_cast %add3A_632 : i32 to index
        %get3A_638 = arith.index_cast %mul3A_634 : i32 to index
        %get3A_639 = tpu.vector_load %arg10[%get3A_636, %get3A_637, %get3A_638] {strides = array<i32>} : memref<3x80x128xf32, #tpu.memory_space<vmem>>, vector<1x1x16xf32>,
        %get3A_640 = vector.shape_cast %get3A_639 : vector<1x1x16xf32> to vector<16xf32>
        %mul3A_641 = arith.constant 16 : i32
        %mul3A_642 = arith.muli %scan3A_622, %mul3A_641 : i32
        %get3A_643 = arith.constant 1 : i32
        %get3A_644 = arith.index_cast %get3A_643 : i32 to index
        %get3A_645 = arith.index_cast %add3A_632 : i32 to index
        %get3A_646 = arith.index_cast %mul3A_642 : i32 to index
        %get3A_647 = tpu.vector_load %arg11[%get3A_644, %get3A_645, %get3A_646] {strides = array<i32>} : memref<3x80x128xf32, #tpu.memory_space<vmem>>, vector<1x1x16xf32>,
        %get3A_648 = vector.shape_cast %get3A_647 : vector<1x1x16xf32> to vector<16xf32>
        %mul3A_649 = arith.mulf %get3A_640, %get3A_648 : vector<16xf32>
        %mul3A_650 = arith.mulf %mul3A_649, %get3A_630 : vector<16xf32>
        %add3A_651 = arith.addf %scan3A_623, %mul3A_650 : vector<16xf32>
        %add3A_652 = arith.constant 16 : i32
        %add3A_653 = arith.addi %add3A_652, %scan3A_614 : i32
        %mul3A_654 = arith.constant 16 : i32
        %mul3A_655 = arith.muli %scan3A_622, %mul3A_654 : i32
        %get3A_656 = arith.constant 1 : i32
        %get3A_657 = arith.index_cast %get3A_656 : i32 to index
        %get3A_658 = arith.index_cast %add3A_653 : i32 to index
        %get3A_659 = arith.index_cast %mul3A_655 : i32 to index
        %get3A_660 = tpu.vector_load %arg10[%get3A_657, %get3A_658, %get3A_659] {strides = array<i32>} : memref<3x80x128xf32, #tpu.memory_space<vmem>>, vector<1x1x16xf32>,
        %get3A_661 = vector.shape_cast %get3A_660 : vector<1x1x16xf32> to vector<16xf32>
        %mul3A_662 = arith.constant 16 : i32
        %mul3A_663 = arith.muli %scan3A_622, %mul3A_662 : i32
        %get3A_664 = arith.constant 1 : i32
        %get3A_665 = arith.index_cast %get3A_664 : i32 to index
        %get3A_666 = arith.index_cast %add3A_653 : i32 to index
        %get3A_667 = arith.index_cast %mul3A_663 : i32 to index
        %get3A_668 = tpu.vector_load %arg11[%get3A_665, %get3A_666, %get3A_667] {strides = array<i32>} : memref<3x80x128xf32, #tpu.memory_space<vmem>>, vector<1x1x16xf32>,
        %get3A_669 = vector.shape_cast %get3A_668 : vector<1x1x16xf32> to vector<16xf32>
        %mul3A_670 = arith.mulf %get3A_661, %get3A_669 : vector<16xf32>
        %mul3A_671 = arith.mulf %mul3A_670, %get3A_630 : vector<16xf32>
        %add3A_672 = arith.addf %add3A_651, %mul3A_671 : vector<16xf32>
        %add3A_673 = arith.constant 32 : i32
        %add3A_674 = arith.addi %add3A_673, %scan3A_614 : i32
        %mul3A_675 = arith.constant 16 : i32
        %mul3A_676 = arith.muli %scan3A_622, %mul3A_675 : i32
        %get3A_677 = arith.constant 1 : i32
        %get3A_678 = arith.index_cast %get3A_677 : i32 to index
        %get3A_679 = arith.index_cast %add3A_674 : i32 to index
        %get3A_680 = arith.index_cast %mul3A_676 : i32 to index
        %get3A_681 = tpu.vector_load %arg10[%get3A_678, %get3A_679, %get3A_680] {strides = array<i32>} : memref<3x80x128xf32, #tpu.memory_space<vmem>>, vector<1x1x16xf32>,
        %get3A_682 = vector.shape_cast %get3A_681 : vector<1x1x16xf32> to vector<16xf32>
        %mul3A_683 = arith.constant 16 : i32
        %mul3A_684 = arith.muli %scan3A_622, %mul3A_683 : i32
        %get3A_685 = arith.constant 1 : i32
        %get3A_686 = arith.index_cast %get3A_685 : i32 to index
        %get3A_687 = arith.index_cast %add3A_674 : i32 to index
        %get3A_688 = arith.index_cast %mul3A_684 : i32 to index
        %get3A_689 = tpu.vector_load %arg11[%get3A_686, %get3A_687, %get3A_688] {strides = array<i32>} : memref<3x80x128xf32, #tpu.memory_space<vmem>>, vector<1x1x16xf32>,
        %get3A_690 = vector.shape_cast %get3A_689 : vector<1x1x16xf32> to vector<16xf32>
        %mul3A_691 = arith.mulf %get3A_682, %get3A_690 : vector<16xf32>
        %mul3A_692 = arith.mulf %mul3A_691, %get3A_630 : vector<16xf32>
        %add3A_693 = arith.addf %add3A_672, %mul3A_692 : vector<16xf32>
        %add3A_694 = arith.constant 48 : i32
        %add3A_695 = arith.addi %add3A_694, %scan3A_614 : i32
        %mul3A_696 = arith.constant 16 : i32
        %mul3A_697 = arith.muli %scan3A_622, %mul3A_696 : i32
        %get3A_698 = arith.constant 1 : i32
        %get3A_699 = arith.index_cast %get3A_698 : i32 to index
        %get3A_700 = arith.index_cast %add3A_695 : i32 to index
        %get3A_701 = arith.index_cast %mul3A_697 : i32 to index
        %get3A_702 = tpu.vector_load %arg10[%get3A_699, %get3A_700, %get3A_701] {strides = array<i32>} : memref<3x80x128xf32, #tpu.memory_space<vmem>>, vector<1x1x16xf32>,
        %get3A_703 = vector.shape_cast %get3A_702 : vector<1x1x16xf32> to vector<16xf32>
        %mul3A_704 = arith.constant 16 : i32
        %mul3A_705 = arith.muli %scan3A_622, %mul3A_704 : i32
        %get3A_706 = arith.constant 1 : i32
        %get3A_707 = arith.index_cast %get3A_706 : i32 to index
        %get3A_708 = arith.index_cast %add3A_695 : i32 to index
        %get3A_709 = arith.index_cast %mul3A_705 : i32 to index
        %get3A_710 = tpu.vector_load %arg11[%get3A_707, %get3A_708, %get3A_709] {strides = array<i32>} : memref<3x80x128xf32, #tpu.memory_space<vmem>>, vector<1x1x16xf32>,
        %get3A_711 = vector.shape_cast %get3A_710 : vector<1x1x16xf32> to vector<16xf32>
        %mul3A_712 = arith.mulf %get3A_703, %get3A_711 : vector<16xf32>
        %mul3A_713 = arith.mulf %mul3A_712, %get3A_630 : vector<16xf32>
        %add3A_714 = arith.addf %add3A_693, %mul3A_713 : vector<16xf32>
        %add3A_715 = arith.constant 64 : i32
        %add3A_716 = arith.addi %add3A_715, %scan3A_614 : i32
        %mul3A_717 = arith.constant 16 : i32
        %mul3A_718 = arith.muli %scan3A_622, %mul3A_717 : i32
        %get3A_719 = arith.constant 1 : i32
        %get3A_720 = arith.index_cast %get3A_719 : i32 to index
        %get3A_721 = arith.index_cast %add3A_716 : i32 to index
        %get3A_722 = arith.index_cast %mul3A_718 : i32 to index
        %get3A_723 = tpu.vector_load %arg10[%get3A_720, %get3A_721, %get3A_722] {strides = array<i32>} : memref<3x80x128xf32, #tpu.memory_space<vmem>>, vector<1x1x16xf32>,
        %get3A_724 = vector.shape_cast %get3A_723 : vector<1x1x16xf32> to vector<16xf32>
        %mul3A_725 = arith.constant 16 : i32
        %mul3A_726 = arith.muli %scan3A_622, %mul3A_725 : i32
        %get3A_727 = arith.constant 1 : i32
        %get3A_728 = arith.index_cast %get3A_727 : i32 to index
        %get3A_729 = arith.index_cast %add3A_716 : i32 to index
        %get3A_730 = arith.index_cast %mul3A_726 : i32 to index
        %get3A_731 = tpu.vector_load %arg11[%get3A_728, %get3A_729, %get3A_730] {strides = array<i32>} : memref<3x80x128xf32, #tpu.memory_space<vmem>>, vector<1x1x16xf32>,
        %get3A_732 = vector.shape_cast %get3A_731 : vector<1x1x16xf32> to vector<16xf32>
        %mul3A_733 = arith.mulf %get3A_724, %get3A_732 : vector<16xf32>
        %mul3A_734 = arith.mulf %mul3A_733, %get3A_630 : vector<16xf32>
        %add3A_735 = arith.addf %add3A_714, %mul3A_734 : vector<16xf32>
        scf.yield %add3A_735 : vector<16xf32>
      }
      %scan3A_621 = arith.constant 8 : i32
      scf.yield %scan3A_620 : vector<16xf32>
    }
    %scan3A_234 = arith.constant 16 : i32
    %dma_start3A_235 = arith.constant 1 : i32
    %dma_start3A_236 = arith.constant 0 : i32
    %dma_start3A_237 = arith.constant 0 : i32
    %dma_start3A_238 = tpu.memref_slice %arg10[%dma_start3A_235, %dma_start3A_236, %dma_start3A_237] : memref<3x80x128xf32, #tpu.memory_space<vmem>> -> memref<1x80x128xf32, #tpu.memory_space<vmem>>
    %dma_start3A_239 = tpu.memref_squeeze %dma_start3A_238 : memref<1x80x128xf32, #tpu.memory_space<vmem>> -> memref<80x128xf32, #tpu.memory_space<vmem>>
    %dma_start3A_240 = arith.constant 320 : i32
    %dma_start3A_241 = tpu.memref_slice %arg8[%dma_start3A_240] : memref<640xi32, #tpu.memory_space<vmem>> -> memref<80xi32, #tpu.memory_space<vmem>>
    %dma_start3A_242 = arith.constant 0 : i32
    %dma_start3A_243 = arith.constant 0 : i32
    %dma_start3A_244 = tpu.memref_slice %arg2[%dma_start3A_242, %dma_start3A_243] : memref<500000x128xf32, #tpu.memory_space<hbm>> -> memref<500000x128xf32, #tpu.memory_space<hbm>>
    tpu.enqueue_indirect_dma source(%dma_start3A_244 : memref<500000x128xf32, #tpu.memory_space<hbm>>) target(%dma_start3A_239 : memref<80x128xf32, #tpu.memory_space<vmem>>) offsets(%dma_start3A_241 : memref<80xi32, #tpu.memory_space<vmem>>) semaphore(%arg15 : memref<!tpu.dma_semaphore, #tpu.memory_space<semaphore_mem>>)
    %dma_start3A_245 = arith.constant 1 : i32
    %dma_start3A_246 = arith.constant 0 : i32
    %dma_start3A_247 = arith.constant 0 : i32
    %dma_start3A_248 = tpu.memref_slice %arg11[%dma_start3A_245, %dma_start3A_246, %dma_start3A_247] : memref<3x80x128xf32, #tpu.memory_space<vmem>> -> memref<1x80x128xf32, #tpu.memory_space<vmem>>
    %dma_start3A_249 = tpu.memref_squeeze %dma_start3A_248 : memref<1x80x128xf32, #tpu.memory_space<vmem>> -> memref<80x128xf32, #tpu.memory_space<vmem>>
    %dma_start3A_250 = arith.constant 320 : i32
    %dma_start3A_251 = tpu.memref_slice %arg9[%dma_start3A_250] : memref<640xi32, #tpu.memory_space<vmem>> -> memref<80xi32, #tpu.memory_space<vmem>>
    %dma_start3A_252 = arith.constant 0 : i32
    %dma_start3A_253 = arith.constant 0 : i32
    %dma_start3A_254 = tpu.memref_slice %arg3[%dma_start3A_252, %dma_start3A_253] : memref<20480x128xf32, #tpu.memory_space<hbm>> -> memref<20480x128xf32, #tpu.memory_space<hbm>>
    tpu.enqueue_indirect_dma source(%dma_start3A_254 : memref<20480x128xf32, #tpu.memory_space<hbm>>) target(%dma_start3A_249 : memref<80x128xf32, #tpu.memory_space<vmem>>) offsets(%dma_start3A_251 : memref<80xi32, #tpu.memory_space<vmem>>) semaphore(%arg15 : memref<!tpu.dma_semaphore, #tpu.memory_space<semaphore_mem>>)
    %add3A_255 = arith.constant 64 : i32
    %add3A_256 = arith.addi %mul3A_2, %add3A_255 : i32
    %dma_start3A_257 = arith.constant 1 : i32
    %dma_start3A_258 = arith.constant 0 : i32
    %dma_start3A_259 = arith.constant 0 : i32
    %dma_start3A_260 = tpu.memref_slice %arg12[%dma_start3A_257, %dma_start3A_258, %dma_start3A_259] : memref<3x16x128xf32, #tpu.memory_space<vmem>> -> memref<1x16x128xf32, #tpu.memory_space<vmem>>
    %dma_start3A_261 = tpu.memref_squeeze %dma_start3A_260 : memref<1x16x128xf32, #tpu.memory_space<vmem>> -> memref<16x128xf32, #tpu.memory_space<vmem>>
    %dma_start3A_262 = arith.constant 0 : i32
    %dma_start3A_263 = tpu.memref_slice %arg4[%add3A_256, %dma_start3A_262] : memref<4096x128xf32, #tpu.memory_space<hbm>> -> memref<16x128xf32, #tpu.memory_space<hbm>>
    %dma_start3A_264 = arith.constant 0 : i32
    %dma_start3A_265 = arith.constant 0 : i32
    %dma_start3A_266 = tpu.memref_slice %arg12[%dma_start3A_257, %dma_start3A_264, %dma_start3A_265] : memref<3x16x128xf32, #tpu.memory_space<vmem>> -> memref<1x16x128xf32, #tpu.memory_space<vmem>>
    %dma_start3A_267 = tpu.memref_squeeze %dma_start3A_266 : memref<1x16x128xf32, #tpu.memory_space<vmem>> -> memref<16x128xf32, #tpu.memory_space<vmem>>
    %dma_start3A_268 = arith.constant 0 : i32
    %dma_start3A_269 = tpu.memref_slice %arg4[%add3A_256, %dma_start3A_268] : memref<4096x128xf32, #tpu.memory_space<hbm>> -> memref<16x128xf32, #tpu.memory_space<hbm>>
    tpu.enqueue_dma source(%dma_start3A_269 : memref<16x128xf32, #tpu.memory_space<hbm>>) target(%dma_start3A_267 : memref<16x128xf32, #tpu.memory_space<vmem>>) target_semaphore(%arg15 : memref<!tpu.dma_semaphore, #tpu.memory_space<semaphore_mem>>)
    %dma_wait3A_270 = arith.constant 2 : i32
    %dma_wait3A_271 = arith.constant 0 : i32
    %dma_wait3A_272 = arith.constant 0 : i32
    %dma_wait3A_273 = tpu.memref_slice %arg10[%dma_wait3A_270, %dma_wait3A_271, %dma_wait3A_272] : memref<3x80x128xf32, #tpu.memory_space<vmem>> -> memref<1x80x128xf32, #tpu.memory_space<vmem>>
    %dma_wait3A_274 = tpu.memref_squeeze %dma_wait3A_273 : memref<1x80x128xf32, #tpu.memory_space<vmem>> -> memref<80x128xf32, #tpu.memory_space<vmem>>
    %dma_wait3A_275 = arith.constant 160 : i32
    %dma_wait3A_276 = tpu.memref_slice %arg8[%dma_wait3A_275] : memref<640xi32, #tpu.memory_space<vmem>> -> memref<80xi32, #tpu.memory_space<vmem>>
    %dma_wait3A_277 = arith.constant 0 : i32
    %dma_wait3A_278 = arith.constant 0 : i32
    %dma_wait3A_279 = tpu.memref_slice %arg2[%dma_wait3A_277, %dma_wait3A_278] : memref<500000x128xf32, #tpu.memory_space<hbm>> -> memref<500000x128xf32, #tpu.memory_space<hbm>>
    tpu.wait_indirect_dma semaphore(%arg16 : memref<!tpu.dma_semaphore, #tpu.memory_space<semaphore_mem>>) src(%dma_wait3A_279 : memref<500000x128xf32, #tpu.memory_space<hbm>>) dst(%dma_wait3A_274 : memref<80x128xf32, #tpu.memory_space<vmem>>)
    %dma_wait3A_280 = arith.constant 2 : i32
    %dma_wait3A_281 = arith.constant 0 : i32
    %dma_wait3A_282 = arith.constant 0 : i32
    %dma_wait3A_283 = tpu.memref_slice %arg11[%dma_wait3A_280, %dma_wait3A_281, %dma_wait3A_282] : memref<3x80x128xf32, #tpu.memory_space<vmem>> -> memref<1x80x128xf32, #tpu.memory_space<vmem>>
    %dma_wait3A_284 = tpu.memref_squeeze %dma_wait3A_283 : memref<1x80x128xf32, #tpu.memory_space<vmem>> -> memref<80x128xf32, #tpu.memory_space<vmem>>
    %dma_wait3A_285 = arith.constant 160 : i32
    %dma_wait3A_286 = tpu.memref_slice %arg9[%dma_wait3A_285] : memref<640xi32, #tpu.memory_space<vmem>> -> memref<80xi32, #tpu.memory_space<vmem>>
    %dma_wait3A_287 = arith.constant 0 : i32
    %dma_wait3A_288 = arith.constant 0 : i32
    %dma_wait3A_289 = tpu.memref_slice %arg3[%dma_wait3A_287, %dma_wait3A_288] : memref<20480x128xf32, #tpu.memory_space<hbm>> -> memref<20480x128xf32, #tpu.memory_space<hbm>>
    tpu.wait_indirect_dma semaphore(%arg16 : memref<!tpu.dma_semaphore, #tpu.memory_space<semaphore_mem>>) src(%dma_wait3A_289 : memref<20480x128xf32, #tpu.memory_space<hbm>>) dst(%dma_wait3A_284 : memref<80x128xf32, #tpu.memory_space<vmem>>)
    %dma_wait3A_290 = arith.constant 2 : i32
    %dma_wait3A_291 = arith.constant 0 : i32
    %dma_wait3A_292 = arith.constant 0 : i32
    %dma_wait3A_293 = tpu.memref_slice %arg12[%dma_wait3A_290, %dma_wait3A_291, %dma_wait3A_292] : memref<3x16x128xf32, #tpu.memory_space<vmem>> -> memref<1x16x128xf32, #tpu.memory_space<vmem>>
    %dma_wait3A_294 = tpu.memref_squeeze %dma_wait3A_293 : memref<1x16x128xf32, #tpu.memory_space<vmem>> -> memref<16x128xf32, #tpu.memory_space<vmem>>
    %dma_wait3A_295 = arith.constant 0 : i32
    %dma_wait3A_296 = tpu.memref_slice %arg4[%add3A_108, %dma_wait3A_295] : memref<4096x128xf32, #tpu.memory_space<hbm>> -> memref<16x128xf32, #tpu.memory_space<hbm>>
    %dma_wait3A_297 = arith.constant 0 : i32
    %dma_wait3A_298 = arith.constant 0 : i32
    %dma_wait3A_299 = tpu.memref_slice %arg12[%dma_wait3A_290, %dma_wait3A_297, %dma_wait3A_298] : memref<3x16x128xf32, #tpu.memory_space<vmem>> -> memref<1x16x128xf32, #tpu.memory_space<vmem>>
    %dma_wait3A_300 = tpu.memref_squeeze %dma_wait3A_299 : memref<1x16x128xf32, #tpu.memory_space<vmem>> -> memref<16x128xf32, #tpu.memory_space<vmem>>
    %dma_wait3A_301 = arith.constant 0 : i32
    %dma_wait3A_302 = tpu.memref_slice %arg4[%add3A_108, %dma_wait3A_301] : memref<4096x128xf32, #tpu.memory_space<hbm>> -> memref<16x128xf32, #tpu.memory_space<hbm>>
    tpu.wait_dma2 semaphore(%arg16 : memref<!tpu.dma_semaphore, #tpu.memory_space<semaphore_mem>>) src(%dma_wait3A_302 : memref<16x128xf32, #tpu.memory_space<hbm>>) dst(%dma_wait3A_300 : memref<16x128xf32, #tpu.memory_space<vmem>>)
    %scan3A_303 = arith.constant 0 : i32
    %scan3A_304 = arith.constant 16 : i32
    %scan3A_305 = arith.addi %scan3A_303, %scan3A_304 : i32
    %scan3A_306 = arith.constant 1 : i32
    %scan3A_307 = scf.for %scan3A_614 = %scan3A_303 to %scan3A_305 step %scan3A_306 iter_args(%scan3A_615 = %scan3A_233) -> (vector<16xf32>)  : i32 {
      %scan3A_616 = arith.constant 0 : i32
      %scan3A_617 = arith.constant 8 : i32
      %scan3A_618 = arith.addi %scan3A_616, %scan3A_617 : i32
      %scan3A_619 = arith.constant 1 : i32
      %scan3A_620 = scf.for %scan3A_622 = %scan3A_616 to %scan3A_618 step %scan3A_619 iter_args(%scan3A_623 = %scan3A_615) -> (vector<16xf32>)  : i32 {
        %mul3A_624 = arith.constant 16 : i32
        %mul3A_625 = arith.muli %scan3A_622, %mul3A_624 : i32
        %get3A = arith.constant 2 : i32
        %get3A_626 = arith.index_cast %get3A : i32 to index
        %get3A_627 = arith.index_cast %scan3A_614 : i32 to index
        %get3A_628 = arith.index_cast %mul3A_625 : i32 to index
        %get3A_629 = tpu.vector_load %arg12[%get3A_626, %get3A_627, %get3A_628] {strides = array<i32>} : memref<3x16x128xf32, #tpu.memory_space<vmem>>, vector<1x1x16xf32>,
        %get3A_630 = vector.shape_cast %get3A_629 : vector<1x1x16xf32> to vector<16xf32>
        %add3A_631 = arith.constant 0 : i32
        %add3A_632 = arith.addi %add3A_631, %scan3A_614 : i32
        %mul3A_633 = arith.constant 16 : i32
        %mul3A_634 = arith.muli %scan3A_622, %mul3A_633 : i32
        %get3A_635 = arith.constant 2 : i32
        %get3A_636 = arith.index_cast %get3A_635 : i32 to index
        %get3A_637 = arith.index_cast %add3A_632 : i32 to index
        %get3A_638 = arith.index_cast %mul3A_634 : i32 to index
        %get3A_639 = tpu.vector_load %arg10[%get3A_636, %get3A_637, %get3A_638] {strides = array<i32>} : memref<3x80x128xf32, #tpu.memory_space<vmem>>, vector<1x1x16xf32>,
        %get3A_640 = vector.shape_cast %get3A_639 : vector<1x1x16xf32> to vector<16xf32>
        %mul3A_641 = arith.constant 16 : i32
        %mul3A_642 = arith.muli %scan3A_622, %mul3A_641 : i32
        %get3A_643 = arith.constant 2 : i32
        %get3A_644 = arith.index_cast %get3A_643 : i32 to index
        %get3A_645 = arith.index_cast %add3A_632 : i32 to index
        %get3A_646 = arith.index_cast %mul3A_642 : i32 to index
        %get3A_647 = tpu.vector_load %arg11[%get3A_644, %get3A_645, %get3A_646] {strides = array<i32>} : memref<3x80x128xf32, #tpu.memory_space<vmem>>, vector<1x1x16xf32>,
        %get3A_648 = vector.shape_cast %get3A_647 : vector<1x1x16xf32> to vector<16xf32>
        %mul3A_649 = arith.mulf %get3A_640, %get3A_648 : vector<16xf32>
        %mul3A_650 = arith.mulf %mul3A_649, %get3A_630 : vector<16xf32>
        %add3A_651 = arith.addf %scan3A_623, %mul3A_650 : vector<16xf32>
        %add3A_652 = arith.constant 16 : i32
        %add3A_653 = arith.addi %add3A_652, %scan3A_614 : i32
        %mul3A_654 = arith.constant 16 : i32
        %mul3A_655 = arith.muli %scan3A_622, %mul3A_654 : i32
        %get3A_656 = arith.constant 2 : i32
        %get3A_657 = arith.index_cast %get3A_656 : i32 to index
        %get3A_658 = arith.index_cast %add3A_653 : i32 to index
        %get3A_659 = arith.index_cast %mul3A_655 : i32 to index
        %get3A_660 = tpu.vector_load %arg10[%get3A_657, %get3A_658, %get3A_659] {strides = array<i32>} : memref<3x80x128xf32, #tpu.memory_space<vmem>>, vector<1x1x16xf32>,
        %get3A_661 = vector.shape_cast %get3A_660 : vector<1x1x16xf32> to vector<16xf32>
        %mul3A_662 = arith.constant 16 : i32
        %mul3A_663 = arith.muli %scan3A_622, %mul3A_662 : i32
        %get3A_664 = arith.constant 2 : i32
        %get3A_665 = arith.index_cast %get3A_664 : i32 to index
        %get3A_666 = arith.index_cast %add3A_653 : i32 to index
        %get3A_667 = arith.index_cast %mul3A_663 : i32 to index
        %get3A_668 = tpu.vector_load %arg11[%get3A_665, %get3A_666, %get3A_667] {strides = array<i32>} : memref<3x80x128xf32, #tpu.memory_space<vmem>>, vector<1x1x16xf32>,
        %get3A_669 = vector.shape_cast %get3A_668 : vector<1x1x16xf32> to vector<16xf32>
        %mul3A_670 = arith.mulf %get3A_661, %get3A_669 : vector<16xf32>
        %mul3A_671 = arith.mulf %mul3A_670, %get3A_630 : vector<16xf32>
        %add3A_672 = arith.addf %add3A_651, %mul3A_671 : vector<16xf32>
        %add3A_673 = arith.constant 32 : i32
        %add3A_674 = arith.addi %add3A_673, %scan3A_614 : i32
        %mul3A_675 = arith.constant 16 : i32
        %mul3A_676 = arith.muli %scan3A_622, %mul3A_675 : i32
        %get3A_677 = arith.constant 2 : i32
        %get3A_678 = arith.index_cast %get3A_677 : i32 to index
        %get3A_679 = arith.index_cast %add3A_674 : i32 to index
        %get3A_680 = arith.index_cast %mul3A_676 : i32 to index
        %get3A_681 = tpu.vector_load %arg10[%get3A_678, %get3A_679, %get3A_680] {strides = array<i32>} : memref<3x80x128xf32, #tpu.memory_space<vmem>>, vector<1x1x16xf32>,
        %get3A_682 = vector.shape_cast %get3A_681 : vector<1x1x16xf32> to vector<16xf32>
        %mul3A_683 = arith.constant 16 : i32
        %mul3A_684 = arith.muli %scan3A_622, %mul3A_683 : i32
        %get3A_685 = arith.constant 2 : i32
        %get3A_686 = arith.index_cast %get3A_685 : i32 to index
        %get3A_687 = arith.index_cast %add3A_674 : i32 to index
        %get3A_688 = arith.index_cast %mul3A_684 : i32 to index
        %get3A_689 = tpu.vector_load %arg11[%get3A_686, %get3A_687, %get3A_688] {strides = array<i32>} : memref<3x80x128xf32, #tpu.memory_space<vmem>>, vector<1x1x16xf32>,
        %get3A_690 = vector.shape_cast %get3A_689 : vector<1x1x16xf32> to vector<16xf32>
        %mul3A_691 = arith.mulf %get3A_682, %get3A_690 : vector<16xf32>
        %mul3A_692 = arith.mulf %mul3A_691, %get3A_630 : vector<16xf32>
        %add3A_693 = arith.addf %add3A_672, %mul3A_692 : vector<16xf32>
        %add3A_694 = arith.constant 48 : i32
        %add3A_695 = arith.addi %add3A_694, %scan3A_614 : i32
        %mul3A_696 = arith.constant 16 : i32
        %mul3A_697 = arith.muli %scan3A_622, %mul3A_696 : i32
        %get3A_698 = arith.constant 2 : i32
        %get3A_699 = arith.index_cast %get3A_698 : i32 to index
        %get3A_700 = arith.index_cast %add3A_695 : i32 to index
        %get3A_701 = arith.index_cast %mul3A_697 : i32 to index
        %get3A_702 = tpu.vector_load %arg10[%get3A_699, %get3A_700, %get3A_701] {strides = array<i32>} : memref<3x80x128xf32, #tpu.memory_space<vmem>>, vector<1x1x16xf32>,
        %get3A_703 = vector.shape_cast %get3A_702 : vector<1x1x16xf32> to vector<16xf32>
        %mul3A_704 = arith.constant 16 : i32
        %mul3A_705 = arith.muli %scan3A_622, %mul3A_704 : i32
        %get3A_706 = arith.constant 2 : i32
        %get3A_707 = arith.index_cast %get3A_706 : i32 to index
        %get3A_708 = arith.index_cast %add3A_695 : i32 to index
        %get3A_709 = arith.index_cast %mul3A_705 : i32 to index
        %get3A_710 = tpu.vector_load %arg11[%get3A_707, %get3A_708, %get3A_709] {strides = array<i32>} : memref<3x80x128xf32, #tpu.memory_space<vmem>>, vector<1x1x16xf32>,
        %get3A_711 = vector.shape_cast %get3A_710 : vector<1x1x16xf32> to vector<16xf32>
        %mul3A_712 = arith.mulf %get3A_703, %get3A_711 : vector<16xf32>
        %mul3A_713 = arith.mulf %mul3A_712, %get3A_630 : vector<16xf32>
        %add3A_714 = arith.addf %add3A_693, %mul3A_713 : vector<16xf32>
        %add3A_715 = arith.constant 64 : i32
        %add3A_716 = arith.addi %add3A_715, %scan3A_614 : i32
        %mul3A_717 = arith.constant 16 : i32
        %mul3A_718 = arith.muli %scan3A_622, %mul3A_717 : i32
        %get3A_719 = arith.constant 2 : i32
        %get3A_720 = arith.index_cast %get3A_719 : i32 to index
        %get3A_721 = arith.index_cast %add3A_716 : i32 to index
        %get3A_722 = arith.index_cast %mul3A_718 : i32 to index
        %get3A_723 = tpu.vector_load %arg10[%get3A_720, %get3A_721, %get3A_722] {strides = array<i32>} : memref<3x80x128xf32, #tpu.memory_space<vmem>>, vector<1x1x16xf32>,
        %get3A_724 = vector.shape_cast %get3A_723 : vector<1x1x16xf32> to vector<16xf32>
        %mul3A_725 = arith.constant 16 : i32
        %mul3A_726 = arith.muli %scan3A_622, %mul3A_725 : i32
        %get3A_727 = arith.constant 2 : i32
        %get3A_728 = arith.index_cast %get3A_727 : i32 to index
        %get3A_729 = arith.index_cast %add3A_716 : i32 to index
        %get3A_730 = arith.index_cast %mul3A_726 : i32 to index
        %get3A_731 = tpu.vector_load %arg11[%get3A_728, %get3A_729, %get3A_730] {strides = array<i32>} : memref<3x80x128xf32, #tpu.memory_space<vmem>>, vector<1x1x16xf32>,
        %get3A_732 = vector.shape_cast %get3A_731 : vector<1x1x16xf32> to vector<16xf32>
        %mul3A_733 = arith.mulf %get3A_724, %get3A_732 : vector<16xf32>
        %mul3A_734 = arith.mulf %mul3A_733, %get3A_630 : vector<16xf32>
        %add3A_735 = arith.addf %add3A_714, %mul3A_734 : vector<16xf32>
        scf.yield %add3A_735 : vector<16xf32>
      }
      %scan3A_621 = arith.constant 8 : i32
      scf.yield %scan3A_620 : vector<16xf32>
    }
    %scan3A_308 = arith.constant 16 : i32
    %dma_start3A_309 = arith.constant 2 : i32
    %dma_start3A_310 = arith.constant 0 : i32
    %dma_start3A_311 = arith.constant 0 : i32
    %dma_start3A_312 = tpu.memref_slice %arg10[%dma_start3A_309, %dma_start3A_310, %dma_start3A_311] : memref<3x80x128xf32, #tpu.memory_space<vmem>> -> memref<1x80x128xf32, #tpu.memory_space<vmem>>
    %dma_start3A_313 = tpu.memref_squeeze %dma_start3A_312 : memref<1x80x128xf32, #tpu.memory_space<vmem>> -> memref<80x128xf32, #tpu.memory_space<vmem>>
    %dma_start3A_314 = arith.constant 400 : i32
    %dma_start3A_315 = tpu.memref_slice %arg8[%dma_start3A_314] : memref<640xi32, #tpu.memory_space<vmem>> -> memref<80xi32, #tpu.memory_space<vmem>>
    %dma_start3A_316 = arith.constant 0 : i32
    %dma_start3A_317 = arith.constant 0 : i32
    %dma_start3A_318 = tpu.memref_slice %arg2[%dma_start3A_316, %dma_start3A_317] : memref<500000x128xf32, #tpu.memory_space<hbm>> -> memref<500000x128xf32, #tpu.memory_space<hbm>>
    tpu.enqueue_indirect_dma source(%dma_start3A_318 : memref<500000x128xf32, #tpu.memory_space<hbm>>) target(%dma_start3A_313 : memref<80x128xf32, #tpu.memory_space<vmem>>) offsets(%dma_start3A_315 : memref<80xi32, #tpu.memory_space<vmem>>) semaphore(%arg16 : memref<!tpu.dma_semaphore, #tpu.memory_space<semaphore_mem>>)
    %dma_start3A_319 = arith.constant 2 : i32
    %dma_start3A_320 = arith.constant 0 : i32
    %dma_start3A_321 = arith.constant 0 : i32
    %dma_start3A_322 = tpu.memref_slice %arg11[%dma_start3A_319, %dma_start3A_320, %dma_start3A_321] : memref<3x80x128xf32, #tpu.memory_space<vmem>> -> memref<1x80x128xf32, #tpu.memory_space<vmem>>
    %dma_start3A_323 = tpu.memref_squeeze %dma_start3A_322 : memref<1x80x128xf32, #tpu.memory_space<vmem>> -> memref<80x128xf32, #tpu.memory_space<vmem>>
    %dma_start3A_324 = arith.constant 400 : i32
    %dma_start3A_325 = tpu.memref_slice %arg9[%dma_start3A_324] : memref<640xi32, #tpu.memory_space<vmem>> -> memref<80xi32, #tpu.memory_space<vmem>>
    %dma_start3A_326 = arith.constant 0 : i32
    %dma_start3A_327 = arith.constant 0 : i32
    %dma_start3A_328 = tpu.memref_slice %arg3[%dma_start3A_326, %dma_start3A_327] : memref<20480x128xf32, #tpu.memory_space<hbm>> -> memref<20480x128xf32, #tpu.memory_space<hbm>>
    tpu.enqueue_indirect_dma source(%dma_start3A_328 : memref<20480x128xf32, #tpu.memory_space<hbm>>) target(%dma_start3A_323 : memref<80x128xf32, #tpu.memory_space<vmem>>) offsets(%dma_start3A_325 : memref<80xi32, #tpu.memory_space<vmem>>) semaphore(%arg16 : memref<!tpu.dma_semaphore, #tpu.memory_space<semaphore_mem>>)
    %add3A_329 = arith.constant 80 : i32
    %add3A_330 = arith.addi %mul3A_2, %add3A_329 : i32
    %dma_start3A_331 = arith.constant 2 : i32
    %dma_start3A_332 = arith.constant 0 : i32
    %dma_start3A_333 = arith.constant 0 : i32
    %dma_start3A_334 = tpu.memref_slice %arg12[%dma_start3A_331, %dma_start3A_332, %dma_start3A_333] : memref<3x16x128xf32, #tpu.memory_space<vmem>> -> memref<1x16x128xf32, #tpu.memory_space<vmem>>
    %dma_start3A_335 = tpu.memref_squeeze %dma_start3A_334 : memref<1x16x128xf32, #tpu.memory_space<vmem>> -> memref<16x128xf32, #tpu.memory_space<vmem>>
    %dma_start3A_336 = arith.constant 0 : i32
    %dma_start3A_337 = tpu.memref_slice %arg4[%add3A_330, %dma_start3A_336] : memref<4096x128xf32, #tpu.memory_space<hbm>> -> memref<16x128xf32, #tpu.memory_space<hbm>>
    %dma_start3A_338 = arith.constant 0 : i32
    %dma_start3A_339 = arith.constant 0 : i32
    %dma_start3A_340 = tpu.memref_slice %arg12[%dma_start3A_331, %dma_start3A_338, %dma_start3A_339] : memref<3x16x128xf32, #tpu.memory_space<vmem>> -> memref<1x16x128xf32, #tpu.memory_space<vmem>>
    %dma_start3A_341 = tpu.memref_squeeze %dma_start3A_340 : memref<1x16x128xf32, #tpu.memory_space<vmem>> -> memref<16x128xf32, #tpu.memory_space<vmem>>
    %dma_start3A_342 = arith.constant 0 : i32
    %dma_start3A_343 = tpu.memref_slice %arg4[%add3A_330, %dma_start3A_342] : memref<4096x128xf32, #tpu.memory_space<hbm>> -> memref<16x128xf32, #tpu.memory_space<hbm>>
    tpu.enqueue_dma source(%dma_start3A_343 : memref<16x128xf32, #tpu.memory_space<hbm>>) target(%dma_start3A_341 : memref<16x128xf32, #tpu.memory_space<vmem>>) target_semaphore(%arg16 : memref<!tpu.dma_semaphore, #tpu.memory_space<semaphore_mem>>)
    %dma_wait3A_344 = arith.constant 0 : i32
    %dma_wait3A_345 = arith.constant 0 : i32
    %dma_wait3A_346 = arith.constant 0 : i32
    %dma_wait3A_347 = tpu.memref_slice %arg10[%dma_wait3A_344, %dma_wait3A_345, %dma_wait3A_346] : memref<3x80x128xf32, #tpu.memory_space<vmem>> -> memref<1x80x128xf32, #tpu.memory_space<vmem>>
    %dma_wait3A_348 = tpu.memref_squeeze %dma_wait3A_347 : memref<1x80x128xf32, #tpu.memory_space<vmem>> -> memref<80x128xf32, #tpu.memory_space<vmem>>
    %dma_wait3A_349 = arith.constant 240 : i32
    %dma_wait3A_350 = tpu.memref_slice %arg8[%dma_wait3A_349] : memref<640xi32, #tpu.memory_space<vmem>> -> memref<80xi32, #tpu.memory_space<vmem>>
    %dma_wait3A_351 = arith.constant 0 : i32
    %dma_wait3A_352 = arith.constant 0 : i32
    %dma_wait3A_353 = tpu.memref_slice %arg2[%dma_wait3A_351, %dma_wait3A_352] : memref<500000x128xf32, #tpu.memory_space<hbm>> -> memref<500000x128xf32, #tpu.memory_space<hbm>>
    tpu.wait_indirect_dma semaphore(%arg14 : memref<!tpu.dma_semaphore, #tpu.memory_space<semaphore_mem>>) src(%dma_wait3A_353 : memref<500000x128xf32, #tpu.memory_space<hbm>>) dst(%dma_wait3A_348 : memref<80x128xf32, #tpu.memory_space<vmem>>)
    %dma_wait3A_354 = arith.constant 0 : i32
    %dma_wait3A_355 = arith.constant 0 : i32
    %dma_wait3A_356 = arith.constant 0 : i32
    %dma_wait3A_357 = tpu.memref_slice %arg11[%dma_wait3A_354, %dma_wait3A_355, %dma_wait3A_356] : memref<3x80x128xf32, #tpu.memory_space<vmem>> -> memref<1x80x128xf32, #tpu.memory_space<vmem>>
    %dma_wait3A_358 = tpu.memref_squeeze %dma_wait3A_357 : memref<1x80x128xf32, #tpu.memory_space<vmem>> -> memref<80x128xf32, #tpu.memory_space<vmem>>
    %dma_wait3A_359 = arith.constant 240 : i32
    %dma_wait3A_360 = tpu.memref_slice %arg9[%dma_wait3A_359] : memref<640xi32, #tpu.memory_space<vmem>> -> memref<80xi32, #tpu.memory_space<vmem>>
    %dma_wait3A_361 = arith.constant 0 : i32
    %dma_wait3A_362 = arith.constant 0 : i32
    %dma_wait3A_363 = tpu.memref_slice %arg3[%dma_wait3A_361, %dma_wait3A_362] : memref<20480x128xf32, #tpu.memory_space<hbm>> -> memref<20480x128xf32, #tpu.memory_space<hbm>>
    tpu.wait_indirect_dma semaphore(%arg14 : memref<!tpu.dma_semaphore, #tpu.memory_space<semaphore_mem>>) src(%dma_wait3A_363 : memref<20480x128xf32, #tpu.memory_space<hbm>>) dst(%dma_wait3A_358 : memref<80x128xf32, #tpu.memory_space<vmem>>)
    %dma_wait3A_364 = arith.constant 0 : i32
    %dma_wait3A_365 = arith.constant 0 : i32
    %dma_wait3A_366 = arith.constant 0 : i32
    %dma_wait3A_367 = tpu.memref_slice %arg12[%dma_wait3A_364, %dma_wait3A_365, %dma_wait3A_366] : memref<3x16x128xf32, #tpu.memory_space<vmem>> -> memref<1x16x128xf32, #tpu.memory_space<vmem>>
    %dma_wait3A_368 = tpu.memref_squeeze %dma_wait3A_367 : memref<1x16x128xf32, #tpu.memory_space<vmem>> -> memref<16x128xf32, #tpu.memory_space<vmem>>
    %dma_wait3A_369 = arith.constant 0 : i32
    %dma_wait3A_370 = tpu.memref_slice %arg4[%add3A_182, %dma_wait3A_369] : memref<4096x128xf32, #tpu.memory_space<hbm>> -> memref<16x128xf32, #tpu.memory_space<hbm>>
    %dma_wait3A_371 = arith.constant 0 : i32
    %dma_wait3A_372 = arith.constant 0 : i32
    %dma_wait3A_373 = tpu.memref_slice %arg12[%dma_wait3A_364, %dma_wait3A_371, %dma_wait3A_372] : memref<3x16x128xf32, #tpu.memory_space<vmem>> -> memref<1x16x128xf32, #tpu.memory_space<vmem>>
    %dma_wait3A_374 = tpu.memref_squeeze %dma_wait3A_373 : memref<1x16x128xf32, #tpu.memory_space<vmem>> -> memref<16x128xf32, #tpu.memory_space<vmem>>
    %dma_wait3A_375 = arith.constant 0 : i32
    %dma_wait3A_376 = tpu.memref_slice %arg4[%add3A_182, %dma_wait3A_375] : memref<4096x128xf32, #tpu.memory_space<hbm>> -> memref<16x128xf32, #tpu.memory_space<hbm>>
    tpu.wait_dma2 semaphore(%arg14 : memref<!tpu.dma_semaphore, #tpu.memory_space<semaphore_mem>>) src(%dma_wait3A_376 : memref<16x128xf32, #tpu.memory_space<hbm>>) dst(%dma_wait3A_374 : memref<16x128xf32, #tpu.memory_space<vmem>>)
    %scan3A_377 = arith.constant 0 : i32
    %scan3A_378 = arith.constant 16 : i32
    %scan3A_379 = arith.addi %scan3A_377, %scan3A_378 : i32
    %scan3A_380 = arith.constant 1 : i32
    %scan3A_381 = scf.for %scan3A_614 = %scan3A_377 to %scan3A_379 step %scan3A_380 iter_args(%scan3A_615 = %scan3A_307) -> (vector<16xf32>)  : i32 {
      %scan3A_616 = arith.constant 0 : i32
      %scan3A_617 = arith.constant 8 : i32
      %scan3A_618 = arith.addi %scan3A_616, %scan3A_617 : i32
      %scan3A_619 = arith.constant 1 : i32
      %scan3A_620 = scf.for %scan3A_622 = %scan3A_616 to %scan3A_618 step %scan3A_619 iter_args(%scan3A_623 = %scan3A_615) -> (vector<16xf32>)  : i32 {
        %mul3A_624 = arith.constant 16 : i32
        %mul3A_625 = arith.muli %scan3A_622, %mul3A_624 : i32
        %get3A = arith.constant 0 : i32
        %get3A_626 = arith.index_cast %get3A : i32 to index
        %get3A_627 = arith.index_cast %scan3A_614 : i32 to index
        %get3A_628 = arith.index_cast %mul3A_625 : i32 to index
        %get3A_629 = tpu.vector_load %arg12[%get3A_626, %get3A_627, %get3A_628] {strides = array<i32>} : memref<3x16x128xf32, #tpu.memory_space<vmem>>, vector<1x1x16xf32>,
        %get3A_630 = vector.shape_cast %get3A_629 : vector<1x1x16xf32> to vector<16xf32>
        %add3A_631 = arith.constant 0 : i32
        %add3A_632 = arith.addi %add3A_631, %scan3A_614 : i32
        %mul3A_633 = arith.constant 16 : i32
        %mul3A_634 = arith.muli %scan3A_622, %mul3A_633 : i32
        %get3A_635 = arith.constant 0 : i32
        %get3A_636 = arith.index_cast %get3A_635 : i32 to index
        %get3A_637 = arith.index_cast %add3A_632 : i32 to index
        %get3A_638 = arith.index_cast %mul3A_634 : i32 to index
        %get3A_639 = tpu.vector_load %arg10[%get3A_636, %get3A_637, %get3A_638] {strides = array<i32>} : memref<3x80x128xf32, #tpu.memory_space<vmem>>, vector<1x1x16xf32>,
        %get3A_640 = vector.shape_cast %get3A_639 : vector<1x1x16xf32> to vector<16xf32>
        %mul3A_641 = arith.constant 16 : i32
        %mul3A_642 = arith.muli %scan3A_622, %mul3A_641 : i32
        %get3A_643 = arith.constant 0 : i32
        %get3A_644 = arith.index_cast %get3A_643 : i32 to index
        %get3A_645 = arith.index_cast %add3A_632 : i32 to index
        %get3A_646 = arith.index_cast %mul3A_642 : i32 to index
        %get3A_647 = tpu.vector_load %arg11[%get3A_644, %get3A_645, %get3A_646] {strides = array<i32>} : memref<3x80x128xf32, #tpu.memory_space<vmem>>, vector<1x1x16xf32>,
        %get3A_648 = vector.shape_cast %get3A_647 : vector<1x1x16xf32> to vector<16xf32>
        %mul3A_649 = arith.mulf %get3A_640, %get3A_648 : vector<16xf32>
        %mul3A_650 = arith.mulf %mul3A_649, %get3A_630 : vector<16xf32>
        %add3A_651 = arith.addf %scan3A_623, %mul3A_650 : vector<16xf32>
        %add3A_652 = arith.constant 16 : i32
        %add3A_653 = arith.addi %add3A_652, %scan3A_614 : i32
        %mul3A_654 = arith.constant 16 : i32
        %mul3A_655 = arith.muli %scan3A_622, %mul3A_654 : i32
        %get3A_656 = arith.constant 0 : i32
        %get3A_657 = arith.index_cast %get3A_656 : i32 to index
        %get3A_658 = arith.index_cast %add3A_653 : i32 to index
        %get3A_659 = arith.index_cast %mul3A_655 : i32 to index
        %get3A_660 = tpu.vector_load %arg10[%get3A_657, %get3A_658, %get3A_659] {strides = array<i32>} : memref<3x80x128xf32, #tpu.memory_space<vmem>>, vector<1x1x16xf32>,
        %get3A_661 = vector.shape_cast %get3A_660 : vector<1x1x16xf32> to vector<16xf32>
        %mul3A_662 = arith.constant 16 : i32
        %mul3A_663 = arith.muli %scan3A_622, %mul3A_662 : i32
        %get3A_664 = arith.constant 0 : i32
        %get3A_665 = arith.index_cast %get3A_664 : i32 to index
        %get3A_666 = arith.index_cast %add3A_653 : i32 to index
        %get3A_667 = arith.index_cast %mul3A_663 : i32 to index
        %get3A_668 = tpu.vector_load %arg11[%get3A_665, %get3A_666, %get3A_667] {strides = array<i32>} : memref<3x80x128xf32, #tpu.memory_space<vmem>>, vector<1x1x16xf32>,
        %get3A_669 = vector.shape_cast %get3A_668 : vector<1x1x16xf32> to vector<16xf32>
        %mul3A_670 = arith.mulf %get3A_661, %get3A_669 : vector<16xf32>
        %mul3A_671 = arith.mulf %mul3A_670, %get3A_630 : vector<16xf32>
        %add3A_672 = arith.addf %add3A_651, %mul3A_671 : vector<16xf32>
        %add3A_673 = arith.constant 32 : i32
        %add3A_674 = arith.addi %add3A_673, %scan3A_614 : i32
        %mul3A_675 = arith.constant 16 : i32
        %mul3A_676 = arith.muli %scan3A_622, %mul3A_675 : i32
        %get3A_677 = arith.constant 0 : i32
        %get3A_678 = arith.index_cast %get3A_677 : i32 to index
        %get3A_679 = arith.index_cast %add3A_674 : i32 to index
        %get3A_680 = arith.index_cast %mul3A_676 : i32 to index
        %get3A_681 = tpu.vector_load %arg10[%get3A_678, %get3A_679, %get3A_680] {strides = array<i32>} : memref<3x80x128xf32, #tpu.memory_space<vmem>>, vector<1x1x16xf32>,
        %get3A_682 = vector.shape_cast %get3A_681 : vector<1x1x16xf32> to vector<16xf32>
        %mul3A_683 = arith.constant 16 : i32
        %mul3A_684 = arith.muli %scan3A_622, %mul3A_683 : i32
        %get3A_685 = arith.constant 0 : i32
        %get3A_686 = arith.index_cast %get3A_685 : i32 to index
        %get3A_687 = arith.index_cast %add3A_674 : i32 to index
        %get3A_688 = arith.index_cast %mul3A_684 : i32 to index
        %get3A_689 = tpu.vector_load %arg11[%get3A_686, %get3A_687, %get3A_688] {strides = array<i32>} : memref<3x80x128xf32, #tpu.memory_space<vmem>>, vector<1x1x16xf32>,
        %get3A_690 = vector.shape_cast %get3A_689 : vector<1x1x16xf32> to vector<16xf32>
        %mul3A_691 = arith.mulf %get3A_682, %get3A_690 : vector<16xf32>
        %mul3A_692 = arith.mulf %mul3A_691, %get3A_630 : vector<16xf32>
        %add3A_693 = arith.addf %add3A_672, %mul3A_692 : vector<16xf32>
        %add3A_694 = arith.constant 48 : i32
        %add3A_695 = arith.addi %add3A_694, %scan3A_614 : i32
        %mul3A_696 = arith.constant 16 : i32
        %mul3A_697 = arith.muli %scan3A_622, %mul3A_696 : i32
        %get3A_698 = arith.constant 0 : i32
        %get3A_699 = arith.index_cast %get3A_698 : i32 to index
        %get3A_700 = arith.index_cast %add3A_695 : i32 to index
        %get3A_701 = arith.index_cast %mul3A_697 : i32 to index
        %get3A_702 = tpu.vector_load %arg10[%get3A_699, %get3A_700, %get3A_701] {strides = array<i32>} : memref<3x80x128xf32, #tpu.memory_space<vmem>>, vector<1x1x16xf32>,
        %get3A_703 = vector.shape_cast %get3A_702 : vector<1x1x16xf32> to vector<16xf32>
        %mul3A_704 = arith.constant 16 : i32
        %mul3A_705 = arith.muli %scan3A_622, %mul3A_704 : i32
        %get3A_706 = arith.constant 0 : i32
        %get3A_707 = arith.index_cast %get3A_706 : i32 to index
        %get3A_708 = arith.index_cast %add3A_695 : i32 to index
        %get3A_709 = arith.index_cast %mul3A_705 : i32 to index
        %get3A_710 = tpu.vector_load %arg11[%get3A_707, %get3A_708, %get3A_709] {strides = array<i32>} : memref<3x80x128xf32, #tpu.memory_space<vmem>>, vector<1x1x16xf32>,
        %get3A_711 = vector.shape_cast %get3A_710 : vector<1x1x16xf32> to vector<16xf32>
        %mul3A_712 = arith.mulf %get3A_703, %get3A_711 : vector<16xf32>
        %mul3A_713 = arith.mulf %mul3A_712, %get3A_630 : vector<16xf32>
        %add3A_714 = arith.addf %add3A_693, %mul3A_713 : vector<16xf32>
        %add3A_715 = arith.constant 64 : i32
        %add3A_716 = arith.addi %add3A_715, %scan3A_614 : i32
        %mul3A_717 = arith.constant 16 : i32
        %mul3A_718 = arith.muli %scan3A_622, %mul3A_717 : i32
        %get3A_719 = arith.constant 0 : i32
        %get3A_720 = arith.index_cast %get3A_719 : i32 to index
        %get3A_721 = arith.index_cast %add3A_716 : i32 to index
        %get3A_722 = arith.index_cast %mul3A_718 : i32 to index
        %get3A_723 = tpu.vector_load %arg10[%get3A_720, %get3A_721, %get3A_722] {strides = array<i32>} : memref<3x80x128xf32, #tpu.memory_space<vmem>>, vector<1x1x16xf32>,
        %get3A_724 = vector.shape_cast %get3A_723 : vector<1x1x16xf32> to vector<16xf32>
        %mul3A_725 = arith.constant 16 : i32
        %mul3A_726 = arith.muli %scan3A_622, %mul3A_725 : i32
        %get3A_727 = arith.constant 0 : i32
        %get3A_728 = arith.index_cast %get3A_727 : i32 to index
        %get3A_729 = arith.index_cast %add3A_716 : i32 to index
        %get3A_730 = arith.index_cast %mul3A_726 : i32 to index
        %get3A_731 = tpu.vector_load %arg11[%get3A_728, %get3A_729, %get3A_730] {strides = array<i32>} : memref<3x80x128xf32, #tpu.memory_space<vmem>>, vector<1x1x16xf32>,
        %get3A_732 = vector.shape_cast %get3A_731 : vector<1x1x16xf32> to vector<16xf32>
        %mul3A_733 = arith.mulf %get3A_724, %get3A_732 : vector<16xf32>
        %mul3A_734 = arith.mulf %mul3A_733, %get3A_630 : vector<16xf32>
        %add3A_735 = arith.addf %add3A_714, %mul3A_734 : vector<16xf32>
        scf.yield %add3A_735 : vector<16xf32>
      }
      %scan3A_621 = arith.constant 8 : i32
      scf.yield %scan3A_620 : vector<16xf32>
    }
    %scan3A_382 = arith.constant 16 : i32
    %dma_start3A_383 = arith.constant 0 : i32
    %dma_start3A_384 = arith.constant 0 : i32
    %dma_start3A_385 = arith.constant 0 : i32
    %dma_start3A_386 = tpu.memref_slice %arg10[%dma_start3A_383, %dma_start3A_384, %dma_start3A_385] : memref<3x80x128xf32, #tpu.memory_space<vmem>> -> memref<1x80x128xf32, #tpu.memory_space<vmem>>
    %dma_start3A_387 = tpu.memref_squeeze %dma_start3A_386 : memref<1x80x128xf32, #tpu.memory_space<vmem>> -> memref<80x128xf32, #tpu.memory_space<vmem>>
    %dma_start3A_388 = arith.constant 480 : i32
    %dma_start3A_389 = tpu.memref_slice %arg8[%dma_start3A_388] : memref<640xi32, #tpu.memory_space<vmem>> -> memref<80xi32, #tpu.memory_space<vmem>>
    %dma_start3A_390 = arith.constant 0 : i32
    %dma_start3A_391 = arith.constant 0 : i32
    %dma_start3A_392 = tpu.memref_slice %arg2[%dma_start3A_390, %dma_start3A_391] : memref<500000x128xf32, #tpu.memory_space<hbm>> -> memref<500000x128xf32, #tpu.memory_space<hbm>>
    tpu.enqueue_indirect_dma source(%dma_start3A_392 : memref<500000x128xf32, #tpu.memory_space<hbm>>) target(%dma_start3A_387 : memref<80x128xf32, #tpu.memory_space<vmem>>) offsets(%dma_start3A_389 : memref<80xi32, #tpu.memory_space<vmem>>) semaphore(%arg14 : memref<!tpu.dma_semaphore, #tpu.memory_space<semaphore_mem>>)
    %dma_start3A_393 = arith.constant 0 : i32
    %dma_start3A_394 = arith.constant 0 : i32
    %dma_start3A_395 = arith.constant 0 : i32
    %dma_start3A_396 = tpu.memref_slice %arg11[%dma_start3A_393, %dma_start3A_394, %dma_start3A_395] : memref<3x80x128xf32, #tpu.memory_space<vmem>> -> memref<1x80x128xf32, #tpu.memory_space<vmem>>
    %dma_start3A_397 = tpu.memref_squeeze %dma_start3A_396 : memref<1x80x128xf32, #tpu.memory_space<vmem>> -> memref<80x128xf32, #tpu.memory_space<vmem>>
    %dma_start3A_398 = arith.constant 480 : i32
    %dma_start3A_399 = tpu.memref_slice %arg9[%dma_start3A_398] : memref<640xi32, #tpu.memory_space<vmem>> -> memref<80xi32, #tpu.memory_space<vmem>>
    %dma_start3A_400 = arith.constant 0 : i32
    %dma_start3A_401 = arith.constant 0 : i32
    %dma_start3A_402 = tpu.memref_slice %arg3[%dma_start3A_400, %dma_start3A_401] : memref<20480x128xf32, #tpu.memory_space<hbm>> -> memref<20480x128xf32, #tpu.memory_space<hbm>>
    tpu.enqueue_indirect_dma source(%dma_start3A_402 : memref<20480x128xf32, #tpu.memory_space<hbm>>) target(%dma_start3A_397 : memref<80x128xf32, #tpu.memory_space<vmem>>) offsets(%dma_start3A_399 : memref<80xi32, #tpu.memory_space<vmem>>) semaphore(%arg14 : memref<!tpu.dma_semaphore, #tpu.memory_space<semaphore_mem>>)
    %add3A_403 = arith.constant 96 : i32
    %add3A_404 = arith.addi %mul3A_2, %add3A_403 : i32
    %dma_start3A_405 = arith.constant 0 : i32
    %dma_start3A_406 = arith.constant 0 : i32
    %dma_start3A_407 = arith.constant 0 : i32
    %dma_start3A_408 = tpu.memref_slice %arg12[%dma_start3A_405, %dma_start3A_406, %dma_start3A_407] : memref<3x16x128xf32, #tpu.memory_space<vmem>> -> memref<1x16x128xf32, #tpu.memory_space<vmem>>
    %dma_start3A_409 = tpu.memref_squeeze %dma_start3A_408 : memref<1x16x128xf32, #tpu.memory_space<vmem>> -> memref<16x128xf32, #tpu.memory_space<vmem>>
    %dma_start3A_410 = arith.constant 0 : i32
    %dma_start3A_411 = tpu.memref_slice %arg4[%add3A_404, %dma_start3A_410] : memref<4096x128xf32, #tpu.memory_space<hbm>> -> memref<16x128xf32, #tpu.memory_space<hbm>>
    %dma_start3A_412 = arith.constant 0 : i32
    %dma_start3A_413 = arith.constant 0 : i32
    %dma_start3A_414 = tpu.memref_slice %arg12[%dma_start3A_405, %dma_start3A_412, %dma_start3A_413] : memref<3x16x128xf32, #tpu.memory_space<vmem>> -> memref<1x16x128xf32, #tpu.memory_space<vmem>>
    %dma_start3A_415 = tpu.memref_squeeze %dma_start3A_414 : memref<1x16x128xf32, #tpu.memory_space<vmem>> -> memref<16x128xf32, #tpu.memory_space<vmem>>
    %dma_start3A_416 = arith.constant 0 : i32
    %dma_start3A_417 = tpu.memref_slice %arg4[%add3A_404, %dma_start3A_416] : memref<4096x128xf32, #tpu.memory_space<hbm>> -> memref<16x128xf32, #tpu.memory_space<hbm>>
    tpu.enqueue_dma source(%dma_start3A_417 : memref<16x128xf32, #tpu.memory_space<hbm>>) target(%dma_start3A_415 : memref<16x128xf32, #tpu.memory_space<vmem>>) target_semaphore(%arg14 : memref<!tpu.dma_semaphore, #tpu.memory_space<semaphore_mem>>)
    %dma_wait3A_418 = arith.constant 1 : i32
    %dma_wait3A_419 = arith.constant 0 : i32
    %dma_wait3A_420 = arith.constant 0 : i32
    %dma_wait3A_421 = tpu.memref_slice %arg10[%dma_wait3A_418, %dma_wait3A_419, %dma_wait3A_420] : memref<3x80x128xf32, #tpu.memory_space<vmem>> -> memref<1x80x128xf32, #tpu.memory_space<vmem>>
    %dma_wait3A_422 = tpu.memref_squeeze %dma_wait3A_421 : memref<1x80x128xf32, #tpu.memory_space<vmem>> -> memref<80x128xf32, #tpu.memory_space<vmem>>
    %dma_wait3A_423 = arith.constant 320 : i32
    %dma_wait3A_424 = tpu.memref_slice %arg8[%dma_wait3A_423] : memref<640xi32, #tpu.memory_space<vmem>> -> memref<80xi32, #tpu.memory_space<vmem>>
    %dma_wait3A_425 = arith.constant 0 : i32
    %dma_wait3A_426 = arith.constant 0 : i32
    %dma_wait3A_427 = tpu.memref_slice %arg2[%dma_wait3A_425, %dma_wait3A_426] : memref<500000x128xf32, #tpu.memory_space<hbm>> -> memref<500000x128xf32, #tpu.memory_space<hbm>>
    tpu.wait_indirect_dma semaphore(%arg15 : memref<!tpu.dma_semaphore, #tpu.memory_space<semaphore_mem>>) src(%dma_wait3A_427 : memref<500000x128xf32, #tpu.memory_space<hbm>>) dst(%dma_wait3A_422 : memref<80x128xf32, #tpu.memory_space<vmem>>)
    %dma_wait3A_428 = arith.constant 1 : i32
    %dma_wait3A_429 = arith.constant 0 : i32
    %dma_wait3A_430 = arith.constant 0 : i32
    %dma_wait3A_431 = tpu.memref_slice %arg11[%dma_wait3A_428, %dma_wait3A_429, %dma_wait3A_430] : memref<3x80x128xf32, #tpu.memory_space<vmem>> -> memref<1x80x128xf32, #tpu.memory_space<vmem>>
    %dma_wait3A_432 = tpu.memref_squeeze %dma_wait3A_431 : memref<1x80x128xf32, #tpu.memory_space<vmem>> -> memref<80x128xf32, #tpu.memory_space<vmem>>
    %dma_wait3A_433 = arith.constant 320 : i32
    %dma_wait3A_434 = tpu.memref_slice %arg9[%dma_wait3A_433] : memref<640xi32, #tpu.memory_space<vmem>> -> memref<80xi32, #tpu.memory_space<vmem>>
    %dma_wait3A_435 = arith.constant 0 : i32
    %dma_wait3A_436 = arith.constant 0 : i32
    %dma_wait3A_437 = tpu.memref_slice %arg3[%dma_wait3A_435, %dma_wait3A_436] : memref<20480x128xf32, #tpu.memory_space<hbm>> -> memref<20480x128xf32, #tpu.memory_space<hbm>>
    tpu.wait_indirect_dma semaphore(%arg15 : memref<!tpu.dma_semaphore, #tpu.memory_space<semaphore_mem>>) src(%dma_wait3A_437 : memref<20480x128xf32, #tpu.memory_space<hbm>>) dst(%dma_wait3A_432 : memref<80x128xf32, #tpu.memory_space<vmem>>)
    %dma_wait3A_438 = arith.constant 1 : i32
    %dma_wait3A_439 = arith.constant 0 : i32
    %dma_wait3A_440 = arith.constant 0 : i32
    %dma_wait3A_441 = tpu.memref_slice %arg12[%dma_wait3A_438, %dma_wait3A_439, %dma_wait3A_440] : memref<3x16x128xf32, #tpu.memory_space<vmem>> -> memref<1x16x128xf32, #tpu.memory_space<vmem>>
    %dma_wait3A_442 = tpu.memref_squeeze %dma_wait3A_441 : memref<1x16x128xf32, #tpu.memory_space<vmem>> -> memref<16x128xf32, #tpu.memory_space<vmem>>
    %dma_wait3A_443 = arith.constant 0 : i32
    %dma_wait3A_444 = tpu.memref_slice %arg4[%add3A_256, %dma_wait3A_443] : memref<4096x128xf32, #tpu.memory_space<hbm>> -> memref<16x128xf32, #tpu.memory_space<hbm>>
    %dma_wait3A_445 = arith.constant 0 : i32
    %dma_wait3A_446 = arith.constant 0 : i32
    %dma_wait3A_447 = tpu.memref_slice %arg12[%dma_wait3A_438, %dma_wait3A_445, %dma_wait3A_446] : memref<3x16x128xf32, #tpu.memory_space<vmem>> -> memref<1x16x128xf32, #tpu.memory_space<vmem>>
    %dma_wait3A_448 = tpu.memref_squeeze %dma_wait3A_447 : memref<1x16x128xf32, #tpu.memory_space<vmem>> -> memref<16x128xf32, #tpu.memory_space<vmem>>
    %dma_wait3A_449 = arith.constant 0 : i32
    %dma_wait3A_450 = tpu.memref_slice %arg4[%add3A_256, %dma_wait3A_449] : memref<4096x128xf32, #tpu.memory_space<hbm>> -> memref<16x128xf32, #tpu.memory_space<hbm>>
    tpu.wait_dma2 semaphore(%arg15 : memref<!tpu.dma_semaphore, #tpu.memory_space<semaphore_mem>>) src(%dma_wait3A_450 : memref<16x128xf32, #tpu.memory_space<hbm>>) dst(%dma_wait3A_448 : memref<16x128xf32, #tpu.memory_space<vmem>>)
    %scan3A_451 = arith.constant 0 : i32
    %scan3A_452 = arith.constant 16 : i32
    %scan3A_453 = arith.addi %scan3A_451, %scan3A_452 : i32
    %scan3A_454 = arith.constant 1 : i32
    %scan3A_455 = scf.for %scan3A_614 = %scan3A_451 to %scan3A_453 step %scan3A_454 iter_args(%scan3A_615 = %scan3A_381) -> (vector<16xf32>)  : i32 {
      %scan3A_616 = arith.constant 0 : i32
      %scan3A_617 = arith.constant 8 : i32
      %scan3A_618 = arith.addi %scan3A_616, %scan3A_617 : i32
      %scan3A_619 = arith.constant 1 : i32
      %scan3A_620 = scf.for %scan3A_622 = %scan3A_616 to %scan3A_618 step %scan3A_619 iter_args(%scan3A_623 = %scan3A_615) -> (vector<16xf32>)  : i32 {
        %mul3A_624 = arith.constant 16 : i32
        %mul3A_625 = arith.muli %scan3A_622, %mul3A_624 : i32
        %get3A = arith.constant 1 : i32
        %get3A_626 = arith.index_cast %get3A : i32 to index
        %get3A_627 = arith.index_cast %scan3A_614 : i32 to index
        %get3A_628 = arith.index_cast %mul3A_625 : i32 to index
        %get3A_629 = tpu.vector_load %arg12[%get3A_626, %get3A_627, %get3A_628] {strides = array<i32>} : memref<3x16x128xf32, #tpu.memory_space<vmem>>, vector<1x1x16xf32>,
        %get3A_630 = vector.shape_cast %get3A_629 : vector<1x1x16xf32> to vector<16xf32>
        %add3A_631 = arith.constant 0 : i32
        %add3A_632 = arith.addi %add3A_631, %scan3A_614 : i32
        %mul3A_633 = arith.constant 16 : i32
        %mul3A_634 = arith.muli %scan3A_622, %mul3A_633 : i32
        %get3A_635 = arith.constant 1 : i32
        %get3A_636 = arith.index_cast %get3A_635 : i32 to index
        %get3A_637 = arith.index_cast %add3A_632 : i32 to index
        %get3A_638 = arith.index_cast %mul3A_634 : i32 to index
        %get3A_639 = tpu.vector_load %arg10[%get3A_636, %get3A_637, %get3A_638] {strides = array<i32>} : memref<3x80x128xf32, #tpu.memory_space<vmem>>, vector<1x1x16xf32>,
        %get3A_640 = vector.shape_cast %get3A_639 : vector<1x1x16xf32> to vector<16xf32>
        %mul3A_641 = arith.constant 16 : i32
        %mul3A_642 = arith.muli %scan3A_622, %mul3A_641 : i32
        %get3A_643 = arith.constant 1 : i32
        %get3A_644 = arith.index_cast %get3A_643 : i32 to index
        %get3A_645 = arith.index_cast %add3A_632 : i32 to index
        %get3A_646 = arith.index_cast %mul3A_642 : i32 to index
        %get3A_647 = tpu.vector_load %arg11[%get3A_644, %get3A_645, %get3A_646] {strides = array<i32>} : memref<3x80x128xf32, #tpu.memory_space<vmem>>, vector<1x1x16xf32>,
        %get3A_648 = vector.shape_cast %get3A_647 : vector<1x1x16xf32> to vector<16xf32>
        %mul3A_649 = arith.mulf %get3A_640, %get3A_648 : vector<16xf32>
        %mul3A_650 = arith.mulf %mul3A_649, %get3A_630 : vector<16xf32>
        %add3A_651 = arith.addf %scan3A_623, %mul3A_650 : vector<16xf32>
        %add3A_652 = arith.constant 16 : i32
        %add3A_653 = arith.addi %add3A_652, %scan3A_614 : i32
        %mul3A_654 = arith.constant 16 : i32
        %mul3A_655 = arith.muli %scan3A_622, %mul3A_654 : i32
        %get3A_656 = arith.constant 1 : i32
        %get3A_657 = arith.index_cast %get3A_656 : i32 to index
        %get3A_658 = arith.index_cast %add3A_653 : i32 to index
        %get3A_659 = arith.index_cast %mul3A_655 : i32 to index
        %get3A_660 = tpu.vector_load %arg10[%get3A_657, %get3A_658, %get3A_659] {strides = array<i32>} : memref<3x80x128xf32, #tpu.memory_space<vmem>>, vector<1x1x16xf32>,
        %get3A_661 = vector.shape_cast %get3A_660 : vector<1x1x16xf32> to vector<16xf32>
        %mul3A_662 = arith.constant 16 : i32
        %mul3A_663 = arith.muli %scan3A_622, %mul3A_662 : i32
        %get3A_664 = arith.constant 1 : i32
        %get3A_665 = arith.index_cast %get3A_664 : i32 to index
        %get3A_666 = arith.index_cast %add3A_653 : i32 to index
        %get3A_667 = arith.index_cast %mul3A_663 : i32 to index
        %get3A_668 = tpu.vector_load %arg11[%get3A_665, %get3A_666, %get3A_667] {strides = array<i32>} : memref<3x80x128xf32, #tpu.memory_space<vmem>>, vector<1x1x16xf32>,
        %get3A_669 = vector.shape_cast %get3A_668 : vector<1x1x16xf32> to vector<16xf32>
        %mul3A_670 = arith.mulf %get3A_661, %get3A_669 : vector<16xf32>
        %mul3A_671 = arith.mulf %mul3A_670, %get3A_630 : vector<16xf32>
        %add3A_672 = arith.addf %add3A_651, %mul3A_671 : vector<16xf32>
        %add3A_673 = arith.constant 32 : i32
        %add3A_674 = arith.addi %add3A_673, %scan3A_614 : i32
        %mul3A_675 = arith.constant 16 : i32
        %mul3A_676 = arith.muli %scan3A_622, %mul3A_675 : i32
        %get3A_677 = arith.constant 1 : i32
        %get3A_678 = arith.index_cast %get3A_677 : i32 to index
        %get3A_679 = arith.index_cast %add3A_674 : i32 to index
        %get3A_680 = arith.index_cast %mul3A_676 : i32 to index
        %get3A_681 = tpu.vector_load %arg10[%get3A_678, %get3A_679, %get3A_680] {strides = array<i32>} : memref<3x80x128xf32, #tpu.memory_space<vmem>>, vector<1x1x16xf32>,
        %get3A_682 = vector.shape_cast %get3A_681 : vector<1x1x16xf32> to vector<16xf32>
        %mul3A_683 = arith.constant 16 : i32
        %mul3A_684 = arith.muli %scan3A_622, %mul3A_683 : i32
        %get3A_685 = arith.constant 1 : i32
        %get3A_686 = arith.index_cast %get3A_685 : i32 to index
        %get3A_687 = arith.index_cast %add3A_674 : i32 to index
        %get3A_688 = arith.index_cast %mul3A_684 : i32 to index
        %get3A_689 = tpu.vector_load %arg11[%get3A_686, %get3A_687, %get3A_688] {strides = array<i32>} : memref<3x80x128xf32, #tpu.memory_space<vmem>>, vector<1x1x16xf32>,
        %get3A_690 = vector.shape_cast %get3A_689 : vector<1x1x16xf32> to vector<16xf32>
        %mul3A_691 = arith.mulf %get3A_682, %get3A_690 : vector<16xf32>
        %mul3A_692 = arith.mulf %mul3A_691, %get3A_630 : vector<16xf32>
        %add3A_693 = arith.addf %add3A_672, %mul3A_692 : vector<16xf32>
        %add3A_694 = arith.constant 48 : i32
        %add3A_695 = arith.addi %add3A_694, %scan3A_614 : i32
        %mul3A_696 = arith.constant 16 : i32
        %mul3A_697 = arith.muli %scan3A_622, %mul3A_696 : i32
        %get3A_698 = arith.constant 1 : i32
        %get3A_699 = arith.index_cast %get3A_698 : i32 to index
        %get3A_700 = arith.index_cast %add3A_695 : i32 to index
        %get3A_701 = arith.index_cast %mul3A_697 : i32 to index
        %get3A_702 = tpu.vector_load %arg10[%get3A_699, %get3A_700, %get3A_701] {strides = array<i32>} : memref<3x80x128xf32, #tpu.memory_space<vmem>>, vector<1x1x16xf32>,
        %get3A_703 = vector.shape_cast %get3A_702 : vector<1x1x16xf32> to vector<16xf32>
        %mul3A_704 = arith.constant 16 : i32
        %mul3A_705 = arith.muli %scan3A_622, %mul3A_704 : i32
        %get3A_706 = arith.constant 1 : i32
        %get3A_707 = arith.index_cast %get3A_706 : i32 to index
        %get3A_708 = arith.index_cast %add3A_695 : i32 to index
        %get3A_709 = arith.index_cast %mul3A_705 : i32 to index
        %get3A_710 = tpu.vector_load %arg11[%get3A_707, %get3A_708, %get3A_709] {strides = array<i32>} : memref<3x80x128xf32, #tpu.memory_space<vmem>>, vector<1x1x16xf32>,
        %get3A_711 = vector.shape_cast %get3A_710 : vector<1x1x16xf32> to vector<16xf32>
        %mul3A_712 = arith.mulf %get3A_703, %get3A_711 : vector<16xf32>
        %mul3A_713 = arith.mulf %mul3A_712, %get3A_630 : vector<16xf32>
        %add3A_714 = arith.addf %add3A_693, %mul3A_713 : vector<16xf32>
        %add3A_715 = arith.constant 64 : i32
        %add3A_716 = arith.addi %add3A_715, %scan3A_614 : i32
        %mul3A_717 = arith.constant 16 : i32
        %mul3A_718 = arith.muli %scan3A_622, %mul3A_717 : i32
        %get3A_719 = arith.constant 1 : i32
        %get3A_720 = arith.index_cast %get3A_719 : i32 to index
        %get3A_721 = arith.index_cast %add3A_716 : i32 to index
        %get3A_722 = arith.index_cast %mul3A_718 : i32 to index
        %get3A_723 = tpu.vector_load %arg10[%get3A_720, %get3A_721, %get3A_722] {strides = array<i32>} : memref<3x80x128xf32, #tpu.memory_space<vmem>>, vector<1x1x16xf32>,
        %get3A_724 = vector.shape_cast %get3A_723 : vector<1x1x16xf32> to vector<16xf32>
        %mul3A_725 = arith.constant 16 : i32
        %mul3A_726 = arith.muli %scan3A_622, %mul3A_725 : i32
        %get3A_727 = arith.constant 1 : i32
        %get3A_728 = arith.index_cast %get3A_727 : i32 to index
        %get3A_729 = arith.index_cast %add3A_716 : i32 to index
        %get3A_730 = arith.index_cast %mul3A_726 : i32 to index
        %get3A_731 = tpu.vector_load %arg11[%get3A_728, %get3A_729, %get3A_730] {strides = array<i32>} : memref<3x80x128xf32, #tpu.memory_space<vmem>>, vector<1x1x16xf32>,
        %get3A_732 = vector.shape_cast %get3A_731 : vector<1x1x16xf32> to vector<16xf32>
        %mul3A_733 = arith.mulf %get3A_724, %get3A_732 : vector<16xf32>
        %mul3A_734 = arith.mulf %mul3A_733, %get3A_630 : vector<16xf32>
        %add3A_735 = arith.addf %add3A_714, %mul3A_734 : vector<16xf32>
        scf.yield %add3A_735 : vector<16xf32>
      }
      %scan3A_621 = arith.constant 8 : i32
      scf.yield %scan3A_620 : vector<16xf32>
    }
    %scan3A_456 = arith.constant 16 : i32
    %dma_start3A_457 = arith.constant 1 : i32
    %dma_start3A_458 = arith.constant 0 : i32
    %dma_start3A_459 = arith.constant 0 : i32
    %dma_start3A_460 = tpu.memref_slice %arg10[%dma_start3A_457, %dma_start3A_458, %dma_start3A_459] : memref<3x80x128xf32, #tpu.memory_space<vmem>> -> memref<1x80x128xf32, #tpu.memory_space<vmem>>
    %dma_start3A_461 = tpu.memref_squeeze %dma_start3A_460 : memref<1x80x128xf32, #tpu.memory_space<vmem>> -> memref<80x128xf32, #tpu.memory_space<vmem>>
    %dma_start3A_462 = arith.constant 560 : i32
    %dma_start3A_463 = tpu.memref_slice %arg8[%dma_start3A_462] : memref<640xi32, #tpu.memory_space<vmem>> -> memref<80xi32, #tpu.memory_space<vmem>>
    %dma_start3A_464 = arith.constant 0 : i32
    %dma_start3A_465 = arith.constant 0 : i32
    %dma_start3A_466 = tpu.memref_slice %arg2[%dma_start3A_464, %dma_start3A_465] : memref<500000x128xf32, #tpu.memory_space<hbm>> -> memref<500000x128xf32, #tpu.memory_space<hbm>>
    tpu.enqueue_indirect_dma source(%dma_start3A_466 : memref<500000x128xf32, #tpu.memory_space<hbm>>) target(%dma_start3A_461 : memref<80x128xf32, #tpu.memory_space<vmem>>) offsets(%dma_start3A_463 : memref<80xi32, #tpu.memory_space<vmem>>) semaphore(%arg15 : memref<!tpu.dma_semaphore, #tpu.memory_space<semaphore_mem>>)
    %dma_start3A_467 = arith.constant 1 : i32
    %dma_start3A_468 = arith.constant 0 : i32
    %dma_start3A_469 = arith.constant 0 : i32
    %dma_start3A_470 = tpu.memref_slice %arg11[%dma_start3A_467, %dma_start3A_468, %dma_start3A_469] : memref<3x80x128xf32, #tpu.memory_space<vmem>> -> memref<1x80x128xf32, #tpu.memory_space<vmem>>
    %dma_start3A_471 = tpu.memref_squeeze %dma_start3A_470 : memref<1x80x128xf32, #tpu.memory_space<vmem>> -> memref<80x128xf32, #tpu.memory_space<vmem>>
    %dma_start3A_472 = arith.constant 560 : i32
    %dma_start3A_473 = tpu.memref_slice %arg9[%dma_start3A_472] : memref<640xi32, #tpu.memory_space<vmem>> -> memref<80xi32, #tpu.memory_space<vmem>>
    %dma_start3A_474 = arith.constant 0 : i32
    %dma_start3A_475 = arith.constant 0 : i32
    %dma_start3A_476 = tpu.memref_slice %arg3[%dma_start3A_474, %dma_start3A_475] : memref<20480x128xf32, #tpu.memory_space<hbm>> -> memref<20480x128xf32, #tpu.memory_space<hbm>>
    tpu.enqueue_indirect_dma source(%dma_start3A_476 : memref<20480x128xf32, #tpu.memory_space<hbm>>) target(%dma_start3A_471 : memref<80x128xf32, #tpu.memory_space<vmem>>) offsets(%dma_start3A_473 : memref<80xi32, #tpu.memory_space<vmem>>) semaphore(%arg15 : memref<!tpu.dma_semaphore, #tpu.memory_space<semaphore_mem>>)
    %add3A_477 = arith.constant 112 : i32
    %add3A_478 = arith.addi %mul3A_2, %add3A_477 : i32
    %dma_start3A_479 = arith.constant 1 : i32
    %dma_start3A_480 = arith.constant 0 : i32
    %dma_start3A_481 = arith.constant 0 : i32
    %dma_start3A_482 = tpu.memref_slice %arg12[%dma_start3A_479, %dma_start3A_480, %dma_start3A_481] : memref<3x16x128xf32, #tpu.memory_space<vmem>> -> memref<1x16x128xf32, #tpu.memory_space<vmem>>
    %dma_start3A_483 = tpu.memref_squeeze %dma_start3A_482 : memref<1x16x128xf32, #tpu.memory_space<vmem>> -> memref<16x128xf32, #tpu.memory_space<vmem>>
    %dma_start3A_484 = arith.constant 0 : i32
    %dma_start3A_485 = tpu.memref_slice %arg4[%add3A_478, %dma_start3A_484] : memref<4096x128xf32, #tpu.memory_space<hbm>> -> memref<16x128xf32, #tpu.memory_space<hbm>>
    %dma_start3A_486 = arith.constant 0 : i32
    %dma_start3A_487 = arith.constant 0 : i32
    %dma_start3A_488 = tpu.memref_slice %arg12[%dma_start3A_479, %dma_start3A_486, %dma_start3A_487] : memref<3x16x128xf32, #tpu.memory_space<vmem>> -> memref<1x16x128xf32, #tpu.memory_space<vmem>>
    %dma_start3A_489 = tpu.memref_squeeze %dma_start3A_488 : memref<1x16x128xf32, #tpu.memory_space<vmem>> -> memref<16x128xf32, #tpu.memory_space<vmem>>
    %dma_start3A_490 = arith.constant 0 : i32
    %dma_start3A_491 = tpu.memref_slice %arg4[%add3A_478, %dma_start3A_490] : memref<4096x128xf32, #tpu.memory_space<hbm>> -> memref<16x128xf32, #tpu.memory_space<hbm>>
    tpu.enqueue_dma source(%dma_start3A_491 : memref<16x128xf32, #tpu.memory_space<hbm>>) target(%dma_start3A_489 : memref<16x128xf32, #tpu.memory_space<vmem>>) target_semaphore(%arg15 : memref<!tpu.dma_semaphore, #tpu.memory_space<semaphore_mem>>)
    %dma_wait3A_492 = arith.constant 2 : i32
    %dma_wait3A_493 = arith.constant 0 : i32
    %dma_wait3A_494 = arith.constant 0 : i32
    %dma_wait3A_495 = tpu.memref_slice %arg10[%dma_wait3A_492, %dma_wait3A_493, %dma_wait3A_494] : memref<3x80x128xf32, #tpu.memory_space<vmem>> -> memref<1x80x128xf32, #tpu.memory_space<vmem>>
    %dma_wait3A_496 = tpu.memref_squeeze %dma_wait3A_495 : memref<1x80x128xf32, #tpu.memory_space<vmem>> -> memref<80x128xf32, #tpu.memory_space<vmem>>
    %dma_wait3A_497 = arith.constant 400 : i32
    %dma_wait3A_498 = tpu.memref_slice %arg8[%dma_wait3A_497] : memref<640xi32, #tpu.memory_space<vmem>> -> memref<80xi32, #tpu.memory_space<vmem>>
    %dma_wait3A_499 = arith.constant 0 : i32
    %dma_wait3A_500 = arith.constant 0 : i32
    %dma_wait3A_501 = tpu.memref_slice %arg2[%dma_wait3A_499, %dma_wait3A_500] : memref<500000x128xf32, #tpu.memory_space<hbm>> -> memref<500000x128xf32, #tpu.memory_space<hbm>>
    tpu.wait_indirect_dma semaphore(%arg16 : memref<!tpu.dma_semaphore, #tpu.memory_space<semaphore_mem>>) src(%dma_wait3A_501 : memref<500000x128xf32, #tpu.memory_space<hbm>>) dst(%dma_wait3A_496 : memref<80x128xf32, #tpu.memory_space<vmem>>)
    %dma_wait3A_502 = arith.constant 2 : i32
    %dma_wait3A_503 = arith.constant 0 : i32
    %dma_wait3A_504 = arith.constant 0 : i32
    %dma_wait3A_505 = tpu.memref_slice %arg11[%dma_wait3A_502, %dma_wait3A_503, %dma_wait3A_504] : memref<3x80x128xf32, #tpu.memory_space<vmem>> -> memref<1x80x128xf32, #tpu.memory_space<vmem>>
    %dma_wait3A_506 = tpu.memref_squeeze %dma_wait3A_505 : memref<1x80x128xf32, #tpu.memory_space<vmem>> -> memref<80x128xf32, #tpu.memory_space<vmem>>
    %dma_wait3A_507 = arith.constant 400 : i32
    %dma_wait3A_508 = tpu.memref_slice %arg9[%dma_wait3A_507] : memref<640xi32, #tpu.memory_space<vmem>> -> memref<80xi32, #tpu.memory_space<vmem>>
    %dma_wait3A_509 = arith.constant 0 : i32
    %dma_wait3A_510 = arith.constant 0 : i32
    %dma_wait3A_511 = tpu.memref_slice %arg3[%dma_wait3A_509, %dma_wait3A_510] : memref<20480x128xf32, #tpu.memory_space<hbm>> -> memref<20480x128xf32, #tpu.memory_space<hbm>>
    tpu.wait_indirect_dma semaphore(%arg16 : memref<!tpu.dma_semaphore, #tpu.memory_space<semaphore_mem>>) src(%dma_wait3A_511 : memref<20480x128xf32, #tpu.memory_space<hbm>>) dst(%dma_wait3A_506 : memref<80x128xf32, #tpu.memory_space<vmem>>)
    %dma_wait3A_512 = arith.constant 2 : i32
    %dma_wait3A_513 = arith.constant 0 : i32
    %dma_wait3A_514 = arith.constant 0 : i32
    %dma_wait3A_515 = tpu.memref_slice %arg12[%dma_wait3A_512, %dma_wait3A_513, %dma_wait3A_514] : memref<3x16x128xf32, #tpu.memory_space<vmem>> -> memref<1x16x128xf32, #tpu.memory_space<vmem>>
    %dma_wait3A_516 = tpu.memref_squeeze %dma_wait3A_515 : memref<1x16x128xf32, #tpu.memory_space<vmem>> -> memref<16x128xf32, #tpu.memory_space<vmem>>
    %dma_wait3A_517 = arith.constant 0 : i32
    %dma_wait3A_518 = tpu.memref_slice %arg4[%add3A_330, %dma_wait3A_517] : memref<4096x128xf32, #tpu.memory_space<hbm>> -> memref<16x128xf32, #tpu.memory_space<hbm>>
    %dma_wait3A_519 = arith.constant 0 : i32
    %dma_wait3A_520 = arith.constant 0 : i32
    %dma_wait3A_521 = tpu.memref_slice %arg12[%dma_wait3A_512, %dma_wait3A_519, %dma_wait3A_520] : memref<3x16x128xf32, #tpu.memory_space<vmem>> -> memref<1x16x128xf32, #tpu.memory_space<vmem>>
    %dma_wait3A_522 = tpu.memref_squeeze %dma_wait3A_521 : memref<1x16x128xf32, #tpu.memory_space<vmem>> -> memref<16x128xf32, #tpu.memory_space<vmem>>
    %dma_wait3A_523 = arith.constant 0 : i32
    %dma_wait3A_524 = tpu.memref_slice %arg4[%add3A_330, %dma_wait3A_523] : memref<4096x128xf32, #tpu.memory_space<hbm>> -> memref<16x128xf32, #tpu.memory_space<hbm>>
    tpu.wait_dma2 semaphore(%arg16 : memref<!tpu.dma_semaphore, #tpu.memory_space<semaphore_mem>>) src(%dma_wait3A_524 : memref<16x128xf32, #tpu.memory_space<hbm>>) dst(%dma_wait3A_522 : memref<16x128xf32, #tpu.memory_space<vmem>>)
    %scan3A_525 = arith.constant 0 : i32
    %scan3A_526 = arith.constant 16 : i32
    %scan3A_527 = arith.addi %scan3A_525, %scan3A_526 : i32
    %scan3A_528 = arith.constant 1 : i32
    %scan3A_529 = scf.for %scan3A_614 = %scan3A_525 to %scan3A_527 step %scan3A_528 iter_args(%scan3A_615 = %scan3A_455) -> (vector<16xf32>)  : i32 {
      %scan3A_616 = arith.constant 0 : i32
      %scan3A_617 = arith.constant 8 : i32
      %scan3A_618 = arith.addi %scan3A_616, %scan3A_617 : i32
      %scan3A_619 = arith.constant 1 : i32
      %scan3A_620 = scf.for %scan3A_622 = %scan3A_616 to %scan3A_618 step %scan3A_619 iter_args(%scan3A_623 = %scan3A_615) -> (vector<16xf32>)  : i32 {
        %mul3A_624 = arith.constant 16 : i32
        %mul3A_625 = arith.muli %scan3A_622, %mul3A_624 : i32
        %get3A = arith.constant 2 : i32
        %get3A_626 = arith.index_cast %get3A : i32 to index
        %get3A_627 = arith.index_cast %scan3A_614 : i32 to index
        %get3A_628 = arith.index_cast %mul3A_625 : i32 to index
        %get3A_629 = tpu.vector_load %arg12[%get3A_626, %get3A_627, %get3A_628] {strides = array<i32>} : memref<3x16x128xf32, #tpu.memory_space<vmem>>, vector<1x1x16xf32>,
        %get3A_630 = vector.shape_cast %get3A_629 : vector<1x1x16xf32> to vector<16xf32>
        %add3A_631 = arith.constant 0 : i32
        %add3A_632 = arith.addi %add3A_631, %scan3A_614 : i32
        %mul3A_633 = arith.constant 16 : i32
        %mul3A_634 = arith.muli %scan3A_622, %mul3A_633 : i32
        %get3A_635 = arith.constant 2 : i32
        %get3A_636 = arith.index_cast %get3A_635 : i32 to index
        %get3A_637 = arith.index_cast %add3A_632 : i32 to index
        %get3A_638 = arith.index_cast %mul3A_634 : i32 to index
        %get3A_639 = tpu.vector_load %arg10[%get3A_636, %get3A_637, %get3A_638] {strides = array<i32>} : memref<3x80x128xf32, #tpu.memory_space<vmem>>, vector<1x1x16xf32>,
        %get3A_640 = vector.shape_cast %get3A_639 : vector<1x1x16xf32> to vector<16xf32>
        %mul3A_641 = arith.constant 16 : i32
        %mul3A_642 = arith.muli %scan3A_622, %mul3A_641 : i32
        %get3A_643 = arith.constant 2 : i32
        %get3A_644 = arith.index_cast %get3A_643 : i32 to index
        %get3A_645 = arith.index_cast %add3A_632 : i32 to index
        %get3A_646 = arith.index_cast %mul3A_642 : i32 to index
        %get3A_647 = tpu.vector_load %arg11[%get3A_644, %get3A_645, %get3A_646] {strides = array<i32>} : memref<3x80x128xf32, #tpu.memory_space<vmem>>, vector<1x1x16xf32>,
        %get3A_648 = vector.shape_cast %get3A_647 : vector<1x1x16xf32> to vector<16xf32>
        %mul3A_649 = arith.mulf %get3A_640, %get3A_648 : vector<16xf32>
        %mul3A_650 = arith.mulf %mul3A_649, %get3A_630 : vector<16xf32>
        %add3A_651 = arith.addf %scan3A_623, %mul3A_650 : vector<16xf32>
        %add3A_652 = arith.constant 16 : i32
        %add3A_653 = arith.addi %add3A_652, %scan3A_614 : i32
        %mul3A_654 = arith.constant 16 : i32
        %mul3A_655 = arith.muli %scan3A_622, %mul3A_654 : i32
        %get3A_656 = arith.constant 2 : i32
        %get3A_657 = arith.index_cast %get3A_656 : i32 to index
        %get3A_658 = arith.index_cast %add3A_653 : i32 to index
        %get3A_659 = arith.index_cast %mul3A_655 : i32 to index
        %get3A_660 = tpu.vector_load %arg10[%get3A_657, %get3A_658, %get3A_659] {strides = array<i32>} : memref<3x80x128xf32, #tpu.memory_space<vmem>>, vector<1x1x16xf32>,
        %get3A_661 = vector.shape_cast %get3A_660 : vector<1x1x16xf32> to vector<16xf32>
        %mul3A_662 = arith.constant 16 : i32
        %mul3A_663 = arith.muli %scan3A_622, %mul3A_662 : i32
        %get3A_664 = arith.constant 2 : i32
        %get3A_665 = arith.index_cast %get3A_664 : i32 to index
        %get3A_666 = arith.index_cast %add3A_653 : i32 to index
        %get3A_667 = arith.index_cast %mul3A_663 : i32 to index
        %get3A_668 = tpu.vector_load %arg11[%get3A_665, %get3A_666, %get3A_667] {strides = array<i32>} : memref<3x80x128xf32, #tpu.memory_space<vmem>>, vector<1x1x16xf32>,
        %get3A_669 = vector.shape_cast %get3A_668 : vector<1x1x16xf32> to vector<16xf32>
        %mul3A_670 = arith.mulf %get3A_661, %get3A_669 : vector<16xf32>
        %mul3A_671 = arith.mulf %mul3A_670, %get3A_630 : vector<16xf32>
        %add3A_672 = arith.addf %add3A_651, %mul3A_671 : vector<16xf32>
        %add3A_673 = arith.constant 32 : i32
        %add3A_674 = arith.addi %add3A_673, %scan3A_614 : i32
        %mul3A_675 = arith.constant 16 : i32
        %mul3A_676 = arith.muli %scan3A_622, %mul3A_675 : i32
        %get3A_677 = arith.constant 2 : i32
        %get3A_678 = arith.index_cast %get3A_677 : i32 to index
        %get3A_679 = arith.index_cast %add3A_674 : i32 to index
        %get3A_680 = arith.index_cast %mul3A_676 : i32 to index
        %get3A_681 = tpu.vector_load %arg10[%get3A_678, %get3A_679, %get3A_680] {strides = array<i32>} : memref<3x80x128xf32, #tpu.memory_space<vmem>>, vector<1x1x16xf32>,
        %get3A_682 = vector.shape_cast %get3A_681 : vector<1x1x16xf32> to vector<16xf32>
        %mul3A_683 = arith.constant 16 : i32
        %mul3A_684 = arith.muli %scan3A_622, %mul3A_683 : i32
        %get3A_685 = arith.constant 2 : i32
        %get3A_686 = arith.index_cast %get3A_685 : i32 to index
        %get3A_687 = arith.index_cast %add3A_674 : i32 to index
        %get3A_688 = arith.index_cast %mul3A_684 : i32 to index
        %get3A_689 = tpu.vector_load %arg11[%get3A_686, %get3A_687, %get3A_688] {strides = array<i32>} : memref<3x80x128xf32, #tpu.memory_space<vmem>>, vector<1x1x16xf32>,
        %get3A_690 = vector.shape_cast %get3A_689 : vector<1x1x16xf32> to vector<16xf32>
        %mul3A_691 = arith.mulf %get3A_682, %get3A_690 : vector<16xf32>
        %mul3A_692 = arith.mulf %mul3A_691, %get3A_630 : vector<16xf32>
        %add3A_693 = arith.addf %add3A_672, %mul3A_692 : vector<16xf32>
        %add3A_694 = arith.constant 48 : i32
        %add3A_695 = arith.addi %add3A_694, %scan3A_614 : i32
        %mul3A_696 = arith.constant 16 : i32
        %mul3A_697 = arith.muli %scan3A_622, %mul3A_696 : i32
        %get3A_698 = arith.constant 2 : i32
        %get3A_699 = arith.index_cast %get3A_698 : i32 to index
        %get3A_700 = arith.index_cast %add3A_695 : i32 to index
        %get3A_701 = arith.index_cast %mul3A_697 : i32 to index
        %get3A_702 = tpu.vector_load %arg10[%get3A_699, %get3A_700, %get3A_701] {strides = array<i32>} : memref<3x80x128xf32, #tpu.memory_space<vmem>>, vector<1x1x16xf32>,
        %get3A_703 = vector.shape_cast %get3A_702 : vector<1x1x16xf32> to vector<16xf32>
        %mul3A_704 = arith.constant 16 : i32
        %mul3A_705 = arith.muli %scan3A_622, %mul3A_704 : i32
        %get3A_706 = arith.constant 2 : i32
        %get3A_707 = arith.index_cast %get3A_706 : i32 to index
        %get3A_708 = arith.index_cast %add3A_695 : i32 to index
        %get3A_709 = arith.index_cast %mul3A_705 : i32 to index
        %get3A_710 = tpu.vector_load %arg11[%get3A_707, %get3A_708, %get3A_709] {strides = array<i32>} : memref<3x80x128xf32, #tpu.memory_space<vmem>>, vector<1x1x16xf32>,
        %get3A_711 = vector.shape_cast %get3A_710 : vector<1x1x16xf32> to vector<16xf32>
        %mul3A_712 = arith.mulf %get3A_703, %get3A_711 : vector<16xf32>
        %mul3A_713 = arith.mulf %mul3A_712, %get3A_630 : vector<16xf32>
        %add3A_714 = arith.addf %add3A_693, %mul3A_713 : vector<16xf32>
        %add3A_715 = arith.constant 64 : i32
        %add3A_716 = arith.addi %add3A_715, %scan3A_614 : i32
        %mul3A_717 = arith.constant 16 : i32
        %mul3A_718 = arith.muli %scan3A_622, %mul3A_717 : i32
        %get3A_719 = arith.constant 2 : i32
        %get3A_720 = arith.index_cast %get3A_719 : i32 to index
        %get3A_721 = arith.index_cast %add3A_716 : i32 to index
        %get3A_722 = arith.index_cast %mul3A_718 : i32 to index
        %get3A_723 = tpu.vector_load %arg10[%get3A_720, %get3A_721, %get3A_722] {strides = array<i32>} : memref<3x80x128xf32, #tpu.memory_space<vmem>>, vector<1x1x16xf32>,
        %get3A_724 = vector.shape_cast %get3A_723 : vector<1x1x16xf32> to vector<16xf32>
        %mul3A_725 = arith.constant 16 : i32
        %mul3A_726 = arith.muli %scan3A_622, %mul3A_725 : i32
        %get3A_727 = arith.constant 2 : i32
        %get3A_728 = arith.index_cast %get3A_727 : i32 to index
        %get3A_729 = arith.index_cast %add3A_716 : i32 to index
        %get3A_730 = arith.index_cast %mul3A_726 : i32 to index
        %get3A_731 = tpu.vector_load %arg11[%get3A_728, %get3A_729, %get3A_730] {strides = array<i32>} : memref<3x80x128xf32, #tpu.memory_space<vmem>>, vector<1x1x16xf32>,
        %get3A_732 = vector.shape_cast %get3A_731 : vector<1x1x16xf32> to vector<16xf32>
        %mul3A_733 = arith.mulf %get3A_724, %get3A_732 : vector<16xf32>
        %mul3A_734 = arith.mulf %mul3A_733, %get3A_630 : vector<16xf32>
        %add3A_735 = arith.addf %add3A_714, %mul3A_734 : vector<16xf32>
        scf.yield %add3A_735 : vector<16xf32>
      }
      %scan3A_621 = arith.constant 8 : i32
      scf.yield %scan3A_620 : vector<16xf32>
    }
    %scan3A_530 = arith.constant 16 : i32
    %dma_wait3A_531 = arith.constant 0 : i32
    %dma_wait3A_532 = arith.constant 0 : i32
    %dma_wait3A_533 = arith.constant 0 : i32
    %dma_wait3A_534 = tpu.memref_slice %arg10[%dma_wait3A_531, %dma_wait3A_532, %dma_wait3A_533] : memref<3x80x128xf32, #tpu.memory_space<vmem>> -> memref<1x80x128xf32, #tpu.memory_space<vmem>>
    %dma_wait3A_535 = tpu.memref_squeeze %dma_wait3A_534 : memref<1x80x128xf32, #tpu.memory_space<vmem>> -> memref<80x128xf32, #tpu.memory_space<vmem>>
    %dma_wait3A_536 = arith.constant 480 : i32
    %dma_wait3A_537 = tpu.memref_slice %arg8[%dma_wait3A_536] : memref<640xi32, #tpu.memory_space<vmem>> -> memref<80xi32, #tpu.memory_space<vmem>>
    %dma_wait3A_538 = arith.constant 0 : i32
    %dma_wait3A_539 = arith.constant 0 : i32
    %dma_wait3A_540 = tpu.memref_slice %arg2[%dma_wait3A_538, %dma_wait3A_539] : memref<500000x128xf32, #tpu.memory_space<hbm>> -> memref<500000x128xf32, #tpu.memory_space<hbm>>
    tpu.wait_indirect_dma semaphore(%arg14 : memref<!tpu.dma_semaphore, #tpu.memory_space<semaphore_mem>>) src(%dma_wait3A_540 : memref<500000x128xf32, #tpu.memory_space<hbm>>) dst(%dma_wait3A_535 : memref<80x128xf32, #tpu.memory_space<vmem>>)
    %dma_wait3A_541 = arith.constant 0 : i32
    %dma_wait3A_542 = arith.constant 0 : i32
    %dma_wait3A_543 = arith.constant 0 : i32
    %dma_wait3A_544 = tpu.memref_slice %arg11[%dma_wait3A_541, %dma_wait3A_542, %dma_wait3A_543] : memref<3x80x128xf32, #tpu.memory_space<vmem>> -> memref<1x80x128xf32, #tpu.memory_space<vmem>>
    %dma_wait3A_545 = tpu.memref_squeeze %dma_wait3A_544 : memref<1x80x128xf32, #tpu.memory_space<vmem>> -> memref<80x128xf32, #tpu.memory_space<vmem>>
    %dma_wait3A_546 = arith.constant 480 : i32
    %dma_wait3A_547 = tpu.memref_slice %arg9[%dma_wait3A_546] : memref<640xi32, #tpu.memory_space<vmem>> -> memref<80xi32, #tpu.memory_space<vmem>>
    %dma_wait3A_548 = arith.constant 0 : i32
    %dma_wait3A_549 = arith.constant 0 : i32
    %dma_wait3A_550 = tpu.memref_slice %arg3[%dma_wait3A_548, %dma_wait3A_549] : memref<20480x128xf32, #tpu.memory_space<hbm>> -> memref<20480x128xf32, #tpu.memory_space<hbm>>
    tpu.wait_indirect_dma semaphore(%arg14 : memref<!tpu.dma_semaphore, #tpu.memory_space<semaphore_mem>>) src(%dma_wait3A_550 : memref<20480x128xf32, #tpu.memory_space<hbm>>) dst(%dma_wait3A_545 : memref<80x128xf32, #tpu.memory_space<vmem>>)
    %dma_wait3A_551 = arith.constant 0 : i32
    %dma_wait3A_552 = arith.constant 0 : i32
    %dma_wait3A_553 = arith.constant 0 : i32
    %dma_wait3A_554 = tpu.memref_slice %arg12[%dma_wait3A_551, %dma_wait3A_552, %dma_wait3A_553] : memref<3x16x128xf32, #tpu.memory_space<vmem>> -> memref<1x16x128xf32, #tpu.memory_space<vmem>>
    %dma_wait3A_555 = tpu.memref_squeeze %dma_wait3A_554 : memref<1x16x128xf32, #tpu.memory_space<vmem>> -> memref<16x128xf32, #tpu.memory_space<vmem>>
    %dma_wait3A_556 = arith.constant 0 : i32
    %dma_wait3A_557 = tpu.memref_slice %arg4[%add3A_404, %dma_wait3A_556] : memref<4096x128xf32, #tpu.memory_space<hbm>> -> memref<16x128xf32, #tpu.memory_space<hbm>>
    %dma_wait3A_558 = arith.constant 0 : i32
    %dma_wait3A_559 = arith.constant 0 : i32
    %dma_wait3A_560 = tpu.memref_slice %arg12[%dma_wait3A_551, %dma_wait3A_558, %dma_wait3A_559] : memref<3x16x128xf32, #tpu.memory_space<vmem>> -> memref<1x16x128xf32, #tpu.memory_space<vmem>>
    %dma_wait3A_561 = tpu.memref_squeeze %dma_wait3A_560 : memref<1x16x128xf32, #tpu.memory_space<vmem>> -> memref<16x128xf32, #tpu.memory_space<vmem>>
    %dma_wait3A_562 = arith.constant 0 : i32
    %dma_wait3A_563 = tpu.memref_slice %arg4[%add3A_404, %dma_wait3A_562] : memref<4096x128xf32, #tpu.memory_space<hbm>> -> memref<16x128xf32, #tpu.memory_space<hbm>>
    tpu.wait_dma2 semaphore(%arg14 : memref<!tpu.dma_semaphore, #tpu.memory_space<semaphore_mem>>) src(%dma_wait3A_563 : memref<16x128xf32, #tpu.memory_space<hbm>>) dst(%dma_wait3A_561 : memref<16x128xf32, #tpu.memory_space<vmem>>)
    %scan3A_564 = arith.constant 0 : i32
    %scan3A_565 = arith.constant 16 : i32
    %scan3A_566 = arith.addi %scan3A_564, %scan3A_565 : i32
    %scan3A_567 = arith.constant 1 : i32
    %scan3A_568 = scf.for %scan3A_614 = %scan3A_564 to %scan3A_566 step %scan3A_567 iter_args(%scan3A_615 = %scan3A_529) -> (vector<16xf32>)  : i32 {
      %scan3A_616 = arith.constant 0 : i32
      %scan3A_617 = arith.constant 8 : i32
      %scan3A_618 = arith.addi %scan3A_616, %scan3A_617 : i32
      %scan3A_619 = arith.constant 1 : i32
      %scan3A_620 = scf.for %scan3A_622 = %scan3A_616 to %scan3A_618 step %scan3A_619 iter_args(%scan3A_623 = %scan3A_615) -> (vector<16xf32>)  : i32 {
        %mul3A_624 = arith.constant 16 : i32
        %mul3A_625 = arith.muli %scan3A_622, %mul3A_624 : i32
        %get3A = arith.constant 0 : i32
        %get3A_626 = arith.index_cast %get3A : i32 to index
        %get3A_627 = arith.index_cast %scan3A_614 : i32 to index
        %get3A_628 = arith.index_cast %mul3A_625 : i32 to index
        %get3A_629 = tpu.vector_load %arg12[%get3A_626, %get3A_627, %get3A_628] {strides = array<i32>} : memref<3x16x128xf32, #tpu.memory_space<vmem>>, vector<1x1x16xf32>,
        %get3A_630 = vector.shape_cast %get3A_629 : vector<1x1x16xf32> to vector<16xf32>
        %add3A_631 = arith.constant 0 : i32
        %add3A_632 = arith.addi %add3A_631, %scan3A_614 : i32
        %mul3A_633 = arith.constant 16 : i32
        %mul3A_634 = arith.muli %scan3A_622, %mul3A_633 : i32
        %get3A_635 = arith.constant 0 : i32
        %get3A_636 = arith.index_cast %get3A_635 : i32 to index
        %get3A_637 = arith.index_cast %add3A_632 : i32 to index
        %get3A_638 = arith.index_cast %mul3A_634 : i32 to index
        %get3A_639 = tpu.vector_load %arg10[%get3A_636, %get3A_637, %get3A_638] {strides = array<i32>} : memref<3x80x128xf32, #tpu.memory_space<vmem>>, vector<1x1x16xf32>,
        %get3A_640 = vector.shape_cast %get3A_639 : vector<1x1x16xf32> to vector<16xf32>
        %mul3A_641 = arith.constant 16 : i32
        %mul3A_642 = arith.muli %scan3A_622, %mul3A_641 : i32
        %get3A_643 = arith.constant 0 : i32
        %get3A_644 = arith.index_cast %get3A_643 : i32 to index
        %get3A_645 = arith.index_cast %add3A_632 : i32 to index
        %get3A_646 = arith.index_cast %mul3A_642 : i32 to index
        %get3A_647 = tpu.vector_load %arg11[%get3A_644, %get3A_645, %get3A_646] {strides = array<i32>} : memref<3x80x128xf32, #tpu.memory_space<vmem>>, vector<1x1x16xf32>,
        %get3A_648 = vector.shape_cast %get3A_647 : vector<1x1x16xf32> to vector<16xf32>
        %mul3A_649 = arith.mulf %get3A_640, %get3A_648 : vector<16xf32>
        %mul3A_650 = arith.mulf %mul3A_649, %get3A_630 : vector<16xf32>
        %add3A_651 = arith.addf %scan3A_623, %mul3A_650 : vector<16xf32>
        %add3A_652 = arith.constant 16 : i32
        %add3A_653 = arith.addi %add3A_652, %scan3A_614 : i32
        %mul3A_654 = arith.constant 16 : i32
        %mul3A_655 = arith.muli %scan3A_622, %mul3A_654 : i32
        %get3A_656 = arith.constant 0 : i32
        %get3A_657 = arith.index_cast %get3A_656 : i32 to index
        %get3A_658 = arith.index_cast %add3A_653 : i32 to index
        %get3A_659 = arith.index_cast %mul3A_655 : i32 to index
        %get3A_660 = tpu.vector_load %arg10[%get3A_657, %get3A_658, %get3A_659] {strides = array<i32>} : memref<3x80x128xf32, #tpu.memory_space<vmem>>, vector<1x1x16xf32>,
        %get3A_661 = vector.shape_cast %get3A_660 : vector<1x1x16xf32> to vector<16xf32>
        %mul3A_662 = arith.constant 16 : i32
        %mul3A_663 = arith.muli %scan3A_622, %mul3A_662 : i32
        %get3A_664 = arith.constant 0 : i32
        %get3A_665 = arith.index_cast %get3A_664 : i32 to index
        %get3A_666 = arith.index_cast %add3A_653 : i32 to index
        %get3A_667 = arith.index_cast %mul3A_663 : i32 to index
        %get3A_668 = tpu.vector_load %arg11[%get3A_665, %get3A_666, %get3A_667] {strides = array<i32>} : memref<3x80x128xf32, #tpu.memory_space<vmem>>, vector<1x1x16xf32>,
        %get3A_669 = vector.shape_cast %get3A_668 : vector<1x1x16xf32> to vector<16xf32>
        %mul3A_670 = arith.mulf %get3A_661, %get3A_669 : vector<16xf32>
        %mul3A_671 = arith.mulf %mul3A_670, %get3A_630 : vector<16xf32>
        %add3A_672 = arith.addf %add3A_651, %mul3A_671 : vector<16xf32>
        %add3A_673 = arith.constant 32 : i32
        %add3A_674 = arith.addi %add3A_673, %scan3A_614 : i32
        %mul3A_675 = arith.constant 16 : i32
        %mul3A_676 = arith.muli %scan3A_622, %mul3A_675 : i32
        %get3A_677 = arith.constant 0 : i32
        %get3A_678 = arith.index_cast %get3A_677 : i32 to index
        %get3A_679 = arith.index_cast %add3A_674 : i32 to index
        %get3A_680 = arith.index_cast %mul3A_676 : i32 to index
        %get3A_681 = tpu.vector_load %arg10[%get3A_678, %get3A_679, %get3A_680] {strides = array<i32>} : memref<3x80x128xf32, #tpu.memory_space<vmem>>, vector<1x1x16xf32>,
        %get3A_682 = vector.shape_cast %get3A_681 : vector<1x1x16xf32> to vector<16xf32>
        %mul3A_683 = arith.constant 16 : i32
        %mul3A_684 = arith.muli %scan3A_622, %mul3A_683 : i32
        %get3A_685 = arith.constant 0 : i32
        %get3A_686 = arith.index_cast %get3A_685 : i32 to index
        %get3A_687 = arith.index_cast %add3A_674 : i32 to index
        %get3A_688 = arith.index_cast %mul3A_684 : i32 to index
        %get3A_689 = tpu.vector_load %arg11[%get3A_686, %get3A_687, %get3A_688] {strides = array<i32>} : memref<3x80x128xf32, #tpu.memory_space<vmem>>, vector<1x1x16xf32>,
        %get3A_690 = vector.shape_cast %get3A_689 : vector<1x1x16xf32> to vector<16xf32>
        %mul3A_691 = arith.mulf %get3A_682, %get3A_690 : vector<16xf32>
        %mul3A_692 = arith.mulf %mul3A_691, %get3A_630 : vector<16xf32>
        %add3A_693 = arith.addf %add3A_672, %mul3A_692 : vector<16xf32>
        %add3A_694 = arith.constant 48 : i32
        %add3A_695 = arith.addi %add3A_694, %scan3A_614 : i32
        %mul3A_696 = arith.constant 16 : i32
        %mul3A_697 = arith.muli %scan3A_622, %mul3A_696 : i32
        %get3A_698 = arith.constant 0 : i32
        %get3A_699 = arith.index_cast %get3A_698 : i32 to index
        %get3A_700 = arith.index_cast %add3A_695 : i32 to index
        %get3A_701 = arith.index_cast %mul3A_697 : i32 to index
        %get3A_702 = tpu.vector_load %arg10[%get3A_699, %get3A_700, %get3A_701] {strides = array<i32>} : memref<3x80x128xf32, #tpu.memory_space<vmem>>, vector<1x1x16xf32>,
        %get3A_703 = vector.shape_cast %get3A_702 : vector<1x1x16xf32> to vector<16xf32>
        %mul3A_704 = arith.constant 16 : i32
        %mul3A_705 = arith.muli %scan3A_622, %mul3A_704 : i32
        %get3A_706 = arith.constant 0 : i32
        %get3A_707 = arith.index_cast %get3A_706 : i32 to index
        %get3A_708 = arith.index_cast %add3A_695 : i32 to index
        %get3A_709 = arith.index_cast %mul3A_705 : i32 to index
        %get3A_710 = tpu.vector_load %arg11[%get3A_707, %get3A_708, %get3A_709] {strides = array<i32>} : memref<3x80x128xf32, #tpu.memory_space<vmem>>, vector<1x1x16xf32>,
        %get3A_711 = vector.shape_cast %get3A_710 : vector<1x1x16xf32> to vector<16xf32>
        %mul3A_712 = arith.mulf %get3A_703, %get3A_711 : vector<16xf32>
        %mul3A_713 = arith.mulf %mul3A_712, %get3A_630 : vector<16xf32>
        %add3A_714 = arith.addf %add3A_693, %mul3A_713 : vector<16xf32>
        %add3A_715 = arith.constant 64 : i32
        %add3A_716 = arith.addi %add3A_715, %scan3A_614 : i32
        %mul3A_717 = arith.constant 16 : i32
        %mul3A_718 = arith.muli %scan3A_622, %mul3A_717 : i32
        %get3A_719 = arith.constant 0 : i32
        %get3A_720 = arith.index_cast %get3A_719 : i32 to index
        %get3A_721 = arith.index_cast %add3A_716 : i32 to index
        %get3A_722 = arith.index_cast %mul3A_718 : i32 to index
        %get3A_723 = tpu.vector_load %arg10[%get3A_720, %get3A_721, %get3A_722] {strides = array<i32>} : memref<3x80x128xf32, #tpu.memory_space<vmem>>, vector<1x1x16xf32>,
        %get3A_724 = vector.shape_cast %get3A_723 : vector<1x1x16xf32> to vector<16xf32>
        %mul3A_725 = arith.constant 16 : i32
        %mul3A_726 = arith.muli %scan3A_622, %mul3A_725 : i32
        %get3A_727 = arith.constant 0 : i32
        %get3A_728 = arith.index_cast %get3A_727 : i32 to index
        %get3A_729 = arith.index_cast %add3A_716 : i32 to index
        %get3A_730 = arith.index_cast %mul3A_726 : i32 to index
        %get3A_731 = tpu.vector_load %arg11[%get3A_728, %get3A_729, %get3A_730] {strides = array<i32>} : memref<3x80x128xf32, #tpu.memory_space<vmem>>, vector<1x1x16xf32>,
        %get3A_732 = vector.shape_cast %get3A_731 : vector<1x1x16xf32> to vector<16xf32>
        %mul3A_733 = arith.mulf %get3A_724, %get3A_732 : vector<16xf32>
        %mul3A_734 = arith.mulf %mul3A_733, %get3A_630 : vector<16xf32>
        %add3A_735 = arith.addf %add3A_714, %mul3A_734 : vector<16xf32>
        scf.yield %add3A_735 : vector<16xf32>
      }
      %scan3A_621 = arith.constant 8 : i32
      scf.yield %scan3A_620 : vector<16xf32>
    }
    %scan3A_569 = arith.constant 16 : i32
    %dma_wait3A_570 = arith.constant 1 : i32
    %dma_wait3A_571 = arith.constant 0 : i32
    %dma_wait3A_572 = arith.constant 0 : i32
    %dma_wait3A_573 = tpu.memref_slice %arg10[%dma_wait3A_570, %dma_wait3A_571, %dma_wait3A_572] : memref<3x80x128xf32, #tpu.memory_space<vmem>> -> memref<1x80x128xf32, #tpu.memory_space<vmem>>
    %dma_wait3A_574 = tpu.memref_squeeze %dma_wait3A_573 : memref<1x80x128xf32, #tpu.memory_space<vmem>> -> memref<80x128xf32, #tpu.memory_space<vmem>>
    %dma_wait3A_575 = arith.constant 560 : i32
    %dma_wait3A_576 = tpu.memref_slice %arg8[%dma_wait3A_575] : memref<640xi32, #tpu.memory_space<vmem>> -> memref<80xi32, #tpu.memory_space<vmem>>
    %dma_wait3A_577 = arith.constant 0 : i32
    %dma_wait3A_578 = arith.constant 0 : i32
    %dma_wait3A_579 = tpu.memref_slice %arg2[%dma_wait3A_577, %dma_wait3A_578] : memref<500000x128xf32, #tpu.memory_space<hbm>> -> memref<500000x128xf32, #tpu.memory_space<hbm>>
    tpu.wait_indirect_dma semaphore(%arg15 : memref<!tpu.dma_semaphore, #tpu.memory_space<semaphore_mem>>) src(%dma_wait3A_579 : memref<500000x128xf32, #tpu.memory_space<hbm>>) dst(%dma_wait3A_574 : memref<80x128xf32, #tpu.memory_space<vmem>>)
    %dma_wait3A_580 = arith.constant 1 : i32
    %dma_wait3A_581 = arith.constant 0 : i32
    %dma_wait3A_582 = arith.constant 0 : i32
    %dma_wait3A_583 = tpu.memref_slice %arg11[%dma_wait3A_580, %dma_wait3A_581, %dma_wait3A_582] : memref<3x80x128xf32, #tpu.memory_space<vmem>> -> memref<1x80x128xf32, #tpu.memory_space<vmem>>
    %dma_wait3A_584 = tpu.memref_squeeze %dma_wait3A_583 : memref<1x80x128xf32, #tpu.memory_space<vmem>> -> memref<80x128xf32, #tpu.memory_space<vmem>>
    %dma_wait3A_585 = arith.constant 560 : i32
    %dma_wait3A_586 = tpu.memref_slice %arg9[%dma_wait3A_585] : memref<640xi32, #tpu.memory_space<vmem>> -> memref<80xi32, #tpu.memory_space<vmem>>
    %dma_wait3A_587 = arith.constant 0 : i32
    %dma_wait3A_588 = arith.constant 0 : i32
    %dma_wait3A_589 = tpu.memref_slice %arg3[%dma_wait3A_587, %dma_wait3A_588] : memref<20480x128xf32, #tpu.memory_space<hbm>> -> memref<20480x128xf32, #tpu.memory_space<hbm>>
    tpu.wait_indirect_dma semaphore(%arg15 : memref<!tpu.dma_semaphore, #tpu.memory_space<semaphore_mem>>) src(%dma_wait3A_589 : memref<20480x128xf32, #tpu.memory_space<hbm>>) dst(%dma_wait3A_584 : memref<80x128xf32, #tpu.memory_space<vmem>>)
    %dma_wait3A_590 = arith.constant 1 : i32
    %dma_wait3A_591 = arith.constant 0 : i32
    %dma_wait3A_592 = arith.constant 0 : i32
    %dma_wait3A_593 = tpu.memref_slice %arg12[%dma_wait3A_590, %dma_wait3A_591, %dma_wait3A_592] : memref<3x16x128xf32, #tpu.memory_space<vmem>> -> memref<1x16x128xf32, #tpu.memory_space<vmem>>
    %dma_wait3A_594 = tpu.memref_squeeze %dma_wait3A_593 : memref<1x16x128xf32, #tpu.memory_space<vmem>> -> memref<16x128xf32, #tpu.memory_space<vmem>>
    %dma_wait3A_595 = arith.constant 0 : i32
    %dma_wait3A_596 = tpu.memref_slice %arg4[%add3A_478, %dma_wait3A_595] : memref<4096x128xf32, #tpu.memory_space<hbm>> -> memref<16x128xf32, #tpu.memory_space<hbm>>
    %dma_wait3A_597 = arith.constant 0 : i32
    %dma_wait3A_598 = arith.constant 0 : i32
    %dma_wait3A_599 = tpu.memref_slice %arg12[%dma_wait3A_590, %dma_wait3A_597, %dma_wait3A_598] : memref<3x16x128xf32, #tpu.memory_space<vmem>> -> memref<1x16x128xf32, #tpu.memory_space<vmem>>
    %dma_wait3A_600 = tpu.memref_squeeze %dma_wait3A_599 : memref<1x16x128xf32, #tpu.memory_space<vmem>> -> memref<16x128xf32, #tpu.memory_space<vmem>>
    %dma_wait3A_601 = arith.constant 0 : i32
    %dma_wait3A_602 = tpu.memref_slice %arg4[%add3A_478, %dma_wait3A_601] : memref<4096x128xf32, #tpu.memory_space<hbm>> -> memref<16x128xf32, #tpu.memory_space<hbm>>
    tpu.wait_dma2 semaphore(%arg15 : memref<!tpu.dma_semaphore, #tpu.memory_space<semaphore_mem>>) src(%dma_wait3A_602 : memref<16x128xf32, #tpu.memory_space<hbm>>) dst(%dma_wait3A_600 : memref<16x128xf32, #tpu.memory_space<vmem>>)
    %scan3A_603 = arith.constant 0 : i32
    %scan3A_604 = arith.constant 16 : i32
    %scan3A_605 = arith.addi %scan3A_603, %scan3A_604 : i32
    %scan3A_606 = arith.constant 1 : i32
    %scan3A_607 = scf.for %scan3A_614 = %scan3A_603 to %scan3A_605 step %scan3A_606 iter_args(%scan3A_615 = %scan3A_568) -> (vector<16xf32>)  : i32 {
      %scan3A_616 = arith.constant 0 : i32
      %scan3A_617 = arith.constant 8 : i32
      %scan3A_618 = arith.addi %scan3A_616, %scan3A_617 : i32
      %scan3A_619 = arith.constant 1 : i32
      %scan3A_620 = scf.for %scan3A_622 = %scan3A_616 to %scan3A_618 step %scan3A_619 iter_args(%scan3A_623 = %scan3A_615) -> (vector<16xf32>)  : i32 {
        %mul3A_624 = arith.constant 16 : i32
        %mul3A_625 = arith.muli %scan3A_622, %mul3A_624 : i32
        %get3A = arith.constant 1 : i32
        %get3A_626 = arith.index_cast %get3A : i32 to index
        %get3A_627 = arith.index_cast %scan3A_614 : i32 to index
        %get3A_628 = arith.index_cast %mul3A_625 : i32 to index
        %get3A_629 = tpu.vector_load %arg12[%get3A_626, %get3A_627, %get3A_628] {strides = array<i32>} : memref<3x16x128xf32, #tpu.memory_space<vmem>>, vector<1x1x16xf32>,
        %get3A_630 = vector.shape_cast %get3A_629 : vector<1x1x16xf32> to vector<16xf32>
        %add3A_631 = arith.constant 0 : i32
        %add3A_632 = arith.addi %add3A_631, %scan3A_614 : i32
        %mul3A_633 = arith.constant 16 : i32
        %mul3A_634 = arith.muli %scan3A_622, %mul3A_633 : i32
        %get3A_635 = arith.constant 1 : i32
        %get3A_636 = arith.index_cast %get3A_635 : i32 to index
        %get3A_637 = arith.index_cast %add3A_632 : i32 to index
        %get3A_638 = arith.index_cast %mul3A_634 : i32 to index
        %get3A_639 = tpu.vector_load %arg10[%get3A_636, %get3A_637, %get3A_638] {strides = array<i32>} : memref<3x80x128xf32, #tpu.memory_space<vmem>>, vector<1x1x16xf32>,
        %get3A_640 = vector.shape_cast %get3A_639 : vector<1x1x16xf32> to vector<16xf32>
        %mul3A_641 = arith.constant 16 : i32
        %mul3A_642 = arith.muli %scan3A_622, %mul3A_641 : i32
        %get3A_643 = arith.constant 1 : i32
        %get3A_644 = arith.index_cast %get3A_643 : i32 to index
        %get3A_645 = arith.index_cast %add3A_632 : i32 to index
        %get3A_646 = arith.index_cast %mul3A_642 : i32 to index
        %get3A_647 = tpu.vector_load %arg11[%get3A_644, %get3A_645, %get3A_646] {strides = array<i32>} : memref<3x80x128xf32, #tpu.memory_space<vmem>>, vector<1x1x16xf32>,
        %get3A_648 = vector.shape_cast %get3A_647 : vector<1x1x16xf32> to vector<16xf32>
        %mul3A_649 = arith.mulf %get3A_640, %get3A_648 : vector<16xf32>
        %mul3A_650 = arith.mulf %mul3A_649, %get3A_630 : vector<16xf32>
        %add3A_651 = arith.addf %scan3A_623, %mul3A_650 : vector<16xf32>
        %add3A_652 = arith.constant 16 : i32
        %add3A_653 = arith.addi %add3A_652, %scan3A_614 : i32
        %mul3A_654 = arith.constant 16 : i32
        %mul3A_655 = arith.muli %scan3A_622, %mul3A_654 : i32
        %get3A_656 = arith.constant 1 : i32
        %get3A_657 = arith.index_cast %get3A_656 : i32 to index
        %get3A_658 = arith.index_cast %add3A_653 : i32 to index
        %get3A_659 = arith.index_cast %mul3A_655 : i32 to index
        %get3A_660 = tpu.vector_load %arg10[%get3A_657, %get3A_658, %get3A_659] {strides = array<i32>} : memref<3x80x128xf32, #tpu.memory_space<vmem>>, vector<1x1x16xf32>,
        %get3A_661 = vector.shape_cast %get3A_660 : vector<1x1x16xf32> to vector<16xf32>
        %mul3A_662 = arith.constant 16 : i32
        %mul3A_663 = arith.muli %scan3A_622, %mul3A_662 : i32
        %get3A_664 = arith.constant 1 : i32
        %get3A_665 = arith.index_cast %get3A_664 : i32 to index
        %get3A_666 = arith.index_cast %add3A_653 : i32 to index
        %get3A_667 = arith.index_cast %mul3A_663 : i32 to index
        %get3A_668 = tpu.vector_load %arg11[%get3A_665, %get3A_666, %get3A_667] {strides = array<i32>} : memref<3x80x128xf32, #tpu.memory_space<vmem>>, vector<1x1x16xf32>,
        %get3A_669 = vector.shape_cast %get3A_668 : vector<1x1x16xf32> to vector<16xf32>
        %mul3A_670 = arith.mulf %get3A_661, %get3A_669 : vector<16xf32>
        %mul3A_671 = arith.mulf %mul3A_670, %get3A_630 : vector<16xf32>
        %add3A_672 = arith.addf %add3A_651, %mul3A_671 : vector<16xf32>
        %add3A_673 = arith.constant 32 : i32
        %add3A_674 = arith.addi %add3A_673, %scan3A_614 : i32
        %mul3A_675 = arith.constant 16 : i32
        %mul3A_676 = arith.muli %scan3A_622, %mul3A_675 : i32
        %get3A_677 = arith.constant 1 : i32
        %get3A_678 = arith.index_cast %get3A_677 : i32 to index
        %get3A_679 = arith.index_cast %add3A_674 : i32 to index
        %get3A_680 = arith.index_cast %mul3A_676 : i32 to index
        %get3A_681 = tpu.vector_load %arg10[%get3A_678, %get3A_679, %get3A_680] {strides = array<i32>} : memref<3x80x128xf32, #tpu.memory_space<vmem>>, vector<1x1x16xf32>,
        %get3A_682 = vector.shape_cast %get3A_681 : vector<1x1x16xf32> to vector<16xf32>
        %mul3A_683 = arith.constant 16 : i32
        %mul3A_684 = arith.muli %scan3A_622, %mul3A_683 : i32
        %get3A_685 = arith.constant 1 : i32
        %get3A_686 = arith.index_cast %get3A_685 : i32 to index
        %get3A_687 = arith.index_cast %add3A_674 : i32 to index
        %get3A_688 = arith.index_cast %mul3A_684 : i32 to index
        %get3A_689 = tpu.vector_load %arg11[%get3A_686, %get3A_687, %get3A_688] {strides = array<i32>} : memref<3x80x128xf32, #tpu.memory_space<vmem>>, vector<1x1x16xf32>,
        %get3A_690 = vector.shape_cast %get3A_689 : vector<1x1x16xf32> to vector<16xf32>
        %mul3A_691 = arith.mulf %get3A_682, %get3A_690 : vector<16xf32>
        %mul3A_692 = arith.mulf %mul3A_691, %get3A_630 : vector<16xf32>
        %add3A_693 = arith.addf %add3A_672, %mul3A_692 : vector<16xf32>
        %add3A_694 = arith.constant 48 : i32
        %add3A_695 = arith.addi %add3A_694, %scan3A_614 : i32
        %mul3A_696 = arith.constant 16 : i32
        %mul3A_697 = arith.muli %scan3A_622, %mul3A_696 : i32
        %get3A_698 = arith.constant 1 : i32
        %get3A_699 = arith.index_cast %get3A_698 : i32 to index
        %get3A_700 = arith.index_cast %add3A_695 : i32 to index
        %get3A_701 = arith.index_cast %mul3A_697 : i32 to index
        %get3A_702 = tpu.vector_load %arg10[%get3A_699, %get3A_700, %get3A_701] {strides = array<i32>} : memref<3x80x128xf32, #tpu.memory_space<vmem>>, vector<1x1x16xf32>,
        %get3A_703 = vector.shape_cast %get3A_702 : vector<1x1x16xf32> to vector<16xf32>
        %mul3A_704 = arith.constant 16 : i32
        %mul3A_705 = arith.muli %scan3A_622, %mul3A_704 : i32
        %get3A_706 = arith.constant 1 : i32
        %get3A_707 = arith.index_cast %get3A_706 : i32 to index
        %get3A_708 = arith.index_cast %add3A_695 : i32 to index
        %get3A_709 = arith.index_cast %mul3A_705 : i32 to index
        %get3A_710 = tpu.vector_load %arg11[%get3A_707, %get3A_708, %get3A_709] {strides = array<i32>} : memref<3x80x128xf32, #tpu.memory_space<vmem>>, vector<1x1x16xf32>,
        %get3A_711 = vector.shape_cast %get3A_710 : vector<1x1x16xf32> to vector<16xf32>
        %mul3A_712 = arith.mulf %get3A_703, %get3A_711 : vector<16xf32>
        %mul3A_713 = arith.mulf %mul3A_712, %get3A_630 : vector<16xf32>
        %add3A_714 = arith.addf %add3A_693, %mul3A_713 : vector<16xf32>
        %add3A_715 = arith.constant 64 : i32
        %add3A_716 = arith.addi %add3A_715, %scan3A_614 : i32
        %mul3A_717 = arith.constant 16 : i32
        %mul3A_718 = arith.muli %scan3A_622, %mul3A_717 : i32
        %get3A_719 = arith.constant 1 : i32
        %get3A_720 = arith.index_cast %get3A_719 : i32 to index
        %get3A_721 = arith.index_cast %add3A_716 : i32 to index
        %get3A_722 = arith.index_cast %mul3A_718 : i32 to index
        %get3A_723 = tpu.vector_load %arg10[%get3A_720, %get3A_721, %get3A_722] {strides = array<i32>} : memref<3x80x128xf32, #tpu.memory_space<vmem>>, vector<1x1x16xf32>,
        %get3A_724 = vector.shape_cast %get3A_723 : vector<1x1x16xf32> to vector<16xf32>
        %mul3A_725 = arith.constant 16 : i32
        %mul3A_726 = arith.muli %scan3A_622, %mul3A_725 : i32
        %get3A_727 = arith.constant 1 : i32
        %get3A_728 = arith.index_cast %get3A_727 : i32 to index
        %get3A_729 = arith.index_cast %add3A_716 : i32 to index
        %get3A_730 = arith.index_cast %mul3A_726 : i32 to index
        %get3A_731 = tpu.vector_load %arg11[%get3A_728, %get3A_729, %get3A_730] {strides = array<i32>} : memref<3x80x128xf32, #tpu.memory_space<vmem>>, vector<1x1x16xf32>,
        %get3A_732 = vector.shape_cast %get3A_731 : vector<1x1x16xf32> to vector<16xf32>
        %mul3A_733 = arith.mulf %get3A_724, %get3A_732 : vector<16xf32>
        %mul3A_734 = arith.mulf %mul3A_733, %get3A_630 : vector<16xf32>
        %add3A_735 = arith.addf %add3A_714, %mul3A_734 : vector<16xf32>
        scf.yield %add3A_735 : vector<16xf32>
      }
      %scan3A_621 = arith.constant 8 : i32
      scf.yield %scan3A_620 : vector<16xf32>
    }
    %scan3A_608 = arith.constant 16 : i32
    %swap3A = arith.constant 0 : index
    %swap3A_609 = tpu.vector_load %arg13[%swap3A] {strides = array<i32>} : memref<16xf32, #tpu.memory_space<vmem>>, vector<16xf32>,
    %swap3A_610 = vector.shape_cast %swap3A_609 : vector<16xf32> to vector<16xf32>
    %swap3A_611 = vector.shape_cast %scan3A_607 : vector<16xf32> to vector<16xf32>
    tpu.vector_store %arg13[%swap3A], %swap3A_611 {strides = array<i32>} : memref<16xf32, #tpu.memory_space<vmem>>, vector<16xf32>,
    %mul3A_612 = arith.constant 16 : i32
    %mul3A_613 = arith.muli %add3A, %mul3A_612 : i32
    "tpu.region"() ({
      %run_scoped3A = tpu.sem_alloc : memref<!tpu.dma_semaphore, #tpu.memory_space<semaphore_mem>>
      %dma_start3A_614 = tpu.memref_slice %arg6[%mul3A_613] : memref<512xf32, #tpu.memory_space<hbm>> -> memref<16xf32, #tpu.memory_space<hbm>>
      %dma_start3A_615 = tpu.memref_slice %arg6[%mul3A_613] : memref<512xf32, #tpu.memory_space<hbm>> -> memref<16xf32, #tpu.memory_space<hbm>>
      tpu.enqueue_dma source(%arg13 : memref<16xf32, #tpu.memory_space<vmem>>) target(%dma_start3A_615 : memref<16xf32, #tpu.memory_space<hbm>>) target_semaphore(%run_scoped3A : memref<!tpu.dma_semaphore, #tpu.memory_space<semaphore_mem>>)
      %dma_wait3A_616 = tpu.memref_slice %arg6[%mul3A_613] : memref<512xf32, #tpu.memory_space<hbm>> -> memref<16xf32, #tpu.memory_space<hbm>>
      %dma_wait3A_617 = tpu.memref_slice %arg6[%mul3A_613] : memref<512xf32, #tpu.memory_space<hbm>> -> memref<16xf32, #tpu.memory_space<hbm>>
      tpu.wait_dma2 semaphore(%run_scoped3A : memref<!tpu.dma_semaphore, #tpu.memory_space<semaphore_mem>>) src(%arg13 : memref<16xf32, #tpu.memory_space<vmem>>) dst(%dma_wait3A_617 : memref<16xf32, #tpu.memory_space<hbm>>)
      tpu.yield
    }) : () -> ()
    return
  }
}

module attributes {stable_mosaic.version = 14 : i64} {
  func.func @_tc_body(%arg0: i32, %arg1: memref<5x512x128xf32, #tpu.memory_space<vmem>>, %arg2: memref<512x128xf32, #tpu.memory_space<vmem>>, %arg3: memref<512x128xi32, #tpu.memory_space<vmem>>, %arg4: memref<1x1xf32, #tpu.memory_space<smem>>, %arg5: memref<1x1xf32, #tpu.memory_space<smem>>) attributes {dimension_semantics = [#tpu.dimension_semantics<arbitrary>], iteration_bounds = array<i64: 8>, scalar_prefetch = 0 : i64, scratch_operands = 0 : i64, tpu.core_type = #tpu.core_type<tc>, window_params = [{transform_indices = @transform_0, window_bounds = array<i64: 5, 512, 128>}, {transform_indices = @transform_1, window_bounds = array<i64: 512, 128>}, {transform_indices = @transform_2, window_bounds = array<i64: 512, 128>}, {transform_indices = @transform_3, window_bounds = array<i64: 1, 1>}, {transform_indices = @transform_4, window_bounds = array<i64: 1, 1>}]} {
    %get3A = arith.constant 0 : index
    %get3A_0 = arith.constant 0 : index
    %get3A_1 = vector.load %arg2[%get3A, %get3A_0] : memref<512x128xf32, #tpu.memory_space<vmem>>, vector<512x128xf32>
    %get3A_2 = arith.constant 0 : index
    %get3A_3 = arith.constant 0 : index
    %get3A_4 = arith.constant 0 : index
    %get3A_5 = vector.load %arg1[%get3A_2, %get3A_3, %get3A_4] : memref<5x512x128xf32, #tpu.memory_space<vmem>>, vector<1x512x128xf32>
    %get3A_6 = vector.shape_cast %get3A_5 : vector<1x512x128xf32> to vector<512x128xf32>
    %get3A_7 = arith.constant 1 : index
    %get3A_8 = arith.constant 0 : index
    %get3A_9 = arith.constant 0 : index
    %get3A_10 = vector.load %arg1[%get3A_7, %get3A_8, %get3A_9] : memref<5x512x128xf32, #tpu.memory_space<vmem>>, vector<1x512x128xf32>
    %get3A_11 = vector.shape_cast %get3A_10 : vector<1x512x128xf32> to vector<512x128xf32>
    %max3A = arith.maximumf %get3A_6, %get3A_11 : vector<512x128xf32>
    %get3A_12 = arith.constant 2 : index
    %get3A_13 = arith.constant 0 : index
    %get3A_14 = arith.constant 0 : index
    %get3A_15 = vector.load %arg1[%get3A_12, %get3A_13, %get3A_14] : memref<5x512x128xf32, #tpu.memory_space<vmem>>, vector<1x512x128xf32>
    %get3A_16 = vector.shape_cast %get3A_15 : vector<1x512x128xf32> to vector<512x128xf32>
    %max3A_17 = arith.maximumf %max3A, %get3A_16 : vector<512x128xf32>
    %get3A_18 = arith.constant 3 : index
    %get3A_19 = arith.constant 0 : index
    %get3A_20 = arith.constant 0 : index
    %get3A_21 = vector.load %arg1[%get3A_18, %get3A_19, %get3A_20] : memref<5x512x128xf32, #tpu.memory_space<vmem>>, vector<1x512x128xf32>
    %get3A_22 = vector.shape_cast %get3A_21 : vector<1x512x128xf32> to vector<512x128xf32>
    %max3A_23 = arith.maximumf %max3A_17, %get3A_22 : vector<512x128xf32>
    %get3A_24 = arith.constant 4 : index
    %get3A_25 = arith.constant 0 : index
    %get3A_26 = arith.constant 0 : index
    %get3A_27 = vector.load %arg1[%get3A_24, %get3A_25, %get3A_26] : memref<5x512x128xf32, #tpu.memory_space<vmem>>, vector<1x512x128xf32>
    %get3A_28 = vector.shape_cast %get3A_27 : vector<1x512x128xf32> to vector<512x128xf32>
    %max3A_29 = arith.maximumf %max3A_23, %get3A_28 : vector<512x128xf32>
    %sub3A = arith.subf %get3A_6, %max3A_29 : vector<512x128xf32>
    %exp3A = math.exp %sub3A : vector<512x128xf32>
    %get3A_30 = arith.constant 1 : index
    %get3A_31 = arith.constant 0 : index
    %get3A_32 = arith.constant 0 : index
    %get3A_33 = vector.load %arg1[%get3A_30, %get3A_31, %get3A_32] : memref<5x512x128xf32, #tpu.memory_space<vmem>>, vector<1x512x128xf32>
    %get3A_34 = vector.shape_cast %get3A_33 : vector<1x512x128xf32> to vector<512x128xf32>
    %sub3A_35 = arith.subf %get3A_34, %max3A_29 : vector<512x128xf32>
    %exp3A_36 = math.exp %sub3A_35 : vector<512x128xf32>
    %add3A = arith.addf %exp3A, %exp3A_36 : vector<512x128xf32>
    %get3A_37 = arith.constant 2 : index
    %get3A_38 = arith.constant 0 : index
    %get3A_39 = arith.constant 0 : index
    %get3A_40 = vector.load %arg1[%get3A_37, %get3A_38, %get3A_39] : memref<5x512x128xf32, #tpu.memory_space<vmem>>, vector<1x512x128xf32>
    %get3A_41 = vector.shape_cast %get3A_40 : vector<1x512x128xf32> to vector<512x128xf32>
    %sub3A_42 = arith.subf %get3A_41, %max3A_29 : vector<512x128xf32>
    %exp3A_43 = math.exp %sub3A_42 : vector<512x128xf32>
    %add3A_44 = arith.addf %add3A, %exp3A_43 : vector<512x128xf32>
    %get3A_45 = arith.constant 3 : index
    %get3A_46 = arith.constant 0 : index
    %get3A_47 = arith.constant 0 : index
    %get3A_48 = vector.load %arg1[%get3A_45, %get3A_46, %get3A_47] : memref<5x512x128xf32, #tpu.memory_space<vmem>>, vector<1x512x128xf32>
    %get3A_49 = vector.shape_cast %get3A_48 : vector<1x512x128xf32> to vector<512x128xf32>
    %sub3A_50 = arith.subf %get3A_49, %max3A_29 : vector<512x128xf32>
    %exp3A_51 = math.exp %sub3A_50 : vector<512x128xf32>
    %add3A_52 = arith.addf %add3A_44, %exp3A_51 : vector<512x128xf32>
    %get3A_53 = arith.constant 4 : index
    %get3A_54 = arith.constant 0 : index
    %get3A_55 = arith.constant 0 : index
    %get3A_56 = vector.load %arg1[%get3A_53, %get3A_54, %get3A_55] : memref<5x512x128xf32, #tpu.memory_space<vmem>>, vector<1x512x128xf32>
    %get3A_57 = vector.shape_cast %get3A_56 : vector<1x512x128xf32> to vector<512x128xf32>
    %sub3A_58 = arith.subf %get3A_57, %max3A_29 : vector<512x128xf32>
    %exp3A_59 = math.exp %sub3A_58 : vector<512x128xf32>
    %add3A_60 = arith.addf %add3A_52, %exp3A_59 : vector<512x128xf32>
    %log3A = math.log %add3A_60 : vector<512x128xf32>
    %add3A_61 = arith.addf %log3A, %max3A_29 : vector<512x128xf32>
    %mul3A = arith.mulf %get3A_1, %add3A_61 : vector<512x128xf32>
    %reduce_sum3A = vector.shape_cast %mul3A : vector<512x128xf32> to vector<1x512x128xf32>
    %reduce_sum3A_62 = arith.constant dense<0.000000e+00> : vector<1xf32>
    %reduce_sum3A_63 = vector.multi_reduction <add>, %reduce_sum3A, %reduce_sum3A_62 [1, 2] : vector<1x512x128xf32> to vector<1xf32>
    %reduce_sum3A_64 = vector.shape_cast %reduce_sum3A_63 : vector<1xf32> to vector<1x1x1xf32>
    %reduce_sum3A_65 = vector.extract %reduce_sum3A_64[0, 0, 0] : f32 from vector<1x1x1xf32>
    %get3A_66 = arith.constant 0 : index
    %get3A_67 = arith.constant 0 : index
    %get3A_68 = vector.load %arg3[%get3A_66, %get3A_67] : memref<512x128xi32, #tpu.memory_space<vmem>>, vector<512x128xi32>
    %get3A_69 = arith.constant dense<0> : vector<512x128xi32>
    %get3A_70 = arith.cmpi ne, %get3A_68, %get3A_69 : vector<512x128xi32>
    %convert_element_type3A = arith.extui %get3A_70 : vector<512x128xi1> to vector<512x128xi32>
    %convert_element_type3A_71 = arith.sitofp %convert_element_type3A : vector<512x128xi32> to vector<512x128xf32>
    %reduce_sum3A_72 = vector.shape_cast %convert_element_type3A_71 : vector<512x128xf32> to vector<1x512x128xf32>
    %reduce_sum3A_73 = arith.constant dense<0.000000e+00> : vector<1xf32>
    %reduce_sum3A_74 = vector.multi_reduction <add>, %reduce_sum3A_72, %reduce_sum3A_73 [1, 2] : vector<1x512x128xf32> to vector<1xf32>
    %reduce_sum3A_75 = vector.shape_cast %reduce_sum3A_74 : vector<1xf32> to vector<1x1x1xf32>
    %reduce_sum3A_76 = vector.extract %reduce_sum3A_75[0, 0, 0] : f32 from vector<1x1x1xf32>
    %eq3A = arith.constant 0 : i32
    %eq3A_77 = arith.cmpi eq, %arg0, %eq3A : i32
    %convert_element_type3A_78 = arith.extui %eq3A_77 : i1 to i32
    %cond3A = arith.constant 0 : i32
    %cond3A_79 = arith.cmpi ne, %convert_element_type3A_78, %cond3A : i32
    scf.if %cond3A_79 {
      %swap3A_93 = arith.constant 0.000000e+00 : f32
      %swap3A_94 = arith.constant 0 : index
      %swap3A_95 = arith.constant 0 : index
      %swap3A_96 = memref.load %arg4[%swap3A_94, %swap3A_95] : memref<1x1xf32, #tpu.memory_space<smem>>
      memref.store %swap3A_93, %arg4[%swap3A_94, %swap3A_95] : memref<1x1xf32, #tpu.memory_space<smem>>
      %swap3A_97 = arith.constant 0.000000e+00 : f32
      %swap3A_98 = arith.constant 0 : index
      %swap3A_99 = arith.constant 0 : index
      %swap3A_100 = memref.load %arg5[%swap3A_98, %swap3A_99] : memref<1x1xf32, #tpu.memory_space<smem>>
      memref.store %swap3A_97, %arg5[%swap3A_98, %swap3A_99] : memref<1x1xf32, #tpu.memory_space<smem>>
    } else {
    }
    %get3A_80 = arith.constant 0 : index
    %get3A_81 = arith.constant 0 : index
    %get3A_82 = memref.load %arg4[%get3A_80, %get3A_81] : memref<1x1xf32, #tpu.memory_space<smem>>
    %add3A_83 = arith.addf %get3A_82, %reduce_sum3A_65 : f32
    %swap3A = arith.constant 0 : index
    %swap3A_84 = arith.constant 0 : index
    %swap3A_85 = memref.load %arg4[%swap3A, %swap3A_84] : memref<1x1xf32, #tpu.memory_space<smem>>
    memref.store %add3A_83, %arg4[%swap3A, %swap3A_84] : memref<1x1xf32, #tpu.memory_space<smem>>
    %get3A_86 = arith.constant 0 : index
    %get3A_87 = arith.constant 0 : index
    %get3A_88 = memref.load %arg5[%get3A_86, %get3A_87] : memref<1x1xf32, #tpu.memory_space<smem>>
    %add3A_89 = arith.addf %get3A_88, %reduce_sum3A_76 : f32
    %swap3A_90 = arith.constant 0 : index
    %swap3A_91 = arith.constant 0 : index
    %swap3A_92 = memref.load %arg5[%swap3A_90, %swap3A_91] : memref<1x1xf32, #tpu.memory_space<smem>>
    memref.store %add3A_89, %arg5[%swap3A_90, %swap3A_91] : memref<1x1xf32, #tpu.memory_space<smem>>
    return
  }
  func.func @transform_0(%arg0: i32) -> (i32, i32, i32) {
    %c0_i32 = arith.constant 0 : i32
    %c0_i32_0 = arith.constant 0 : i32
    %c0_i32_1 = arith.constant 0 : i32
    return %c0_i32, %arg0, %c0_i32_0 : i32, i32, i32
  }
  func.func @transform_1(%arg0: i32) -> (i32, i32) {
    %c0_i32 = arith.constant 0 : i32
    %c0_i32_0 = arith.constant 0 : i32
    return %arg0, %c0_i32 : i32, i32
  }
  func.func @transform_2(%arg0: i32) -> (i32, i32) {
    %c0_i32 = arith.constant 0 : i32
    %c0_i32_0 = arith.constant 0 : i32
    return %arg0, %c0_i32 : i32, i32
  }
  func.func @transform_3(%arg0: i32) -> (i32, i32) {
    %c0_i32 = arith.constant 0 : i32
    %c0_i32_0 = arith.constant 0 : i32
    %c0_i32_1 = arith.constant 0 : i32
    return %c0_i32, %c0_i32_0 : i32, i32
  }
  func.func @transform_4(%arg0: i32) -> (i32, i32) {
    %c0_i32 = arith.constant 0 : i32
    %c0_i32_0 = arith.constant 0 : i32
    %c0_i32_1 = arith.constant 0 : i32
    return %c0_i32, %c0_i32_0 : i32, i32
  }
}

</mosaic_0001>

<sc_bundles>
// kernel: kernel.4.cloned.1.call-start
scs
__scs_entry_jumppad:
0x0: {  	(pc) =	sbr.rel $0x88, $3  }
0x1: {  	(tag) =	ssettag $0x0;
	lr =	simm.s32 $0x1  }
0x2: {  	[smem:$0x3F9C] =	sst lr;
	_ =	strace $0xD0000000  }
0x3: {  	_ = 	snop  }
0x4: {  	_ = 	snop  }
0x5: {  	_ = 	snop  }
0x6: {  	_ = 	snop  }
0x7: {  	_ = 	snop  }
__scs_overlays_trampoline_lowered:
0x8: {  	[smem:$0x3FAB] =	sst s0  }
0x9: {  	[smem:$0x3FAC] =	sst s1  }
0xa: {  	[smem:$0x3FAD] =	sst s2  }
0xb: {  	[smem:$0x3FAE] =	sst s3  }
0xc: {  	[smem:$0x3FAF] =	sst s4  }
0xd: {  	[smem:$0x3FB0] =	sst s5  }
0xe: {  	[smem:$0x3FB1] =	sst s6  }
0xf: {  	[smem:$0x3FB2] =	sst s7  }
0x10: {  	[smem:$0x3FB3] =	sst s8  }
0x11: {  	[smem:$0x3FB4] =	sst s9;
	s0 =	simm.s32 @!p0 $0x0  }
0x12: {  	s1 =	sld [smem:$0x3F9A];
	s0 =	simm.s32 @p0 $0x1  }
0x13: {  	[smem:$0x3FB5] =	sst s0;
	s0 =	simm.s32 @!p1 $0x0  }
0x14: {  	s2 =	sld [smem:$0x3F99];
	s0 =	simm.s32 @p1 $0x1  }
0x15: {  	[smem:$0x3FB6] =	sst s0;
	s0 =	simm.s32 @!p2 $0x0  }
0x16: {  	s3 =	sld [smem:$0x3FDB];
	s0 =	simm.s32 @p2 $0x1  }
0x17: {  	s4 =	simm.s32 $0x1BF5;
	[smem:$0x3FB8] =	sst s0  }
0x18: {  	s0 =	sld [smem:$0x3F9B];
	_ =	swait.ge [sflag:s4], $0x0  }
0x19: {  	s7 =	sld [smem:$0x3F9C]  }
0x1a: {  	s8 =	sadd.s32 $0xFFFFE003, lr  }
0x1b: {  	s9 =	sadd.s32 $0xFFFFFEF7, lr;
	s5 =	simm.s32 $0xFFFFFFFF;
	p2 =	slt.u32 s8, $0xFFFFF086  }
0x1c: {  	p1 =	slt.u32 s9, $0xF7A;
	s5 =	simm.s32 @!p2 $0x0  }
0x1d: {  	s5 =	simm.s32 @p1 $0x1;
	p0 =	seq.s32 s7, s2  }
0x1e: {  	s7 =	smul.u32 @!p0 $0xF7A, s2;
	p2 =	seq.s32 @!p0 s5, $0x0  }
0x1f: {  	s9 =	smul.u32 $0xF7A, s1;
	s8 =	simm.s32 @!p0 $0x1BF5;
	p2 =	por !p2, p0  }
0x20: {  	[sflag:s8] =	ssyncset.s32 @!p0 $0xFFFFF086;
	s6 =	sadd.s32 @!p0 s3, s7;
	s7 =	simm.s32 @!p0 $0x108  }
0x21: {  	s3 =	sadd.s32 s3, s9;
	s6 =	sadd.s32 @!p0 $0x88, s6;
	s7 =	simm.s32 @p2 $0x1082  }
0x22: {  	[simem:s7], [sflag:s8] =	dma.local @!p0 [hbm:s6], $0xF7A  }
0x23: {  	s9 =	sor.u32 $0xD0000000, s2;
	s6 =	simm.s32 $0x108;
	_ =	swait.ge @!p0 [sflag:s8], $0x0  }
0x24: {  	s3 =	sadd.s32 $0x88, s3;
	s6 =	simm.s32 @!p1 $0x1082;
	[sflag:s4] =	ssyncset.s32 $0xFFFFF086  }
0x25: {  	[simem:s6], [sflag:s4] =	dma.local [hbm:s3], $0xF7A  }
0x26: {  	[smem:$0x3F9C] =	sst s1;
	(tag) =	ssettag s2;
	_ =	strace s9  }
0x27: {  	s1 =	sld [smem:$0x3FAC]  }
0x28: {  	s2 =	sld [smem:$0x3FAD]  }
0x29: {  	s4 =	sld [smem:$0x3FAF]  }
0x2a: {  	p0 =	seq.s32 s5, $0x0;
	s5 =	sld [smem:$0x3FB0]  }
0x2b: {  	s6 =	sld [smem:$0x3FB1]  }
0x2c: {  	s7 =	sld [smem:$0x3FB2]  }
0x2d: {  	s3 =	simm.s32 $0x108;
	s8 =	sld [smem:$0x3FB3]  }
0x2e: {  	s3 =	simm.s32 @!p0 $0x1082;
	s9 =	sld [smem:$0x3FB4]  }
0x2f: {  	lr =	sadd.s32 s0, s3;
	s0 =	sld [smem:$0x3FAB]  }
0x30: {  	s3 =	sld [smem:$0x3FAE]  }
0x31: {  	[smem:$0x3FB7] =	sst s10  }
0x32: {  	s10 =	sld [smem:$0x3FB5];
	_ =	sdelay $0x3  }
0x33: {  	p0 =	seq.s32 s10, $0x1;
	s10 =	sld [smem:$0x3FB7];
	_ =	sdelay $0x3  }
0x34: {  	[smem:$0x3FB7] =	sst s10  }
0x35: {  	s10 =	sld [smem:$0x3FB6];
	_ =	sdelay $0x3  }
0x36: {  	p1 =	seq.s32 s10, $0x1;
	s10 =	sld [smem:$0x3FB7];
	_ =	sdelay $0x3  }
0x37: {  	[smem:$0x3FB7] =	sst s10  }
0x38: {  	s10 =	sld [smem:$0x3FB8]  }
0x39: {  	_ = 	snop;
	(pc) =	sbr.ind lr, $3  }
0x3a: {  	_ = 	snop  }
0x3b: {  	_ = 	snop  }
0x3c: {  	p2 =	seq.s32 s10, $0x1;
	s10 =	sld [smem:$0x3FB7]  }
0x3d: {  	_ =	shalt  }
0x3e: {  	_ =	shalt  }
0x3f: {  	_ =	shalt  }
0x40: {  	_ =	shalt  }
0x41: {  	_ =	shalt  }
0x42: {  	_ =	shalt  }
0x43: {  	_ =	shalt  }
0x44: {  	_ =	shalt  }
0x45: {  	_ =	shalt  }
0x46: {  	_ =	shalt  }
0x47: {  	_ =	shalt  }
0x48: {  	_ =	shalt  }
0x49: {  	_ =	shalt  }
0x4a: {  	_ =	shalt  }
0x4b: {  	_ =	shalt  }
0x4c: {  	_ =	shalt  }
0x4d: {  	_ =	shalt  }
0x4e: {  	_ =	shalt  }
0x4f: {  	_ =	shalt  }
0x50: {  	_ =	shalt  }
0x51: {  	_ =	shalt  }
0x52: {  	_ =	shalt  }
0x53: {  	_ =	shalt  }
0x54: {  	_ =	shalt  }
0x55: {  	_ =	shalt  }
0x56: {  	_ =	shalt  }
0x57: {  	_ =	shalt  }
0x58: {  	_ =	shalt  }
0x59: {  	_ =	shalt  }
0x5a: {  	_ =	shalt  }
0x5b: {  	_ =	shalt  }
0x5c: {  	_ =	shalt  }
0x5d: {  	_ =	shalt  }
0x5e: {  	_ =	shalt  }
0x5f: {  	_ =	shalt  }
0x60: {  	_ =	shalt  }
0x61: {  	_ =	shalt  }
0x62: {  	_ =	shalt  }
0x63: {  	_ =	shalt  }
0x64: {  	_ =	shalt  }
0x65: {  	_ =	shalt  }
0x66: {  	_ =	shalt  }
0x67: {  	_ =	shalt  }
0x68: {  	_ =	shalt  }
0x69: {  	_ =	shalt  }
0x6a: {  	_ =	shalt  }
0x6b: {  	_ =	shalt  }
0x6c: {  	_ =	shalt  }
0x6d: {  	_ =	shalt  }
0x6e: {  	_ =	shalt  }
0x6f: {  	_ =	shalt  }
0x70: {  	_ =	shalt  }
0x71: {  	_ =	shalt  }
0x72: {  	_ =	shalt  }
0x73: {  	_ =	shalt  }
0x74: {  	_ =	shalt  }
0x75: {  	_ =	shalt  }
0x76: {  	_ =	shalt  }
0x77: {  	_ =	shalt  }
0x78: {  	_ =	shalt  }
0x79: {  	_ =	shalt  }
0x7a: {  	_ =	shalt  }
0x7b: {  	_ =	shalt  }
0x7c: {  	_ =	shalt  }
0x7d: {  	_ =	shalt  }
0x7e: {  	_ =	shalt  }
0x7f: {  	_ =	shalt  }
0x80: {  	_ =	shalt  }
0x81: {  	_ =	shalt  }
0x82: {  	_ =	shalt  }
0x83: {  	_ =	shalt  }
0x84: {  	_ =	shalt  }
0x85: {  	_ =	shalt  }
0x86: {  	_ =	shalt  }
0x87: {  	_ =	shalt  }
.Lfunc_end0:
.L_simem_size_0:
called_computation_lowered:
.L_overlay_start_0:
0x88: {  	s2 =	sld [smem:$0x3FD9]  }
0x89: {  	s3 =	sld [smem:$0x3FFE];
	_ =	sdelay $0x1  }
0x8a: {  	s1 =	srdreg.scid  }
0x8b: {  	s0 =	sand.u32 $0x1, s1  }
0x8c: {  	s17 =	sshll.u32 s0, $0xA;
	s2 =	sadd.s32 s3, s2  }
0x8d: {  	s2 =	sadd.s32 s2, s17  }
0x8e: {  	[smem:$0x3FC3] =	sst s2  }
0x8f: {  	_ = 	snop  }
0x90: {  	s2 =	sld [smem:$0x3FC9]  }
0x91: {  	s18 =	sld [smem:$0x3FC8]  }
0x92: {  	s4 =	sld [smem:$0x3FC5];
	(tm) =	ssettm $0x1  }
0x93: {  	s5 =	sld [smem:$0x3FFB];
	_ =	sdelay $0x3  }
0x94: {  	_ =	strace s5  }
0x95: {  	s5 =	sld [smem:$0x3FFC];
	_ =	sdelay $0x3  }
0x96: {  	_ =	strace s5  }
0x97: {  	s5 =	sld [smem:$0x3FFD];
	_ =	sdelay $0x3  }
0x98: {  	_ =	strace s5  }
0x99: {  	_ =	strace $0x8FFFFFFF  }
0x9a: {  	s19 =	sld [smem:$0x3FDB];
	_ =	sdelay $0x1  }
0x9b: {  	s6 =	simm.s32 $_scs_section_size  }
0x9c: {  	s7 =	simm.s32 $_size__tile_overlayer_lowered;
	s8 =	simm.s32 $_tile_overlayer_lowered  }
0x9d: {  	s22 =	simm.s32 $0x1BFF;
	s21 =	sshll.u32 s8, $0x1;
	s5 =	sadd.s32 s6, s19  }
0x9e: {  	s9 =	simm.s32 $0x0;
	s20 =	sshll.u32 s7, $0x1;
	s7 =	sadd.s32 s21, s5  }
0x9f: {  	[timem:s9], [sflag:s22] =	dma.local [hbm:s7], s20  }
0xa0: {  	_ =	swait.ge [sflag:s22], s20  }
0xa1: {  	s6 =	ssub.s32 $0x0, s20;
	[sflag:s22] =	ssyncset.done $0x0  }
0xa2: {  	[sflag:s22] =	ssyncadd.s32 s6;
	_ =	sdelay $0x1  }
0xa3: {  	s23 =	simm.s32 $0x1B8B  }
0xa4: {  	_ =	swait.ge [sflag:s23], $0x1  }
0xa5: {  	[sflag:s23] =	ssyncset.done $0x0  }
0xa6: {  	s25 =	simm.s32 $0x1B8E;
	s24 =	sld [smem:$0x3FFE];
	[sflag:s23] =	ssyncadd.s32 $0xFFFFFFFF  }
0xa7: {  	s26 =	simm.s32 $execute0_lowered;
	[smem:$0x3FD2] =	sst s25  }
0xa8: {  	s7 =	sshll.u32 s26, $0x1;
	_ =	strace $0x80000046;
	[dreg:$0x1] =	wrdreg $0xFFFFFFFF  }
0xa9: {  	s28 =	simm.s32 $_size_execute0_lowered;
	s5 =	sadd.s32 s5, s7;
	[dreg:$0x0] =	wrdreg $0x0  }
0xaa: {  	s7 =	sshll.u32 s28, $0x1;
	[dreg:$0x2] =	wrdreg s5  }
0xab: {  	[dreg:$0x3] =	wrdreg s7  }
0xac: {  	[dreg:$0x4] =	wrdreg $0xC0  }
0xad: {  	_ =	task [dreg:s9], $0x5FFFF  }
0xae: {  	[dreg:$0x1] =	wrdreg $0xFFFFFFFF  }
0xaf: {  	[dreg:$0x0] =	wrdreg $0x60  }
0xb0: {  	[dreg:$0x2] =	wrdreg s4  }
0xb1: {  	[dreg:$0x3] =	wrdreg s2  }
0xb2: {  	[dreg:$0x4] =	wrdreg s24  }
0xb3: {  	[dreg:$0x5] =	wrdreg s18  }
0xb4: {  	[dreg:$0x6] =	wrdreg $0x9  }
0xb5: {  	_ =	task.clear_ibuf [dreg:s9], $0x7FFFF;
	_ =	strace $0x90000046  }
0xb6: {  	s29 =	simm.s32 $0x9;
	_ =	strace $0x80000048  }
0xb7: {  	_ =	swait.ge [sflag:s29], $0x1  }
0xb8: {  	[sflag:s29] =	ssyncadd.s32 $0xFFFFFFFF  }
0xb9: {  	_ =	strace $0x90000048  }
0xba: {  	_ =	sfence  }
0xbb: {  	s30 =	sld [smem:$0x0];
	_ =	sdelay $0x2  }
0xbc: {  	s31 =	sshll.u32 s1, $0xD;
	s1 =	sshrl.u32 s1, $0x2  }
0xbd: {  	s3 =	sand.u32 $0x4000, s31;
	s1 =	sadd.s32 s1, s30  }
0xbe: {  	s0 =	sor.u32 s3, s0;
	s1 =	sshll.u32 s1, $0x11  }
0xbf: {  	s0 =	sor.u32 s1, s0  }
0xc0: {  	s0 =	sadd.s32 $0x8F2B, s0  }
0xc1: {  	[sflag:s0] =	ssyncadd.remote.s32 $0x1  }
0xc2: {  	_ =	sfence.sel $0xFFFF  }
0xc3: {  	[dreg:$0x0] =	wrdreg $0xFFFFFFFF;
	(pc) =	sbr.abs _section_cstart, $3  }
0xc4: {  	[dreg:$0x1] =	wrdreg $0xFFFFFFFF  }
0xc5: {  	_ =	task.clear_ibuf [dreg:s9], $0x2FFFF;
	_ =	strace $0x9FFFFFFF  }
0xc6: {  	(tm) =	ssettm $0x7FFFFFFF  }
0xc7: {  	_ =	shalt  }
tec
execute0_lowered:
.L_overlay_start_1:
0x0: {  	(tag) =	ssettag $0x1  }
0x1: {  	s1 =	rddreg [dreg:$0x0]  }
0x2: {  	s2 =	rddreg [dreg:$0x1]  }
0x3: {  	s0 =	rddreg [dreg:$0x2]  }
0x4: {  	s3 =	rddreg [dreg:$0x3]  }
0x5: {  	s4 =	srdreg.scid;
	s16 =	stileid.u32;
	s24 =	simm.s32 $0x0  }
0x6: {  	s17 =	simm.s32 $0x50;
	s20 =	simm.s32 $0x1;
	s23 =	simm.s32 $0x2D80  }
0x7: {  	s29 =	simm.s32 $0x5580;
	s31 =	simm.s32 $0xCD80;
	s19 =	simm.s32 $0xF580  }
0x8: {  	s21 =	simm.s32 $0x2;
	s28 =	simm.s32 $0x3;
	s18 =	simm.s32 $0x4  }
0x9: {  	s22 =	simm.s32 $0x0;
	s4 =	sand.u32 $0x1, s4;
	s5 =	sshll.u32 s16, $0x1  }
0xa: {  	[smem:$0x7FF] =	sst s24;
	s26 =	sshll.u32 s16, $0x8;
	s5 =	sor.u32 s4, s5  }
0xb: {  	_ =	strace $0x80000047;
	s7 =	ssub.s32 $0x2, s4;
	s30 =	sshll.u32 s4, $0x7  }
0xc: {  	s6 =	sshll.u32 s5, $0xB;
	s8 =	sshll.u32 s5, $0x1;
	s9 =	sshrl.u32 s7, $0x1  }
0xd: {  	s5 =	sshll.u32 s5, $0x4;
	s16 =	sor.u32 s30, s26;
	s26 =	simm.s32 $0xFD80  }
0xe: {  	s6 =	sadd.s32 s6, s0;
	s0 =	sadd.s32 s8, s0;
	s3 =	sadd.s32 s3, s5  }
0xf: {  	s15 =	ssub.s32 s7, s9;
	[dreg:$0x5] =	wrdreg s3;
	s25 =	sadd.s32 $0x800, s6  }
0x10: {  	s7 =	sadd.s32 $0x900, s6;
	s8 =	sadd.s32 $0xA00, s6;
	s9 =	sadd.s32 $0xB00, s6  }
0x11: {  	s10 =	sadd.s32 $0xC00, s6;
	s11 =	sadd.s32 $0xD00, s6;
	s12 =	sadd.s32 $0xE00, s6  }
0x12: {  	s13 =	sadd.s32 $0xF00, s6;
	s14 =	sadd.s32 $0x10800, s0;
	s15 =	smax.u32 s15, $0x1  }
0x13: {  	v0 =	vlaneseq.u32;
	s0 =	simm.s32 $0x10580;
	[dreg:$0x6] =	wrdreg s25;
	s25 =	simm.s32 $0xA580  }
.LBB2_1:
0x14: {  	s3 =	rddreg [dreg:$0x5];
	s5 =	sadd.s32 $0x0, s16  }
0x15: {  	[tilespmem:s24], [sflag:$0x1] =	stream.linear.gather [hbm4b:s3+s24], $0x80, $0x38;
	[tilespmem:$0x10E00] =	vst v63  }
0x16: {  	s4 =	sadd.s32 $0x4000, s5  }
0x17: {  	s3 =	simm.s32 $0x320;
	s6 =	sadd.s32 $0x1000, s5;
	v1 =	vor.u32 s4, v0  }
0x18: {  	s24 =	sadd.s32 $0x2000, s5;
	v2 =	vor.u32 s6, v0;
	[tilespmem:s3+$0x20] =	vst v1  }
0x19: {  	s30 =	sadd.s32 $0x3000, s5;
	v3 =	vor.u32 s24, v0;
	[tilespmem:s3+$0xFFFFFFF0] =	vst v2  }
0x1a: {  	s4 =	simm.s32 $0x10;
	v1 =	vor.u32 s5, v0;
	v2 =	vor.u32 s30, v0;
	[tilespmem:s3+$0x0] =	vst v3  }
.LBB2_2:
0x1b: {  	s5 =	sadd.s32 s4, s16  }
0x1c: {  	p0 =	sne.s32 s4, $0x70;
	s4 =	sadd.s32 $0x10, s4;
	[tilespmem:s3+$0x10] =	vst v2;
	s6 =	sadd.s32 $0x1000, s5  }
.Ltmp0:
0x1d: {  	s24 =	sadd.s32 $0x2000, s5;
	s30 =	sadd.s32 $0x4000, s5;
	[tilespmem:s3+$0xFFFFFFE0] =	vst v1;
	v1 =	vor.u32 s5, v0;
	(pc) =	sbr.rel @p0 .LBB2_2-.Ltmp0, $4  }
0x1e: {  	s5 =	sadd.s32 $0x3000, s5;
	s3 =	sadd.s32 $0x50, s3;
	v3 =	vor.u32 s6, v0;
	v4 =	vor.u32 s24, v0;
	v5 =	vor.u32 s30, v0  }
0x1f: {  	v2 =	vor.u32 s5, v0;
	[tilespmem:s3+$0x20] =	vst v5  }
0x20: {  	[tilespmem:s3+$0xFFFFFFF0] =	vst v3  }
0x21: {  	[tilespmem:s3+$0x0] =	vst v4  }
0x22: {  	[tilespmem:s3+$0x10] =	vst v2  }
0x23: {  	[tilespmem:s3+$0xFFFFFFE0] =	vst v1;
	s24 =	simm.s32 $0x300;
	s4 =	simm.s32 $0x7D80  }
0x24: {  	[tilespmem:s4], [sflag:$0x1] =	stream.indirect.gather [hbm4b:s2+s17], $0x80, s24, s17, $0xb8;
	[tilespmem:$0x10E00] =	vst v63  }
0x25: {  	s30 =	simm.s32 $0xF580;
	s5 =	rddreg [dreg:$0x6];
	s24 =	simm.s32 $0x0  }
0x26: {  	[tilespmem:s30], [sflag:$0x1] =	stream.linear.gather [hbm4b:s5+s24], $0x800, $0x38;
	[tilespmem:$0x10E00] =	vst v63  }
0x27: {  	_ =	swait.ge [sflag:s20], $0x80  }
0x28: {  	[sflag:s20] =	ssyncset.done $0x0  }
0x29: {  	[sflag:s20] =	ssyncadd.s32 $0xFFFFFF80  }
0x2a: {  	v1 =	vld [tilespmem:$0x0]  }
0x2b: {  	v3 =	vld [tilespmem:$0x10];
	_ =	sdelay $0x3  }
0x2c: {  	[tilespmem:$0x80] =	vst v1  }
0x2d: {  	v2 =	vadd.s32 $0x186A0, v1;
	[tilespmem:$0xD0] =	vst v3  }
0x2e: {  	[tilespmem:$0x90] =	vst v2;
	v2 =	vadd.s32 $0x30D40, v1  }
0x2f: {  	[tilespmem:$0xA0] =	vst v2;
	v2 =	vadd.s32 $0x493E0, v1  }
0x30: {  	v1 =	vadd.s32 $0x61A80, v1;
	[tilespmem:$0xB0] =	vst v2  }
0x31: {  	[tilespmem:$0xC0] =	vst v1;
	v1 =	vadd.s32 $0x186A0, v3;
	v2 =	vld [tilespmem:$0x20]  }
0x32: {  	[tilespmem:$0xE0] =	vst v1;
	v1 =	vadd.s32 $0x30D40, v3  }
0x33: {  	[tilespmem:$0xF0] =	vst v1;
	v1 =	vadd.s32 $0x493E0, v3  }
0x34: {  	[tilespmem:$0x100] =	vst v1;
	v1 =	vadd.s32 $0x61A80, v3  }
0x35: {  	v3 =	vld [tilespmem:$0x30];
	[tilespmem:$0x110] =	vst v1  }
0x36: {  	[tilespmem:$0x120] =	vst v2;
	v1 =	vadd.s32 $0x186A0, v2  }
0x37: {  	[tilespmem:$0x130] =	vst v1;
	v1 =	vadd.s32 $0x30D40, v2  }
0x38: {  	[tilespmem:$0x140] =	vst v1;
	v1 =	vadd.s32 $0x493E0, v2  }
0x39: {  	[tilespmem:$0x150] =	vst v1  }
0x3a: {  	v1 =	vadd.s32 $0x61A80, v2;
	[tilespmem:$0x170] =	vst v3  }
0x3b: {  	v2 =	vld [tilespmem:$0x40];
	[tilespmem:$0x160] =	vst v1;
	v1 =	vadd.s32 $0x186A0, v3  }
0x3c: {  	[tilespmem:$0x180] =	vst v1;
	v1 =	vadd.s32 $0x30D40, v3  }
0x3d: {  	[tilespmem:$0x190] =	vst v1;
	v1 =	vadd.s32 $0x493E0, v3  }
0x3e: {  	[tilespmem:$0x1A0] =	vst v1;
	v1 =	vadd.s32 $0x61A80, v3  }
0x3f: {  	[tilespmem:$0x1B0] =	vst v1  }
0x40: {  	v3 =	vld [tilespmem:$0x50];
	[tilespmem:$0x1C0] =	vst v2;
	v1 =	vadd.s32 $0x186A0, v2  }
0x41: {  	[tilespmem:$0x1D0] =	vst v1;
	v1 =	vadd.s32 $0x30D40, v2  }
0x42: {  	[tilespmem:$0x1E0] =	vst v1;
	v1 =	vadd.s32 $0x493E0, v2  }
0x43: {  	[tilespmem:$0x1F0] =	vst v1;
	v1 =	vadd.s32 $0x61A80, v2  }
0x44: {  	[tilespmem:$0x200] =	vst v1  }
0x45: {  	v1 =	vld [tilespmem:$0x60];
	[tilespmem:$0x210] =	vst v3;
	v2 =	vadd.s32 $0x186A0, v3  }
0x46: {  	[tilespmem:$0x220] =	vst v2;
	v2 =	vadd.s32 $0x30D40, v3  }
0x47: {  	[tilespmem:$0x230] =	vst v2;
	v2 =	vadd.s32 $0x493E0, v3  }
0x48: {  	[tilespmem:$0x240] =	vst v2;
	v2 =	vadd.s32 $0x61A80, v3  }
0x49: {  	[tilespmem:$0x250] =	vst v2  }
0x4a: {  	v3 =	vld [tilespmem:$0x70];
	v2 =	vadd.s32 $0x186A0, v1;
	[tilespmem:$0x260] =	vst v1  }
0x4b: {  	[tilespmem:$0x270] =	vst v2;
	v2 =	vadd.s32 $0x30D40, v1  }
0x4c: {  	[tilespmem:$0x280] =	vst v2;
	v2 =	vadd.s32 $0x493E0, v1  }
0x4d: {  	v1 =	vadd.s32 $0x61A80, v1;
	[tilespmem:$0x290] =	vst v2  }
0x4e: {  	[tilespmem:$0x2A0] =	vst v1  }
0x4f: {  	[tilespmem:$0x2B0] =	vst v3;
	v1 =	vadd.s32 $0x186A0, v3  }
0x50: {  	[tilespmem:$0x2C0] =	vst v1;
	v1 =	vadd.s32 $0x30D40, v3  }
0x51: {  	[tilespmem:$0x2D0] =	vst v1;
	v1 =	vadd.s32 $0x493E0, v3  }
0x52: {  	[tilespmem:$0x2E0] =	vst v1;
	v1 =	vadd.s32 $0x61A80, v3  }
0x53: {  	s3 =	simm.s32 $0x580;
	s6 =	simm.s32 $0x80;
	[tilespmem:$0x2F0] =	vst v1  }
0x54: {  	[tilespmem:s3], [sflag:$0x1] =	stream.indirect.gather [hbm4b:s1+s17], $0x80, s6, s17, $0xb8;
	[tilespmem:$0x10E00] =	vst v63  }
0x55: {  	s5 =	simm.s32 $0xD0  }
0x56: {  	[tilespmem:s23], [sflag:$0x2] =	stream.indirect.gather [hbm4b:s1+s17], $0x80, s5, s17, $0xb8;
	[tilespmem:$0x10E00] =	vst v63  }
0x57: {  	s6 =	simm.s32 $0x350  }
0x58: {  	[tilespmem:s25], [sflag:$0x2] =	stream.indirect.gather [hbm4b:s2+s17], $0x80, s6, s17, $0xb8;
	[tilespmem:$0x10E00] =	vst v63  }
0x59: {  	_ = 	snop  }
0x5a: {  	[tilespmem:s26], [sflag:$0x2] =	stream.linear.gather [hbm4b:s7+s24], $0x800, $0x38;
	[tilespmem:$0x10E00] =	vst v63  }
0x5b: {  	s5 =	simm.s32 $0x120  }
0x5c: {  	[tilespmem:s29], [sflag:$0x3] =	stream.indirect.gather [hbm4b:s1+s17], $0x80, s5, s17, $0xb8;
	[tilespmem:$0x10E00] =	vst v63  }
0x5d: {  	s6 =	simm.s32 $0x3A0  }
0x5e: {  	[tilespmem:s31], [sflag:$0x3] =	stream.indirect.gather [hbm4b:s2+s17], $0x80, s6, s17, $0xb8;
	[tilespmem:$0x10E00] =	vst v63  }
0x5f: {  	_ = 	snop  }
0x60: {  	[tilespmem:s0], [sflag:$0x3] =	stream.linear.gather [hbm4b:s8+s24], $0x800, $0x38;
	[tilespmem:$0x10E00] =	vst v63  }
0x61: {  	_ =	swait.ge [sflag:s20], $0x2800  }
0x62: {  	[sflag:s20] =	ssyncset.done $0x0  }
0x63: {  	[sflag:s20] =	ssyncadd.s32 $0xFFFFD800  }
0x64: {  	_ =	swait.ge [sflag:s20], $0x2800  }
0x65: {  	[sflag:s20] =	ssyncset.done $0x0  }
0x66: {  	[sflag:s20] =	ssyncadd.s32 $0xFFFFD800  }
0x67: {  	_ =	swait.ge [sflag:s20], $0x800  }
0x68: {  	[sflag:s20] =	ssyncset.done $0x0  }
0x69: {  	s4 =	simm.s32 $0x8D80;
	v1 =	vimm.f32 $0.0e+00;
	[sflag:s20] =	ssyncadd.s32 $0xFFFFF800  }
.LBB2_4:
0x6a: {  	v6 =	vmov s30  }
0x6b: {  	v3 =	vmov s3  }
0x6c: {  	v2 =	vmov s4;
	_ =	sdelay $0x1  }
0x6d: {  	s6 =	simm.s32 $0x0  }
0x6e: {  	v4 =	vld.idx.msk [tilespmem:v6+s6+$0x0 ss:$0x1], $0xffff  }
0x6f: {  	v5 =	vld.idx.msk [tilespmem:v3+s6+$0x0 ss:$0x1], $0xffff  }
0x70: {  	v7 =	vld.idx.msk [tilespmem:v2+s6+$0xFFFFF000 ss:$0x1], $0xffff  }
0x71: {  	v9 =	vld.idx.msk [tilespmem:v3+s6+$0x800 ss:$0x1], $0xffff  }
0x72: {  	v11 =	vld.idx.msk [tilespmem:v2+s6+$0xFFFFF800 ss:$0x1], $0xffff  }
0x73: {  	v13 =	vld.idx.msk [tilespmem:v3+s6+$0x1000 ss:$0x1], $0xffff  }
0x74: {  	v14 =	vld.idx.msk [tilespmem:v2+s6+$0x0 ss:$0x1], $0xffff  }
0x75: {  	v8 =	vld.idx.msk [tilespmem:v3+s6+$0x1800 ss:$0x1], $0xffff  }
0x76: {  	v10 =	vld.idx.msk [tilespmem:v2+s6+$0x800 ss:$0x1], $0xffff;
	v5 =	vmul.f32 v7, v5  }
0x77: {  	v7 =	vld.idx.msk [tilespmem:v3+s6+$0x2000 ss:$0x1], $0xffff  }
0x78: {  	s5 =	simm.s32 $0x10;
	v15 =	vmul.f32 v11, v9;
	v11 =	vld.idx.msk [tilespmem:v2+s6+$0x1000 ss:$0x1], $0xffff;
	v12 =	vmul.f32 v5, v4  }
0x79: {  	v9 =	vld.idx.msk [tilespmem:v3+s5+$0x0 ss:$0x1], $0xffff  }
0x7a: {  	s6 =	simm.s32 $0x80;
	v13 =	vmul.f32 v14, v13;
	v5 =	vld.idx.msk [tilespmem:v6+s5+$0x0 ss:$0x1], $0xffff;
	v1 =	vadd.f32 v12, v1;
	v12 =	vmul.f32 v15, v4  }
.LBB2_5:
0x7b: {  	p0 =	sne.s32 s6, $0x1C0;
	v14 =	vld.idx.msk [tilespmem:v2+s5+$0xFFFFF000 ss:$0x1], $0xffff  }
0x7c: {  	v8 =	vmul.f32 v10, v8;
	v15 =	vld.idx.msk [tilespmem:v3+s5+$0x800 ss:$0x1], $0xffff;
	v1 =	vadd.f32 v12, v1;
	v12 =	vmul.f32 v13, v4  }
0x7d: {  	v13 =	vld.idx.msk [tilespmem:v2+s5+$0xFFFFF800 ss:$0x1], $0xffff  }
0x7e: {  	v10 =	vmul.f32 v8, v4;
	v7 =	vmul.f32 v11, v7;
	v16 =	vld.idx.msk [tilespmem:v3+s5+$0x1000 ss:$0x1], $0xffff;
	v1 =	vadd.f32 v12, v1  }
0x7f: {  	v17 =	vld.idx.msk [tilespmem:v2+s5+$0x0 ss:$0x1], $0xffff  }
0x80: {  	v11 =	vmul.f32 v7, v4;
	v4 =	vmov v5;
	v8 =	vld.idx.msk [tilespmem:v3+s5+$0x1800 ss:$0x1], $0xffff;
	v1 =	vadd.f32 v10, v1  }
.Ltmp1:
0x81: {  	v5 =	vmul.f32 v14, v9;
	v10 =	vld.idx.msk [tilespmem:v2+s5+$0x800 ss:$0x1], $0xffff;
	(pc) =	sbr.rel @p0 .LBB2_5-.Ltmp1, $4  }
0x82: {  	v7 =	vld.idx.msk [tilespmem:v3+s5+$0x2000 ss:$0x1], $0xffff;
	v1 =	vadd.f32 v11, v1  }
0x83: {  	v12 =	vmul.f32 v5, v4;
	v13 =	vmul.f32 v13, v15;
	v11 =	vld.idx.msk [tilespmem:v2+s5+$0x1000 ss:$0x1], $0xffff;
	s5 =	sshra.s32 s6, $0x2  }
0x84: {  	v5 =	vld.idx.msk [tilespmem:v6+s5+$0x0 ss:$0x1], $0xffff  }
0x85: {  	s6 =	sadd.s32 $0x40, s6;
	v1 =	vadd.f32 v12, v1;
	v12 =	vmul.f32 v13, v4;
	v13 =	vmul.f32 v17, v16;
	v9 =	vld.idx.msk [tilespmem:v3+s5+$0x0 ss:$0x1], $0xffff  }
0x86: {  	_ =	sdelay $0x3  }
0x87: {  	v6 =	vld.idx.msk [tilespmem:v2+s5+$0xFFFFF000 ss:$0x1], $0xffff  }
0x88: {  	v14 =	vld.idx.msk [tilespmem:v3+s5+$0x800 ss:$0x1], $0xffff;
	v8 =	vmul.f32 v10, v8;
	v1 =	vadd.f32 v12, v1;
	v50 =	vmul.f32 v13, v4  }
0x89: {  	v51 =	vld.idx.msk [tilespmem:v2+s5+$0xFFFFF800 ss:$0x1], $0xffff  }
0x8a: {  	v52 =	vld.idx.msk [tilespmem:v3+s5+$0x1000 ss:$0x1], $0xffff;
	v8 =	vmul.f32 v8, v4;
	v7 =	vmul.f32 v11, v7;
	v1 =	vadd.f32 v50, v1  }
0x8b: {  	v53 =	vld.idx.msk [tilespmem:v2+s5+$0x0 ss:$0x1], $0xffff  }
0x8c: {  	v54 =	vld.idx.msk [tilespmem:v3+s5+$0x1800 ss:$0x1], $0xffff;
	v55 =	vmul.f32 v7, v4;
	v1 =	vadd.f32 v8, v1;
	v6 =	vmul.f32 v6, v9  }
0x8d: {  	v56 =	vld.idx.msk [tilespmem:v2+s5+$0x800 ss:$0x1], $0xffff  }
0x8e: {  	v3 =	vld.idx.msk [tilespmem:v3+s5+$0x2000 ss:$0x1], $0xffff;
	v58 =	vmul.f32 v51, v14;
	v1 =	vadd.f32 v55, v1;
	v57 =	vmul.f32 v6, v5  }
0x8f: {  	v2 =	vld.idx.msk [tilespmem:v2+s5+$0x1000 ss:$0x1], $0xffff  }
0x90: {  	v60 =	vmul.f32 v53, v52;
	v59 =	vmul.f32 v58, v5;
	v1 =	vadd.f32 v57, v1;
	_ =	sdelay $0x1  }
0x91: {  	s24 =	sadd.s32 $0x1, s24;
	v62 =	vmul.f32 v56, v54;
	v61 =	vmul.f32 v60, v5;
	v1 =	vadd.f32 v59, v1  }
0x92: {  	p0 =	sne.s32 s24, $0x10  }
.Ltmp2:
0x93: {  	v2 =	vmul.f32 v2, v3;
	v63 =	vmul.f32 v62, v5;
	v1 =	vadd.f32 v61, v1;
	(pc) =	sbr.rel @p0 .LBB2_4-.Ltmp2, $3  }
0x94: {  	_ = 	snop  }
0x95: {  	v2 =	vmul.f32 v2, v5;
	v1 =	vadd.f32 v63, v1;
	_ =	sdelay $0x1  }
0x96: {  	s4 =	sadd.s32 $0x80, s4;
	s3 =	sadd.s32 $0x80, s3;
	s30 =	sadd.s32 $0x80, s30;
	v1 =	vadd.f32 v2, v1  }
0x97: {  	s3 =	simm.s32 $0x580;
	s4 =	simm.s32 $0x170  }
0x98: {  	[tilespmem:s3], [sflag:$0x1] =	stream.indirect.gather [hbm4b:s1+s17], $0x80, s4, s17, $0xb8;
	[tilespmem:$0x10E00] =	vst v63  }
0x99: {  	s24 =	simm.s32 $0x7D80;
	s6 =	simm.s32 $0x3F0  }
0x9a: {  	[tilespmem:s24], [sflag:$0x1] =	stream.indirect.gather [hbm4b:s2+s17], $0x80, s6, s17, $0xb8;
	[tilespmem:$0x10E00] =	vst v63  }
0x9b: {  	s30 =	simm.s32 $0x0  }
0x9c: {  	[tilespmem:s19], [sflag:$0x1] =	stream.linear.gather [hbm4b:s9+s30], $0x800, $0x38;
	[tilespmem:$0x10E00] =	vst v63  }
0x9d: {  	_ =	swait.ge [sflag:s21], $0x2800  }
0x9e: {  	[sflag:s21] =	ssyncset.done $0x0  }
0x9f: {  	[sflag:s21] =	ssyncadd.s32 $0xFFFFD800  }
0xa0: {  	_ =	swait.ge [sflag:s21], $0x2800  }
0xa1: {  	[sflag:s21] =	ssyncset.done $0x0  }
0xa2: {  	[sflag:s21] =	ssyncadd.s32 $0xFFFFD800  }
0xa3: {  	_ =	swait.ge [sflag:s21], $0x800  }
0xa4: {  	[sflag:s21] =	ssyncset.done $0x0  }
0xa5: {  	s4 =	simm.s32 $0xFD80;
	[sflag:s21] =	ssyncadd.s32 $0xFFFFF800  }
.LBB2_8:
0xa6: {  	v6 =	vmov s4  }
0xa7: {  	v3 =	vmov s3  }
0xa8: {  	v2 =	vmov s24;
	_ =	sdelay $0x1  }
0xa9: {  	s6 =	simm.s32 $0x0  }
0xaa: {  	v4 =	vld.idx.msk [tilespmem:v6+s6+$0x0 ss:$0x1], $0xffff  }
0xab: {  	v5 =	vld.idx.msk [tilespmem:v3+s6+$0x2800 ss:$0x1], $0xffff  }
0xac: {  	v7 =	vld.idx.msk [tilespmem:v2+s6+$0x2800 ss:$0x1], $0xffff  }
0xad: {  	v9 =	vld.idx.msk [tilespmem:v3+s6+$0x3000 ss:$0x1], $0xffff  }
0xae: {  	v11 =	vld.idx.msk [tilespmem:v2+s6+$0x3000 ss:$0x1], $0xffff  }
0xaf: {  	v13 =	vld.idx.msk [tilespmem:v3+s6+$0x3800 ss:$0x1], $0xffff  }
0xb0: {  	v14 =	vld.idx.msk [tilespmem:v2+s6+$0x3800 ss:$0x1], $0xffff  }
0xb1: {  	v8 =	vld.idx.msk [tilespmem:v3+s6+$0x4000 ss:$0x1], $0xffff  }
0xb2: {  	v10 =	vld.idx.msk [tilespmem:v2+s6+$0x4000 ss:$0x1], $0xffff;
	v5 =	vmul.f32 v7, v5  }
0xb3: {  	v7 =	vld.idx.msk [tilespmem:v3+s6+$0x4800 ss:$0x1], $0xffff  }
0xb4: {  	s5 =	simm.s32 $0x10;
	v15 =	vmul.f32 v11, v9;
	v11 =	vld.idx.msk [tilespmem:v2+s6+$0x4800 ss:$0x1], $0xffff;
	v12 =	vmul.f32 v5, v4  }
0xb5: {  	v9 =	vld.idx.msk [tilespmem:v3+s5+$0x2800 ss:$0x1], $0xffff  }
0xb6: {  	s6 =	simm.s32 $0x80;
	v13 =	vmul.f32 v14, v13;
	v5 =	vld.idx.msk [tilespmem:v6+s5+$0x0 ss:$0x1], $0xffff;
	v1 =	vadd.f32 v12, v1;
	v12 =	vmul.f32 v15, v4  }
.LBB2_9:
0xb7: {  	p0 =	sne.s32 s6, $0x1C0;
	v14 =	vld.idx.msk [tilespmem:v2+s5+$0x2800 ss:$0x1], $0xffff  }
0xb8: {  	v8 =	vmul.f32 v10, v8;
	v15 =	vld.idx.msk [tilespmem:v3+s5+$0x3000 ss:$0x1], $0xffff;
	v1 =	vadd.f32 v12, v1;
	v12 =	vmul.f32 v13, v4  }
0xb9: {  	v13 =	vld.idx.msk [tilespmem:v2+s5+$0x3000 ss:$0x1], $0xffff  }
0xba: {  	v10 =	vmul.f32 v8, v4;
	v7 =	vmul.f32 v11, v7;
	v16 =	vld.idx.msk [tilespmem:v3+s5+$0x3800 ss:$0x1], $0xffff;
	v1 =	vadd.f32 v12, v1  }
0xbb: {  	v17 =	vld.idx.msk [tilespmem:v2+s5+$0x3800 ss:$0x1], $0xffff  }
0xbc: {  	v11 =	vmul.f32 v7, v4;
	v4 =	vmov v5;
	v8 =	vld.idx.msk [tilespmem:v3+s5+$0x4000 ss:$0x1], $0xffff;
	v1 =	vadd.f32 v10, v1  }
.Ltmp3:
0xbd: {  	v5 =	vmul.f32 v14, v9;
	v10 =	vld.idx.msk [tilespmem:v2+s5+$0x4000 ss:$0x1], $0xffff;
	(pc) =	sbr.rel @p0 .LBB2_9-.Ltmp3, $4  }
0xbe: {  	v7 =	vld.idx.msk [tilespmem:v3+s5+$0x4800 ss:$0x1], $0xffff;
	v1 =	vadd.f32 v11, v1  }
0xbf: {  	v12 =	vmul.f32 v5, v4;
	v13 =	vmul.f32 v13, v15;
	v11 =	vld.idx.msk [tilespmem:v2+s5+$0x4800 ss:$0x1], $0xffff;
	s5 =	sshra.s32 s6, $0x2  }
0xc0: {  	v5 =	vld.idx.msk [tilespmem:v6+s5+$0x0 ss:$0x1], $0xffff  }
0xc1: {  	s6 =	sadd.s32 $0x40, s6;
	v1 =	vadd.f32 v12, v1;
	v12 =	vmul.f32 v13, v4;
	v13 =	vmul.f32 v17, v16;
	v9 =	vld.idx.msk [tilespmem:v3+s5+$0x2800 ss:$0x1], $0xffff  }
0xc2: {  	_ =	sdelay $0x3  }
0xc3: {  	v6 =	vld.idx.msk [tilespmem:v2+s5+$0x2800 ss:$0x1], $0xffff  }
0xc4: {  	v14 =	vld.idx.msk [tilespmem:v3+s5+$0x3000 ss:$0x1], $0xffff;
	v8 =	vmul.f32 v10, v8;
	v1 =	vadd.f32 v12, v1;
	v50 =	vmul.f32 v13, v4  }
0xc5: {  	v51 =	vld.idx.msk [tilespmem:v2+s5+$0x3000 ss:$0x1], $0xffff  }
0xc6: {  	v52 =	vld.idx.msk [tilespmem:v3+s5+$0x3800 ss:$0x1], $0xffff;
	v8 =	vmul.f32 v8, v4;
	v7 =	vmul.f32 v11, v7;
	v1 =	vadd.f32 v50, v1  }
0xc7: {  	v53 =	vld.idx.msk [tilespmem:v2+s5+$0x3800 ss:$0x1], $0xffff  }
0xc8: {  	v54 =	vld.idx.msk [tilespmem:v3+s5+$0x4000 ss:$0x1], $0xffff;
	v55 =	vmul.f32 v7, v4;
	v1 =	vadd.f32 v8, v1;
	v6 =	vmul.f32 v6, v9  }
0xc9: {  	v56 =	vld.idx.msk [tilespmem:v2+s5+$0x4000 ss:$0x1], $0xffff  }
0xca: {  	v3 =	vld.idx.msk [tilespmem:v3+s5+$0x4800 ss:$0x1], $0xffff;
	v58 =	vmul.f32 v51, v14;
	v1 =	vadd.f32 v55, v1;
	v57 =	vmul.f32 v6, v5  }
0xcb: {  	v2 =	vld.idx.msk [tilespmem:v2+s5+$0x4800 ss:$0x1], $0xffff  }
0xcc: {  	v60 =	vmul.f32 v53, v52;
	v59 =	vmul.f32 v58, v5;
	v1 =	vadd.f32 v57, v1;
	_ =	sdelay $0x1  }
0xcd: {  	s30 =	sadd.s32 $0x1, s30;
	v62 =	vmul.f32 v56, v54;
	v61 =	vmul.f32 v60, v5;
	v1 =	vadd.f32 v59, v1  }
0xce: {  	p0 =	sne.s32 s30, $0x10  }
.Ltmp4:
0xcf: {  	v2 =	vmul.f32 v2, v3;
	v63 =	vmul.f32 v62, v5;
	v1 =	vadd.f32 v61, v1;
	(pc) =	sbr.rel @p0 .LBB2_8-.Ltmp4, $3  }
0xd0: {  	_ = 	snop  }
0xd1: {  	v2 =	vmul.f32 v2, v5;
	v1 =	vadd.f32 v63, v1;
	_ =	sdelay $0x1  }
0xd2: {  	s24 =	sadd.s32 $0x80, s24;
	s3 =	sadd.s32 $0x80, s3;
	s4 =	sadd.s32 $0x80, s4;
	v1 =	vadd.f32 v2, v1  }
0xd3: {  	s3 =	simm.s32 $0x1C0  }
0xd4: {  	[tilespmem:s23], [sflag:$0x2] =	stream.indirect.gather [hbm4b:s1+s17], $0x80, s3, s17, $0xb8;
	[tilespmem:$0x10E00] =	vst v63  }
0xd5: {  	s24 =	simm.s32 $0x440  }
0xd6: {  	[tilespmem:s25], [sflag:$0x2] =	stream.indirect.gather [hbm4b:s2+s17], $0x80, s24, s17, $0xb8;
	[tilespmem:$0x10E00] =	vst v63  }
0xd7: {  	s3 =	simm.s32 $0x0  }
0xd8: {  	[tilespmem:s26], [sflag:$0x2] =	stream.linear.gather [hbm4b:s10+s3], $0x800, $0x38;
	[tilespmem:$0x10E00] =	vst v63  }
0xd9: {  	_ =	swait.ge [sflag:s28], $0x2800  }
0xda: {  	[sflag:s28] =	ssyncset.done $0x0  }
0xdb: {  	[sflag:s28] =	ssyncadd.s32 $0xFFFFD800  }
0xdc: {  	_ =	swait.ge [sflag:s28], $0x2800  }
0xdd: {  	[sflag:s28] =	ssyncset.done $0x0  }
0xde: {  	[sflag:s28] =	ssyncadd.s32 $0xFFFFD800  }
0xdf: {  	_ =	swait.ge [sflag:s28], $0x800  }
0xe0: {  	s30 =	simm.s32 $0x580;
	[sflag:s28] =	ssyncset.done $0x0  }
0xe1: {  	s4 =	simm.s32 $0x10580;
	s24 =	simm.s32 $0x7D80;
	[sflag:s28] =	ssyncadd.s32 $0xFFFFF800  }
.LBB2_12:
0xe2: {  	v6 =	vmov s4  }
0xe3: {  	v3 =	vmov s30  }
0xe4: {  	v2 =	vmov s24;
	_ =	sdelay $0x1  }
0xe5: {  	s6 =	simm.s32 $0x0  }
0xe6: {  	v4 =	vld.idx.msk [tilespmem:v6+s6+$0x0 ss:$0x1], $0xffff  }
0xe7: {  	v5 =	vld.idx.msk [tilespmem:v3+s6+$0x5000 ss:$0x1], $0xffff  }
0xe8: {  	v7 =	vld.idx.msk [tilespmem:v2+s6+$0x5000 ss:$0x1], $0xffff  }
0xe9: {  	v9 =	vld.idx.msk [tilespmem:v3+s6+$0x5800 ss:$0x1], $0xffff  }
0xea: {  	v11 =	vld.idx.msk [tilespmem:v2+s6+$0x5800 ss:$0x1], $0xffff  }
0xeb: {  	v13 =	vld.idx.msk [tilespmem:v3+s6+$0x6000 ss:$0x1], $0xffff  }
0xec: {  	v14 =	vld.idx.msk [tilespmem:v2+s6+$0x6000 ss:$0x1], $0xffff  }
0xed: {  	v8 =	vld.idx.msk [tilespmem:v3+s6+$0x6800 ss:$0x1], $0xffff  }
0xee: {  	v10 =	vld.idx.msk [tilespmem:v2+s6+$0x6800 ss:$0x1], $0xffff;
	v5 =	vmul.f32 v7, v5  }
0xef: {  	v7 =	vld.idx.msk [tilespmem:v3+s6+$0x7000 ss:$0x1], $0xffff  }
0xf0: {  	s5 =	simm.s32 $0x10;
	v15 =	vmul.f32 v11, v9;
	v11 =	vld.idx.msk [tilespmem:v2+s6+$0x7000 ss:$0x1], $0xffff;
	v12 =	vmul.f32 v5, v4  }
0xf1: {  	v9 =	vld.idx.msk [tilespmem:v3+s5+$0x5000 ss:$0x1], $0xffff  }
0xf2: {  	s6 =	simm.s32 $0x80;
	v13 =	vmul.f32 v14, v13;
	v5 =	vld.idx.msk [tilespmem:v6+s5+$0x0 ss:$0x1], $0xffff;
	v1 =	vadd.f32 v12, v1;
	v12 =	vmul.f32 v15, v4  }
.LBB2_13:
0xf3: {  	p0 =	sne.s32 s6, $0x1C0;
	v14 =	vld.idx.msk [tilespmem:v2+s5+$0x5000 ss:$0x1], $0xffff  }
0xf4: {  	v8 =	vmul.f32 v10, v8;
	v15 =	vld.idx.msk [tilespmem:v3+s5+$0x5800 ss:$0x1], $0xffff;
	v1 =	vadd.f32 v12, v1;
	v12 =	vmul.f32 v13, v4  }
0xf5: {  	v13 =	vld.idx.msk [tilespmem:v2+s5+$0x5800 ss:$0x1], $0xffff  }
0xf6: {  	v10 =	vmul.f32 v8, v4;
	v7 =	vmul.f32 v11, v7;
	v16 =	vld.idx.msk [tilespmem:v3+s5+$0x6000 ss:$0x1], $0xffff;
	v1 =	vadd.f32 v12, v1  }
0xf7: {  	v17 =	vld.idx.msk [tilespmem:v2+s5+$0x6000 ss:$0x1], $0xffff  }
0xf8: {  	v11 =	vmul.f32 v7, v4;
	v4 =	vmov v5;
	v8 =	vld.idx.msk [tilespmem:v3+s5+$0x6800 ss:$0x1], $0xffff;
	v1 =	vadd.f32 v10, v1  }
.Ltmp5:
0xf9: {  	v5 =	vmul.f32 v14, v9;
	v10 =	vld.idx.msk [tilespmem:v2+s5+$0x6800 ss:$0x1], $0xffff;
	(pc) =	sbr.rel @p0 .LBB2_13-.Ltmp5, $4  }
0xfa: {  	v7 =	vld.idx.msk [tilespmem:v3+s5+$0x7000 ss:$0x1], $0xffff;
	v1 =	vadd.f32 v11, v1  }
0xfb: {  	v12 =	vmul.f32 v5, v4;
	v13 =	vmul.f32 v13, v15;
	v11 =	vld.idx.msk [tilespmem:v2+s5+$0x7000 ss:$0x1], $0xffff;
	s5 =	sshra.s32 s6, $0x2  }
0xfc: {  	v5 =	vld.idx.msk [tilespmem:v6+s5+$0x0 ss:$0x1], $0xffff  }
0xfd: {  	s6 =	sadd.s32 $0x40, s6;
	v1 =	vadd.f32 v12, v1;
	v12 =	vmul.f32 v13, v4;
	v13 =	vmul.f32 v17, v16;
	v9 =	vld.idx.msk [tilespmem:v3+s5+$0x5000 ss:$0x1], $0xffff  }
0xfe: {  	_ =	sdelay $0x3  }
0xff: {  	v6 =	vld.idx.msk [tilespmem:v2+s5+$0x5000 ss:$0x1], $0xffff  }
0x100: {  	v14 =	vld.idx.msk [tilespmem:v3+s5+$0x5800 ss:$0x1], $0xffff;
	v8 =	vmul.f32 v10, v8;
	v1 =	vadd.f32 v12, v1;
	v50 =	vmul.f32 v13, v4  }
0x101: {  	v51 =	vld.idx.msk [tilespmem:v2+s5+$0x5800 ss:$0x1], $0xffff  }
0x102: {  	v52 =	vld.idx.msk [tilespmem:v3+s5+$0x6000 ss:$0x1], $0xffff;
	v8 =	vmul.f32 v8, v4;
	v7 =	vmul.f32 v11, v7;
	v1 =	vadd.f32 v50, v1  }
0x103: {  	v53 =	vld.idx.msk [tilespmem:v2+s5+$0x6000 ss:$0x1], $0xffff  }
0x104: {  	v54 =	vld.idx.msk [tilespmem:v3+s5+$0x6800 ss:$0x1], $0xffff;
	v55 =	vmul.f32 v7, v4;
	v1 =	vadd.f32 v8, v1;
	v6 =	vmul.f32 v6, v9  }
0x105: {  	v56 =	vld.idx.msk [tilespmem:v2+s5+$0x6800 ss:$0x1], $0xffff  }
0x106: {  	v3 =	vld.idx.msk [tilespmem:v3+s5+$0x7000 ss:$0x1], $0xffff;
	v58 =	vmul.f32 v51, v14;
	v1 =	vadd.f32 v55, v1;
	v57 =	vmul.f32 v6, v5  }
0x107: {  	v2 =	vld.idx.msk [tilespmem:v2+s5+$0x7000 ss:$0x1], $0xffff  }
0x108: {  	v60 =	vmul.f32 v53, v52;
	v59 =	vmul.f32 v58, v5;
	v1 =	vadd.f32 v57, v1;
	_ =	sdelay $0x1  }
0x109: {  	s3 =	sadd.s32 $0x1, s3;
	v62 =	vmul.f32 v56, v54;
	v61 =	vmul.f32 v60, v5;
	v1 =	vadd.f32 v59, v1  }
0x10a: {  	p0 =	sne.s32 s3, $0x10  }
.Ltmp6:
0x10b: {  	v2 =	vmul.f32 v2, v3;
	v63 =	vmul.f32 v62, v5;
	v1 =	vadd.f32 v61, v1;
	(pc) =	sbr.rel @p0 .LBB2_12-.Ltmp6, $3  }
0x10c: {  	_ = 	snop  }
0x10d: {  	v2 =	vmul.f32 v2, v5;
	v1 =	vadd.f32 v63, v1;
	_ =	sdelay $0x1  }
0x10e: {  	s24 =	sadd.s32 $0x80, s24;
	s30 =	sadd.s32 $0x80, s30;
	s4 =	sadd.s32 $0x80, s4;
	v1 =	vadd.f32 v2, v1  }
0x10f: {  	s3 =	simm.s32 $0x210  }
0x110: {  	[tilespmem:s29], [sflag:$0x3] =	stream.indirect.gather [hbm4b:s1+s17], $0x80, s3, s17, $0xb8;
	[tilespmem:$0x10E00] =	vst v63  }
0x111: {  	s24 =	simm.s32 $0x490  }
0x112: {  	[tilespmem:s31], [sflag:$0x3] =	stream.indirect.gather [hbm4b:s2+s17], $0x80, s24, s17, $0xb8;
	[tilespmem:$0x10E00] =	vst v63  }
0x113: {  	s3 =	simm.s32 $0x0  }
0x114: {  	[tilespmem:s0], [sflag:$0x3] =	stream.linear.gather [hbm4b:s11+s3], $0x800, $0x38;
	[tilespmem:$0x10E00] =	vst v63  }
0x115: {  	_ =	swait.ge [sflag:s20], $0x2800  }
0x116: {  	[sflag:s20] =	ssyncset.done $0x0  }
0x117: {  	[sflag:s20] =	ssyncadd.s32 $0xFFFFD800  }
0x118: {  	_ =	swait.ge [sflag:s20], $0x2800  }
0x119: {  	[sflag:s20] =	ssyncset.done $0x0  }
0x11a: {  	[sflag:s20] =	ssyncadd.s32 $0xFFFFD800  }
0x11b: {  	_ =	swait.ge [sflag:s20], $0x800  }
0x11c: {  	s30 =	simm.s32 $0x580;
	[sflag:s20] =	ssyncset.done $0x0  }
0x11d: {  	s4 =	simm.s32 $0xF580;
	s24 =	simm.s32 $0x8D80;
	[sflag:s20] =	ssyncadd.s32 $0xFFFFF800  }
.LBB2_16:
0x11e: {  	v6 =	vmov s4  }
0x11f: {  	v3 =	vmov s30  }
0x120: {  	v2 =	vmov s24;
	_ =	sdelay $0x1  }
0x121: {  	s6 =	simm.s32 $0x0  }
0x122: {  	v4 =	vld.idx.msk [tilespmem:v6+s6+$0x0 ss:$0x1], $0xffff  }
0x123: {  	v5 =	vld.idx.msk [tilespmem:v3+s6+$0x0 ss:$0x1], $0xffff  }
0x124: {  	v7 =	vld.idx.msk [tilespmem:v2+s6+$0xFFFFF000 ss:$0x1], $0xffff  }
0x125: {  	v9 =	vld.idx.msk [tilespmem:v3+s6+$0x800 ss:$0x1], $0xffff  }
0x126: {  	v11 =	vld.idx.msk [tilespmem:v2+s6+$0xFFFFF800 ss:$0x1], $0xffff  }
0x127: {  	v13 =	vld.idx.msk [tilespmem:v3+s6+$0x1000 ss:$0x1], $0xffff  }
0x128: {  	v14 =	vld.idx.msk [tilespmem:v2+s6+$0x0 ss:$0x1], $0xffff  }
0x129: {  	v8 =	vld.idx.msk [tilespmem:v3+s6+$0x1800 ss:$0x1], $0xffff  }
0x12a: {  	v10 =	vld.idx.msk [tilespmem:v2+s6+$0x800 ss:$0x1], $0xffff;
	v5 =	vmul.f32 v7, v5  }
0x12b: {  	v7 =	vld.idx.msk [tilespmem:v3+s6+$0x2000 ss:$0x1], $0xffff  }
0x12c: {  	s5 =	simm.s32 $0x10;
	v15 =	vmul.f32 v11, v9;
	v11 =	vld.idx.msk [tilespmem:v2+s6+$0x1000 ss:$0x1], $0xffff;
	v12 =	vmul.f32 v5, v4  }
0x12d: {  	v9 =	vld.idx.msk [tilespmem:v3+s5+$0x0 ss:$0x1], $0xffff  }
0x12e: {  	s6 =	simm.s32 $0x80;
	v13 =	vmul.f32 v14, v13;
	v5 =	vld.idx.msk [tilespmem:v6+s5+$0x0 ss:$0x1], $0xffff;
	v1 =	vadd.f32 v12, v1;
	v12 =	vmul.f32 v15, v4  }
.LBB2_17:
0x12f: {  	p0 =	sne.s32 s6, $0x1C0;
	v14 =	vld.idx.msk [tilespmem:v2+s5+$0xFFFFF000 ss:$0x1], $0xffff  }
0x130: {  	v8 =	vmul.f32 v10, v8;
	v15 =	vld.idx.msk [tilespmem:v3+s5+$0x800 ss:$0x1], $0xffff;
	v1 =	vadd.f32 v12, v1;
	v12 =	vmul.f32 v13, v4  }
0x131: {  	v13 =	vld.idx.msk [tilespmem:v2+s5+$0xFFFFF800 ss:$0x1], $0xffff  }
0x132: {  	v10 =	vmul.f32 v8, v4;
	v7 =	vmul.f32 v11, v7;
	v16 =	vld.idx.msk [tilespmem:v3+s5+$0x1000 ss:$0x1], $0xffff;
	v1 =	vadd.f32 v12, v1  }
0x133: {  	v17 =	vld.idx.msk [tilespmem:v2+s5+$0x0 ss:$0x1], $0xffff  }
0x134: {  	v11 =	vmul.f32 v7, v4;
	v4 =	vmov v5;
	v8 =	vld.idx.msk [tilespmem:v3+s5+$0x1800 ss:$0x1], $0xffff;
	v1 =	vadd.f32 v10, v1  }
.Ltmp7:
0x135: {  	v5 =	vmul.f32 v14, v9;
	v10 =	vld.idx.msk [tilespmem:v2+s5+$0x800 ss:$0x1], $0xffff;
	(pc) =	sbr.rel @p0 .LBB2_17-.Ltmp7, $4  }
0x136: {  	v7 =	vld.idx.msk [tilespmem:v3+s5+$0x2000 ss:$0x1], $0xffff;
	v1 =	vadd.f32 v11, v1  }
0x137: {  	v12 =	vmul.f32 v5, v4;
	v13 =	vmul.f32 v13, v15;
	v11 =	vld.idx.msk [tilespmem:v2+s5+$0x1000 ss:$0x1], $0xffff;
	s5 =	sshra.s32 s6, $0x2  }
0x138: {  	v5 =	vld.idx.msk [tilespmem:v6+s5+$0x0 ss:$0x1], $0xffff  }
0x139: {  	s6 =	sadd.s32 $0x40, s6;
	v1 =	vadd.f32 v12, v1;
	v12 =	vmul.f32 v13, v4;
	v13 =	vmul.f32 v17, v16;
	v9 =	vld.idx.msk [tilespmem:v3+s5+$0x0 ss:$0x1], $0xffff  }
0x13a: {  	_ =	sdelay $0x3  }
0x13b: {  	v6 =	vld.idx.msk [tilespmem:v2+s5+$0xFFFFF000 ss:$0x1], $0xffff  }
0x13c: {  	v14 =	vld.idx.msk [tilespmem:v3+s5+$0x800 ss:$0x1], $0xffff;
	v8 =	vmul.f32 v10, v8;
	v1 =	vadd.f32 v12, v1;
	v50 =	vmul.f32 v13, v4  }
0x13d: {  	v51 =	vld.idx.msk [tilespmem:v2+s5+$0xFFFFF800 ss:$0x1], $0xffff  }
0x13e: {  	v52 =	vld.idx.msk [tilespmem:v3+s5+$0x1000 ss:$0x1], $0xffff;
	v8 =	vmul.f32 v8, v4;
	v7 =	vmul.f32 v11, v7;
	v1 =	vadd.f32 v50, v1  }
0x13f: {  	v53 =	vld.idx.msk [tilespmem:v2+s5+$0x0 ss:$0x1], $0xffff  }
0x140: {  	v54 =	vld.idx.msk [tilespmem:v3+s5+$0x1800 ss:$0x1], $0xffff;
	v55 =	vmul.f32 v7, v4;
	v1 =	vadd.f32 v8, v1;
	v6 =	vmul.f32 v6, v9  }
0x141: {  	v56 =	vld.idx.msk [tilespmem:v2+s5+$0x800 ss:$0x1], $0xffff  }
0x142: {  	v3 =	vld.idx.msk [tilespmem:v3+s5+$0x2000 ss:$0x1], $0xffff;
	v58 =	vmul.f32 v51, v14;
	v1 =	vadd.f32 v55, v1;
	v57 =	vmul.f32 v6, v5  }
0x143: {  	v2 =	vld.idx.msk [tilespmem:v2+s5+$0x1000 ss:$0x1], $0xffff  }
0x144: {  	v60 =	vmul.f32 v53, v52;
	v59 =	vmul.f32 v58, v5;
	v1 =	vadd.f32 v57, v1;
	_ =	sdelay $0x1  }
0x145: {  	s3 =	sadd.s32 $0x1, s3;
	v62 =	vmul.f32 v56, v54;
	v61 =	vmul.f32 v60, v5;
	v1 =	vadd.f32 v59, v1  }
0x146: {  	p0 =	sne.s32 s3, $0x10  }
.Ltmp8:
0x147: {  	v2 =	vmul.f32 v2, v3;
	v63 =	vmul.f32 v62, v5;
	v1 =	vadd.f32 v61, v1;
	(pc) =	sbr.rel @p0 .LBB2_16-.Ltmp8, $3  }
0x148: {  	_ = 	snop  }
0x149: {  	v2 =	vmul.f32 v2, v5;
	v1 =	vadd.f32 v63, v1;
	_ =	sdelay $0x1  }
0x14a: {  	s24 =	sadd.s32 $0x80, s24;
	s30 =	sadd.s32 $0x80, s30;
	s4 =	sadd.s32 $0x80, s4;
	v1 =	vadd.f32 v2, v1  }
0x14b: {  	s3 =	simm.s32 $0x580;
	s4 =	simm.s32 $0x260  }
0x14c: {  	[tilespmem:s3], [sflag:$0x1] =	stream.indirect.gather [hbm4b:s1+s17], $0x80, s4, s17, $0xb8;
	[tilespmem:$0x10E00] =	vst v63  }
0x14d: {  	s24 =	simm.s32 $0x7D80;
	s6 =	simm.s32 $0x4E0  }
0x14e: {  	[tilespmem:s24], [sflag:$0x1] =	stream.indirect.gather [hbm4b:s2+s17], $0x80, s6, s17, $0xb8;
	[tilespmem:$0x10E00] =	vst v63  }
0x14f: {  	s30 =	simm.s32 $0x0  }
0x150: {  	[tilespmem:s19], [sflag:$0x1] =	stream.linear.gather [hbm4b:s12+s30], $0x800, $0x38;
	[tilespmem:$0x10E00] =	vst v63  }
0x151: {  	_ =	swait.ge [sflag:s21], $0x2800  }
0x152: {  	[sflag:s21] =	ssyncset.done $0x0  }
0x153: {  	[sflag:s21] =	ssyncadd.s32 $0xFFFFD800  }
0x154: {  	_ =	swait.ge [sflag:s21], $0x2800  }
0x155: {  	[sflag:s21] =	ssyncset.done $0x0  }
0x156: {  	[sflag:s21] =	ssyncadd.s32 $0xFFFFD800  }
0x157: {  	_ =	swait.ge [sflag:s21], $0x800  }
0x158: {  	[sflag:s21] =	ssyncset.done $0x0  }
0x159: {  	s4 =	simm.s32 $0xFD80;
	[sflag:s21] =	ssyncadd.s32 $0xFFFFF800  }
.LBB2_20:
0x15a: {  	v6 =	vmov s4  }
0x15b: {  	v3 =	vmov s3  }
0x15c: {  	v2 =	vmov s24;
	_ =	sdelay $0x1  }
0x15d: {  	s6 =	simm.s32 $0x0  }
0x15e: {  	v4 =	vld.idx.msk [tilespmem:v6+s6+$0x0 ss:$0x1], $0xffff  }
0x15f: {  	v5 =	vld.idx.msk [tilespmem:v3+s6+$0x2800 ss:$0x1], $0xffff  }
0x160: {  	v7 =	vld.idx.msk [tilespmem:v2+s6+$0x2800 ss:$0x1], $0xffff  }
0x161: {  	v9 =	vld.idx.msk [tilespmem:v3+s6+$0x3000 ss:$0x1], $0xffff  }
0x162: {  	v11 =	vld.idx.msk [tilespmem:v2+s6+$0x3000 ss:$0x1], $0xffff  }
0x163: {  	v13 =	vld.idx.msk [tilespmem:v3+s6+$0x3800 ss:$0x1], $0xffff  }
0x164: {  	v14 =	vld.idx.msk [tilespmem:v2+s6+$0x3800 ss:$0x1], $0xffff  }
0x165: {  	v8 =	vld.idx.msk [tilespmem:v3+s6+$0x4000 ss:$0x1], $0xffff  }
0x166: {  	v10 =	vld.idx.msk [tilespmem:v2+s6+$0x4000 ss:$0x1], $0xffff;
	v5 =	vmul.f32 v7, v5  }
0x167: {  	v7 =	vld.idx.msk [tilespmem:v3+s6+$0x4800 ss:$0x1], $0xffff  }
0x168: {  	s5 =	simm.s32 $0x10;
	v15 =	vmul.f32 v11, v9;
	v11 =	vld.idx.msk [tilespmem:v2+s6+$0x4800 ss:$0x1], $0xffff;
	v12 =	vmul.f32 v5, v4  }
0x169: {  	v9 =	vld.idx.msk [tilespmem:v3+s5+$0x2800 ss:$0x1], $0xffff  }
0x16a: {  	s6 =	simm.s32 $0x80;
	v13 =	vmul.f32 v14, v13;
	v5 =	vld.idx.msk [tilespmem:v6+s5+$0x0 ss:$0x1], $0xffff;
	v1 =	vadd.f32 v12, v1;
	v12 =	vmul.f32 v15, v4  }
.LBB2_21:
0x16b: {  	p0 =	sne.s32 s6, $0x1C0;
	v14 =	vld.idx.msk [tilespmem:v2+s5+$0x2800 ss:$0x1], $0xffff  }
0x16c: {  	v8 =	vmul.f32 v10, v8;
	v15 =	vld.idx.msk [tilespmem:v3+s5+$0x3000 ss:$0x1], $0xffff;
	v1 =	vadd.f32 v12, v1;
	v12 =	vmul.f32 v13, v4  }
0x16d: {  	v13 =	vld.idx.msk [tilespmem:v2+s5+$0x3000 ss:$0x1], $0xffff  }
0x16e: {  	v10 =	vmul.f32 v8, v4;
	v7 =	vmul.f32 v11, v7;
	v16 =	vld.idx.msk [tilespmem:v3+s5+$0x3800 ss:$0x1], $0xffff;
	v1 =	vadd.f32 v12, v1  }
0x16f: {  	v17 =	vld.idx.msk [tilespmem:v2+s5+$0x3800 ss:$0x1], $0xffff  }
0x170: {  	v11 =	vmul.f32 v7, v4;
	v4 =	vmov v5;
	v8 =	vld.idx.msk [tilespmem:v3+s5+$0x4000 ss:$0x1], $0xffff;
	v1 =	vadd.f32 v10, v1  }
.Ltmp9:
0x171: {  	v5 =	vmul.f32 v14, v9;
	v10 =	vld.idx.msk [tilespmem:v2+s5+$0x4000 ss:$0x1], $0xffff;
	(pc) =	sbr.rel @p0 .LBB2_21-.Ltmp9, $4  }
0x172: {  	v7 =	vld.idx.msk [tilespmem:v3+s5+$0x4800 ss:$0x1], $0xffff;
	v1 =	vadd.f32 v11, v1  }
0x173: {  	v12 =	vmul.f32 v5, v4;
	v13 =	vmul.f32 v13, v15;
	v11 =	vld.idx.msk [tilespmem:v2+s5+$0x4800 ss:$0x1], $0xffff;
	s5 =	sshra.s32 s6, $0x2  }
0x174: {  	v5 =	vld.idx.msk [tilespmem:v6+s5+$0x0 ss:$0x1], $0xffff  }
0x175: {  	s6 =	sadd.s32 $0x40, s6;
	v1 =	vadd.f32 v12, v1;
	v12 =	vmul.f32 v13, v4;
	v13 =	vmul.f32 v17, v16;
	v9 =	vld.idx.msk [tilespmem:v3+s5+$0x2800 ss:$0x1], $0xffff  }
0x176: {  	_ =	sdelay $0x3  }
0x177: {  	v6 =	vld.idx.msk [tilespmem:v2+s5+$0x2800 ss:$0x1], $0xffff  }
0x178: {  	v14 =	vld.idx.msk [tilespmem:v3+s5+$0x3000 ss:$0x1], $0xffff;
	v8 =	vmul.f32 v10, v8;
	v1 =	vadd.f32 v12, v1;
	v50 =	vmul.f32 v13, v4  }
0x179: {  	v51 =	vld.idx.msk [tilespmem:v2+s5+$0x3000 ss:$0x1], $0xffff  }
0x17a: {  	v52 =	vld.idx.msk [tilespmem:v3+s5+$0x3800 ss:$0x1], $0xffff;
	v8 =	vmul.f32 v8, v4;
	v7 =	vmul.f32 v11, v7;
	v1 =	vadd.f32 v50, v1  }
0x17b: {  	v53 =	vld.idx.msk [tilespmem:v2+s5+$0x3800 ss:$0x1], $0xffff  }
0x17c: {  	v54 =	vld.idx.msk [tilespmem:v3+s5+$0x4000 ss:$0x1], $0xffff;
	v55 =	vmul.f32 v7, v4;
	v1 =	vadd.f32 v8, v1;
	v6 =	vmul.f32 v6, v9  }
0x17d: {  	v56 =	vld.idx.msk [tilespmem:v2+s5+$0x4000 ss:$0x1], $0xffff  }
0x17e: {  	v3 =	vld.idx.msk [tilespmem:v3+s5+$0x4800 ss:$0x1], $0xffff;
	v58 =	vmul.f32 v51, v14;
	v1 =	vadd.f32 v55, v1;
	v57 =	vmul.f32 v6, v5  }
0x17f: {  	v2 =	vld.idx.msk [tilespmem:v2+s5+$0x4800 ss:$0x1], $0xffff  }
0x180: {  	v60 =	vmul.f32 v53, v52;
	v59 =	vmul.f32 v58, v5;
	v1 =	vadd.f32 v57, v1;
	_ =	sdelay $0x1  }
0x181: {  	s30 =	sadd.s32 $0x1, s30;
	v62 =	vmul.f32 v56, v54;
	v61 =	vmul.f32 v60, v5;
	v1 =	vadd.f32 v59, v1  }
0x182: {  	p0 =	sne.s32 s30, $0x10  }
.Ltmp10:
0x183: {  	v2 =	vmul.f32 v2, v3;
	v63 =	vmul.f32 v62, v5;
	v1 =	vadd.f32 v61, v1;
	(pc) =	sbr.rel @p0 .LBB2_20-.Ltmp10, $3  }
0x184: {  	_ = 	snop  }
0x185: {  	v2 =	vmul.f32 v2, v5;
	v1 =	vadd.f32 v63, v1;
	_ =	sdelay $0x1  }
0x186: {  	s24 =	sadd.s32 $0x80, s24;
	s3 =	sadd.s32 $0x80, s3;
	s4 =	sadd.s32 $0x80, s4;
	v1 =	vadd.f32 v2, v1  }
0x187: {  	s3 =	simm.s32 $0x2B0  }
0x188: {  	[tilespmem:s23], [sflag:$0x2] =	stream.indirect.gather [hbm4b:s1+s17], $0x80, s3, s17, $0xb8;
	[tilespmem:$0x10E00] =	vst v63  }
0x189: {  	s24 =	simm.s32 $0x530  }
0x18a: {  	[tilespmem:s25], [sflag:$0x2] =	stream.indirect.gather [hbm4b:s2+s17], $0x80, s24, s17, $0xb8;
	[tilespmem:$0x10E00] =	vst v63  }
0x18b: {  	s3 =	simm.s32 $0x0  }
0x18c: {  	[tilespmem:s26], [sflag:$0x2] =	stream.linear.gather [hbm4b:s13+s3], $0x800, $0x38;
	[tilespmem:$0x10E00] =	vst v63  }
0x18d: {  	_ =	swait.ge [sflag:s28], $0x2800  }
0x18e: {  	[sflag:s28] =	ssyncset.done $0x0  }
0x18f: {  	[sflag:s28] =	ssyncadd.s32 $0xFFFFD800  }
0x190: {  	_ =	swait.ge [sflag:s28], $0x2800  }
0x191: {  	[sflag:s28] =	ssyncset.done $0x0  }
0x192: {  	[sflag:s28] =	ssyncadd.s32 $0xFFFFD800  }
0x193: {  	_ =	swait.ge [sflag:s28], $0x800  }
0x194: {  	s30 =	simm.s32 $0x580;
	[sflag:s28] =	ssyncset.done $0x0  }
0x195: {  	s4 =	simm.s32 $0x10580;
	s24 =	simm.s32 $0x7D80;
	[sflag:s28] =	ssyncadd.s32 $0xFFFFF800  }
.LBB2_24:
0x196: {  	v6 =	vmov s4  }
0x197: {  	v3 =	vmov s30  }
0x198: {  	v2 =	vmov s24;
	_ =	sdelay $0x1  }
0x199: {  	s6 =	simm.s32 $0x0  }
0x19a: {  	v4 =	vld.idx.msk [tilespmem:v6+s6+$0x0 ss:$0x1], $0xffff  }
0x19b: {  	v5 =	vld.idx.msk [tilespmem:v3+s6+$0x5000 ss:$0x1], $0xffff  }
0x19c: {  	v7 =	vld.idx.msk [tilespmem:v2+s6+$0x5000 ss:$0x1], $0xffff  }
0x19d: {  	v9 =	vld.idx.msk [tilespmem:v3+s6+$0x5800 ss:$0x1], $0xffff  }
0x19e: {  	v11 =	vld.idx.msk [tilespmem:v2+s6+$0x5800 ss:$0x1], $0xffff  }
0x19f: {  	v13 =	vld.idx.msk [tilespmem:v3+s6+$0x6000 ss:$0x1], $0xffff  }
0x1a0: {  	v14 =	vld.idx.msk [tilespmem:v2+s6+$0x6000 ss:$0x1], $0xffff  }
0x1a1: {  	v8 =	vld.idx.msk [tilespmem:v3+s6+$0x6800 ss:$0x1], $0xffff  }
0x1a2: {  	v10 =	vld.idx.msk [tilespmem:v2+s6+$0x6800 ss:$0x1], $0xffff;
	v5 =	vmul.f32 v7, v5  }
0x1a3: {  	v7 =	vld.idx.msk [tilespmem:v3+s6+$0x7000 ss:$0x1], $0xffff  }
0x1a4: {  	s5 =	simm.s32 $0x10;
	v15 =	vmul.f32 v11, v9;
	v11 =	vld.idx.msk [tilespmem:v2+s6+$0x7000 ss:$0x1], $0xffff;
	v12 =	vmul.f32 v5, v4  }
0x1a5: {  	v9 =	vld.idx.msk [tilespmem:v3+s5+$0x5000 ss:$0x1], $0xffff  }
0x1a6: {  	s6 =	simm.s32 $0x80;
	v13 =	vmul.f32 v14, v13;
	v5 =	vld.idx.msk [tilespmem:v6+s5+$0x0 ss:$0x1], $0xffff;
	v1 =	vadd.f32 v12, v1;
	v12 =	vmul.f32 v15, v4  }
.LBB2_25:
0x1a7: {  	p0 =	sne.s32 s6, $0x1C0;
	v14 =	vld.idx.msk [tilespmem:v2+s5+$0x5000 ss:$0x1], $0xffff  }
0x1a8: {  	v8 =	vmul.f32 v10, v8;
	v15 =	vld.idx.msk [tilespmem:v3+s5+$0x5800 ss:$0x1], $0xffff;
	v1 =	vadd.f32 v12, v1;
	v12 =	vmul.f32 v13, v4  }
0x1a9: {  	v13 =	vld.idx.msk [tilespmem:v2+s5+$0x5800 ss:$0x1], $0xffff  }
0x1aa: {  	v10 =	vmul.f32 v8, v4;
	v7 =	vmul.f32 v11, v7;
	v16 =	vld.idx.msk [tilespmem:v3+s5+$0x6000 ss:$0x1], $0xffff;
	v1 =	vadd.f32 v12, v1  }
0x1ab: {  	v17 =	vld.idx.msk [tilespmem:v2+s5+$0x6000 ss:$0x1], $0xffff  }
0x1ac: {  	v11 =	vmul.f32 v7, v4;
	v4 =	vmov v5;
	v8 =	vld.idx.msk [tilespmem:v3+s5+$0x6800 ss:$0x1], $0xffff;
	v1 =	vadd.f32 v10, v1  }
.Ltmp11:
0x1ad: {  	v5 =	vmul.f32 v14, v9;
	v10 =	vld.idx.msk [tilespmem:v2+s5+$0x6800 ss:$0x1], $0xffff;
	(pc) =	sbr.rel @p0 .LBB2_25-.Ltmp11, $4  }
0x1ae: {  	v7 =	vld.idx.msk [tilespmem:v3+s5+$0x7000 ss:$0x1], $0xffff;
	v1 =	vadd.f32 v11, v1  }
0x1af: {  	v12 =	vmul.f32 v5, v4;
	v13 =	vmul.f32 v13, v15;
	v11 =	vld.idx.msk [tilespmem:v2+s5+$0x7000 ss:$0x1], $0xffff;
	s5 =	sshra.s32 s6, $0x2  }
0x1b0: {  	v5 =	vld.idx.msk [tilespmem:v6+s5+$0x0 ss:$0x1], $0xffff  }
0x1b1: {  	s6 =	sadd.s32 $0x40, s6;
	v1 =	vadd.f32 v12, v1;
	v12 =	vmul.f32 v13, v4;
	v13 =	vmul.f32 v17, v16;
	v9 =	vld.idx.msk [tilespmem:v3+s5+$0x5000 ss:$0x1], $0xffff  }
0x1b2: {  	_ =	sdelay $0x3  }
0x1b3: {  	v6 =	vld.idx.msk [tilespmem:v2+s5+$0x5000 ss:$0x1], $0xffff  }
0x1b4: {  	v14 =	vld.idx.msk [tilespmem:v3+s5+$0x5800 ss:$0x1], $0xffff;
	v8 =	vmul.f32 v10, v8;
	v1 =	vadd.f32 v12, v1;
	v50 =	vmul.f32 v13, v4  }
0x1b5: {  	v51 =	vld.idx.msk [tilespmem:v2+s5+$0x5800 ss:$0x1], $0xffff  }
0x1b6: {  	v52 =	vld.idx.msk [tilespmem:v3+s5+$0x6000 ss:$0x1], $0xffff;
	v8 =	vmul.f32 v8, v4;
	v7 =	vmul.f32 v11, v7;
	v1 =	vadd.f32 v50, v1  }
0x1b7: {  	v53 =	vld.idx.msk [tilespmem:v2+s5+$0x6000 ss:$0x1], $0xffff  }
0x1b8: {  	v54 =	vld.idx.msk [tilespmem:v3+s5+$0x6800 ss:$0x1], $0xffff;
	v55 =	vmul.f32 v7, v4;
	v1 =	vadd.f32 v8, v1;
	v6 =	vmul.f32 v6, v9  }
0x1b9: {  	v56 =	vld.idx.msk [tilespmem:v2+s5+$0x6800 ss:$0x1], $0xffff  }
0x1ba: {  	v3 =	vld.idx.msk [tilespmem:v3+s5+$0x7000 ss:$0x1], $0xffff;
	v58 =	vmul.f32 v51, v14;
	v1 =	vadd.f32 v55, v1;
	v57 =	vmul.f32 v6, v5  }
0x1bb: {  	v2 =	vld.idx.msk [tilespmem:v2+s5+$0x7000 ss:$0x1], $0xffff  }
0x1bc: {  	v60 =	vmul.f32 v53, v52;
	v59 =	vmul.f32 v58, v5;
	v1 =	vadd.f32 v57, v1;
	_ =	sdelay $0x1  }
0x1bd: {  	s3 =	sadd.s32 $0x1, s3;
	v62 =	vmul.f32 v56, v54;
	v61 =	vmul.f32 v60, v5;
	v1 =	vadd.f32 v59, v1  }
0x1be: {  	p0 =	sne.s32 s3, $0x10  }
.Ltmp12:
0x1bf: {  	v2 =	vmul.f32 v2, v3;
	v63 =	vmul.f32 v62, v5;
	v1 =	vadd.f32 v61, v1;
	(pc) =	sbr.rel @p0 .LBB2_24-.Ltmp12, $3  }
0x1c0: {  	_ = 	snop  }
0x1c1: {  	v2 =	vmul.f32 v2, v5;
	v1 =	vadd.f32 v63, v1;
	_ =	sdelay $0x1  }
0x1c2: {  	s24 =	sadd.s32 $0x80, s24;
	s30 =	sadd.s32 $0x80, s30;
	s4 =	sadd.s32 $0x80, s4;
	v1 =	vadd.f32 v2, v1  }
0x1c3: {  	_ =	swait.ge [sflag:s20], $0x2800  }
0x1c4: {  	[sflag:s20] =	ssyncset.done $0x0  }
0x1c5: {  	[sflag:s20] =	ssyncadd.s32 $0xFFFFD800  }
0x1c6: {  	_ =	swait.ge [sflag:s20], $0x2800  }
0x1c7: {  	[sflag:s20] =	ssyncset.done $0x0  }
0x1c8: {  	[sflag:s20] =	ssyncadd.s32 $0xFFFFD800  }
0x1c9: {  	_ =	swait.ge [sflag:s20], $0x800  }
0x1ca: {  	s3 =	simm.s32 $0x0;
	s24 =	simm.s32 $0x8D80;
	[sflag:s20] =	ssyncset.done $0x0  }
0x1cb: {  	s30 =	simm.s32 $0x580;
	s4 =	simm.s32 $0xF580;
	[sflag:s20] =	ssyncadd.s32 $0xFFFFF800  }
.LBB2_28:
0x1cc: {  	v6 =	vmov s4  }
0x1cd: {  	v3 =	vmov s30  }
0x1ce: {  	v2 =	vmov s24;
	_ =	sdelay $0x1  }
0x1cf: {  	s6 =	simm.s32 $0x0  }
0x1d0: {  	v4 =	vld.idx.msk [tilespmem:v6+s6+$0x0 ss:$0x1], $0xffff  }
0x1d1: {  	v5 =	vld.idx.msk [tilespmem:v3+s6+$0x0 ss:$0x1], $0xffff  }
0x1d2: {  	v7 =	vld.idx.msk [tilespmem:v2+s6+$0xFFFFF000 ss:$0x1], $0xffff  }
0x1d3: {  	v9 =	vld.idx.msk [tilespmem:v3+s6+$0x800 ss:$0x1], $0xffff  }
0x1d4: {  	v11 =	vld.idx.msk [tilespmem:v2+s6+$0xFFFFF800 ss:$0x1], $0xffff  }
0x1d5: {  	v13 =	vld.idx.msk [tilespmem:v3+s6+$0x1000 ss:$0x1], $0xffff  }
0x1d6: {  	v14 =	vld.idx.msk [tilespmem:v2+s6+$0x0 ss:$0x1], $0xffff  }
0x1d7: {  	v8 =	vld.idx.msk [tilespmem:v3+s6+$0x1800 ss:$0x1], $0xffff  }
0x1d8: {  	v10 =	vld.idx.msk [tilespmem:v2+s6+$0x800 ss:$0x1], $0xffff;
	v5 =	vmul.f32 v7, v5  }
0x1d9: {  	v7 =	vld.idx.msk [tilespmem:v3+s6+$0x2000 ss:$0x1], $0xffff  }
0x1da: {  	s5 =	simm.s32 $0x10;
	v15 =	vmul.f32 v11, v9;
	v11 =	vld.idx.msk [tilespmem:v2+s6+$0x1000 ss:$0x1], $0xffff;
	v12 =	vmul.f32 v5, v4  }
0x1db: {  	v9 =	vld.idx.msk [tilespmem:v3+s5+$0x0 ss:$0x1], $0xffff  }
0x1dc: {  	s6 =	simm.s32 $0x80;
	v13 =	vmul.f32 v14, v13;
	v5 =	vld.idx.msk [tilespmem:v6+s5+$0x0 ss:$0x1], $0xffff;
	v1 =	vadd.f32 v12, v1;
	v12 =	vmul.f32 v15, v4  }
.LBB2_29:
0x1dd: {  	p0 =	sne.s32 s6, $0x1C0;
	v14 =	vld.idx.msk [tilespmem:v2+s5+$0xFFFFF000 ss:$0x1], $0xffff  }
0x1de: {  	v8 =	vmul.f32 v10, v8;
	v15 =	vld.idx.msk [tilespmem:v3+s5+$0x800 ss:$0x1], $0xffff;
	v1 =	vadd.f32 v12, v1;
	v12 =	vmul.f32 v13, v4  }
0x1df: {  	v13 =	vld.idx.msk [tilespmem:v2+s5+$0xFFFFF800 ss:$0x1], $0xffff  }
0x1e0: {  	v10 =	vmul.f32 v8, v4;
	v7 =	vmul.f32 v11, v7;
	v16 =	vld.idx.msk [tilespmem:v3+s5+$0x1000 ss:$0x1], $0xffff;
	v1 =	vadd.f32 v12, v1  }
0x1e1: {  	v17 =	vld.idx.msk [tilespmem:v2+s5+$0x0 ss:$0x1], $0xffff  }
0x1e2: {  	v11 =	vmul.f32 v7, v4;
	v4 =	vmov v5;
	v8 =	vld.idx.msk [tilespmem:v3+s5+$0x1800 ss:$0x1], $0xffff;
	v1 =	vadd.f32 v10, v1  }
.Ltmp13:
0x1e3: {  	v5 =	vmul.f32 v14, v9;
	v10 =	vld.idx.msk [tilespmem:v2+s5+$0x800 ss:$0x1], $0xffff;
	(pc) =	sbr.rel @p0 .LBB2_29-.Ltmp13, $4  }
0x1e4: {  	v7 =	vld.idx.msk [tilespmem:v3+s5+$0x2000 ss:$0x1], $0xffff;
	v1 =	vadd.f32 v11, v1  }
0x1e5: {  	v12 =	vmul.f32 v5, v4;
	v13 =	vmul.f32 v13, v15;
	v11 =	vld.idx.msk [tilespmem:v2+s5+$0x1000 ss:$0x1], $0xffff;
	s5 =	sshra.s32 s6, $0x2  }
0x1e6: {  	v5 =	vld.idx.msk [tilespmem:v6+s5+$0x0 ss:$0x1], $0xffff  }
0x1e7: {  	s6 =	sadd.s32 $0x40, s6;
	v1 =	vadd.f32 v12, v1;
	v12 =	vmul.f32 v13, v4;
	v13 =	vmul.f32 v17, v16;
	v9 =	vld.idx.msk [tilespmem:v3+s5+$0x0 ss:$0x1], $0xffff  }
0x1e8: {  	_ =	sdelay $0x3  }
0x1e9: {  	v6 =	vld.idx.msk [tilespmem:v2+s5+$0xFFFFF000 ss:$0x1], $0xffff  }
0x1ea: {  	v14 =	vld.idx.msk [tilespmem:v3+s5+$0x800 ss:$0x1], $0xffff;
	v8 =	vmul.f32 v10, v8;
	v1 =	vadd.f32 v12, v1;
	v50 =	vmul.f32 v13, v4  }
0x1eb: {  	v51 =	vld.idx.msk [tilespmem:v2+s5+$0xFFFFF800 ss:$0x1], $0xffff  }
0x1ec: {  	v52 =	vld.idx.msk [tilespmem:v3+s5+$0x1000 ss:$0x1], $0xffff;
	v8 =	vmul.f32 v8, v4;
	v7 =	vmul.f32 v11, v7;
	v1 =	vadd.f32 v50, v1  }
0x1ed: {  	v53 =	vld.idx.msk [tilespmem:v2+s5+$0x0 ss:$0x1], $0xffff  }
0x1ee: {  	v54 =	vld.idx.msk [tilespmem:v3+s5+$0x1800 ss:$0x1], $0xffff;
	v55 =	vmul.f32 v7, v4;
	v1 =	vadd.f32 v8, v1;
	v6 =	vmul.f32 v6, v9  }
0x1ef: {  	v56 =	vld.idx.msk [tilespmem:v2+s5+$0x800 ss:$0x1], $0xffff  }
0x1f0: {  	v3 =	vld.idx.msk [tilespmem:v3+s5+$0x2000 ss:$0x1], $0xffff;
	v58 =	vmul.f32 v51, v14;
	v1 =	vadd.f32 v55, v1;
	v57 =	vmul.f32 v6, v5  }
0x1f1: {  	v2 =	vld.idx.msk [tilespmem:v2+s5+$0x1000 ss:$0x1], $0xffff  }
0x1f2: {  	v60 =	vmul.f32 v53, v52;
	v59 =	vmul.f32 v58, v5;
	v1 =	vadd.f32 v57, v1;
	_ =	sdelay $0x1  }
0x1f3: {  	s3 =	sadd.s32 $0x1, s3;
	v62 =	vmul.f32 v56, v54;
	v61 =	vmul.f32 v60, v5;
	v1 =	vadd.f32 v59, v1  }
0x1f4: {  	p0 =	sne.s32 s3, $0x10  }
.Ltmp14:
0x1f5: {  	v2 =	vmul.f32 v2, v3;
	v63 =	vmul.f32 v62, v5;
	v1 =	vadd.f32 v61, v1;
	(pc) =	sbr.rel @p0 .LBB2_28-.Ltmp14, $3  }
0x1f6: {  	_ = 	snop  }
0x1f7: {  	v2 =	vmul.f32 v2, v5;
	v1 =	vadd.f32 v63, v1;
	_ =	sdelay $0x1  }
0x1f8: {  	s24 =	sadd.s32 $0x80, s24;
	s30 =	sadd.s32 $0x80, s30;
	s4 =	sadd.s32 $0x80, s4;
	v1 =	vadd.f32 v2, v1  }
0x1f9: {  	_ =	swait.ge [sflag:s21], $0x2800  }
0x1fa: {  	[sflag:s21] =	ssyncset.done $0x0  }
0x1fb: {  	[sflag:s21] =	ssyncadd.s32 $0xFFFFD800  }
0x1fc: {  	_ =	swait.ge [sflag:s21], $0x2800  }
0x1fd: {  	[sflag:s21] =	ssyncset.done $0x0  }
0x1fe: {  	[sflag:s21] =	ssyncadd.s32 $0xFFFFD800  }
0x1ff: {  	_ =	swait.ge [sflag:s21], $0x800  }
0x200: {  	s3 =	simm.s32 $0x0;
	s24 =	simm.s32 $0x7D80;
	[sflag:s21] =	ssyncset.done $0x0  }
0x201: {  	s30 =	simm.s32 $0x580;
	s4 =	simm.s32 $0xFD80;
	[sflag:s21] =	ssyncadd.s32 $0xFFFFF800  }
.LBB2_32:
0x202: {  	v6 =	vmov s4  }
0x203: {  	v3 =	vmov s30  }
0x204: {  	v2 =	vmov s24;
	_ =	sdelay $0x1  }
0x205: {  	s6 =	simm.s32 $0x0  }
0x206: {  	v4 =	vld.idx.msk [tilespmem:v6+s6+$0x0 ss:$0x1], $0xffff  }
0x207: {  	v5 =	vld.idx.msk [tilespmem:v3+s6+$0x2800 ss:$0x1], $0xffff  }
0x208: {  	v7 =	vld.idx.msk [tilespmem:v2+s6+$0x2800 ss:$0x1], $0xffff  }
0x209: {  	v9 =	vld.idx.msk [tilespmem:v3+s6+$0x3000 ss:$0x1], $0xffff  }
0x20a: {  	v11 =	vld.idx.msk [tilespmem:v2+s6+$0x3000 ss:$0x1], $0xffff  }
0x20b: {  	v13 =	vld.idx.msk [tilespmem:v3+s6+$0x3800 ss:$0x1], $0xffff  }
0x20c: {  	v14 =	vld.idx.msk [tilespmem:v2+s6+$0x3800 ss:$0x1], $0xffff  }
0x20d: {  	v8 =	vld.idx.msk [tilespmem:v3+s6+$0x4000 ss:$0x1], $0xffff  }
0x20e: {  	v10 =	vld.idx.msk [tilespmem:v2+s6+$0x4000 ss:$0x1], $0xffff;
	v5 =	vmul.f32 v7, v5  }
0x20f: {  	v7 =	vld.idx.msk [tilespmem:v3+s6+$0x4800 ss:$0x1], $0xffff  }
0x210: {  	s5 =	simm.s32 $0x10;
	v15 =	vmul.f32 v11, v9;
	v11 =	vld.idx.msk [tilespmem:v2+s6+$0x4800 ss:$0x1], $0xffff;
	v12 =	vmul.f32 v5, v4  }
0x211: {  	v9 =	vld.idx.msk [tilespmem:v3+s5+$0x2800 ss:$0x1], $0xffff  }
0x212: {  	s6 =	simm.s32 $0x80;
	v13 =	vmul.f32 v14, v13;
	v5 =	vld.idx.msk [tilespmem:v6+s5+$0x0 ss:$0x1], $0xffff;
	v1 =	vadd.f32 v12, v1;
	v12 =	vmul.f32 v15, v4  }
.LBB2_33:
0x213: {  	p0 =	sne.s32 s6, $0x1C0;
	v14 =	vld.idx.msk [tilespmem:v2+s5+$0x2800 ss:$0x1], $0xffff  }
0x214: {  	v8 =	vmul.f32 v10, v8;
	v15 =	vld.idx.msk [tilespmem:v3+s5+$0x3000 ss:$0x1], $0xffff;
	v1 =	vadd.f32 v12, v1;
	v12 =	vmul.f32 v13, v4  }
0x215: {  	v13 =	vld.idx.msk [tilespmem:v2+s5+$0x3000 ss:$0x1], $0xffff  }
0x216: {  	v10 =	vmul.f32 v8, v4;
	v7 =	vmul.f32 v11, v7;
	v16 =	vld.idx.msk [tilespmem:v3+s5+$0x3800 ss:$0x1], $0xffff;
	v1 =	vadd.f32 v12, v1  }
0x217: {  	v17 =	vld.idx.msk [tilespmem:v2+s5+$0x3800 ss:$0x1], $0xffff  }
0x218: {  	v11 =	vmul.f32 v7, v4;
	v4 =	vmov v5;
	v8 =	vld.idx.msk [tilespmem:v3+s5+$0x4000 ss:$0x1], $0xffff;
	v1 =	vadd.f32 v10, v1  }
.Ltmp15:
0x219: {  	v5 =	vmul.f32 v14, v9;
	v10 =	vld.idx.msk [tilespmem:v2+s5+$0x4000 ss:$0x1], $0xffff;
	(pc) =	sbr.rel @p0 .LBB2_33-.Ltmp15, $4  }
0x21a: {  	v7 =	vld.idx.msk [tilespmem:v3+s5+$0x4800 ss:$0x1], $0xffff;
	v1 =	vadd.f32 v11, v1  }
0x21b: {  	v12 =	vmul.f32 v5, v4;
	v13 =	vmul.f32 v13, v15;
	v11 =	vld.idx.msk [tilespmem:v2+s5+$0x4800 ss:$0x1], $0xffff;
	s5 =	sshra.s32 s6, $0x2  }
0x21c: {  	v5 =	vld.idx.msk [tilespmem:v6+s5+$0x0 ss:$0x1], $0xffff  }
0x21d: {  	s6 =	sadd.s32 $0x40, s6;
	v1 =	vadd.f32 v12, v1;
	v12 =	vmul.f32 v13, v4;
	v13 =	vmul.f32 v17, v16;
	v9 =	vld.idx.msk [tilespmem:v3+s5+$0x2800 ss:$0x1], $0xffff  }
0x21e: {  	_ =	sdelay $0x3  }
0x21f: {  	v6 =	vld.idx.msk [tilespmem:v2+s5+$0x2800 ss:$0x1], $0xffff  }
0x220: {  	v14 =	vld.idx.msk [tilespmem:v3+s5+$0x3000 ss:$0x1], $0xffff;
	v8 =	vmul.f32 v10, v8;
	v1 =	vadd.f32 v12, v1;
	v50 =	vmul.f32 v13, v4  }
0x221: {  	v51 =	vld.idx.msk [tilespmem:v2+s5+$0x3000 ss:$0x1], $0xffff  }
0x222: {  	v52 =	vld.idx.msk [tilespmem:v3+s5+$0x3800 ss:$0x1], $0xffff;
	v8 =	vmul.f32 v8, v4;
	v7 =	vmul.f32 v11, v7;
	v1 =	vadd.f32 v50, v1  }
0x223: {  	v53 =	vld.idx.msk [tilespmem:v2+s5+$0x3800 ss:$0x1], $0xffff  }
0x224: {  	v54 =	vld.idx.msk [tilespmem:v3+s5+$0x4000 ss:$0x1], $0xffff;
	v55 =	vmul.f32 v7, v4;
	v1 =	vadd.f32 v8, v1;
	v6 =	vmul.f32 v6, v9  }
0x225: {  	v56 =	vld.idx.msk [tilespmem:v2+s5+$0x4000 ss:$0x1], $0xffff  }
0x226: {  	v3 =	vld.idx.msk [tilespmem:v3+s5+$0x4800 ss:$0x1], $0xffff;
	v58 =	vmul.f32 v51, v14;
	v1 =	vadd.f32 v55, v1;
	v57 =	vmul.f32 v6, v5  }
0x227: {  	v2 =	vld.idx.msk [tilespmem:v2+s5+$0x4800 ss:$0x1], $0xffff  }
0x228: {  	v60 =	vmul.f32 v53, v52;
	v59 =	vmul.f32 v58, v5;
	v1 =	vadd.f32 v57, v1;
	_ =	sdelay $0x1  }
0x229: {  	s3 =	sadd.s32 $0x1, s3;
	v62 =	vmul.f32 v56, v54;
	v61 =	vmul.f32 v60, v5;
	v1 =	vadd.f32 v59, v1  }
0x22a: {  	p0 =	sne.s32 s3, $0x10  }
.Ltmp16:
0x22b: {  	v2 =	vmul.f32 v2, v3;
	v63 =	vmul.f32 v62, v5;
	v1 =	vadd.f32 v61, v1;
	(pc) =	sbr.rel @p0 .LBB2_32-.Ltmp16, $3  }
0x22c: {  	_ = 	snop  }
0x22d: {  	v2 =	vmul.f32 v2, v5;
	v1 =	vadd.f32 v63, v1;
	_ =	sdelay $0x1  }
0x22e: {  	s24 =	sadd.s32 $0x80, s24;
	s30 =	sadd.s32 $0x80, s30;
	s4 =	sadd.s32 $0x80, s4;
	v1 =	vadd.f32 v2, v1  }
0x22f: {  	s22 =	sadd.s32 $0x1, s22  }
0x230: {  	p0 =	sne.s32 s22, s15  }
.Ltmp17:
0x231: {  	s24 =	simm.s32 $0x0;
	s3 =	simm.s32 $0x10D80;
	[tilespmem:$0x10D80] =	vst v1;
	(pc) =	sbr.rel @p0 .LBB2_1-.Ltmp17, $4  }
0x232: {  	[hbm4b:s14+s24] =	stream.linear.scatter [tilespmem:s3], [sflag:$0x4], $0x10, $0x38;
	[tilespmem:$0x10E00] =	vst v63  }
0x233: {  	_ =	swait.ge [sflag:s18], $0x10  }
0x234: {  	[sflag:s18] =	ssyncset.done $0x0  }
0x235: {  	[sflag:s18] =	ssyncadd.s32 $0xFFFFFFF0  }
0x236: {  	_ =	sfence.sel $0x180000  }
0x237: {  	[bflag:$0x0] =	sbarrier.arrive $0xFFFF  }
0x238: {  	_ =	strace $0x90000047  }
0x239: {  	s0 =	stileid.u32;
	[bflag:$0x2] =	sbarrier.arrive $0xFFFF  }
0x23a: {  	p0 =	sne.s32 s0, $0x0;
	s0 =	rddreg [dreg:$0x4]  }
0x23b: {  	s0 =	sadd.s32 @!p0 $0x100000, s0  }
0x23c: {  	[sflag:s0] =	ssyncadd.tile.s32 @!p0 $0x1;
	_ =	shalt  }
.Lfunc_end2:
_tile_overlayer_lowered:
.L_overlay_start_2:
0x23d: {  	(tag) =	ssettag $0x2  }
0x23e: {  	s0 =	rddreg [dreg:$0x0];
	s2 =	stileid.u32  }
0x23f: {  	s1 =	rddreg [dreg:$0x1];
	p0 =	sne.s32 s2, $0x0  }
0x240: {  	s3 =	rddreg [dreg:$0x2];
	[bflag:$0x3] =	sbarrier.arrive $0xFFFF;
	s2 =	simm.s32 @!p0 $0x1C04  }
0x241: {  	[timem:s3], [sflag:s2] =	dma.local @!p0 [hbm:s0], s1  }
0x242: {  	s0 =	simm.s32 @!p0 $0x4  }
0x243: {  	_ =	swait.ge @!p0 [sflag:s0], s1  }
0x244: {  	s1 =	ssub.s32 @!p0 $0x0, s1;
	[sflag:s0] =	ssyncset.done @!p0 $0x0  }
0x245: {  	[sflag:s0] =	ssyncadd.s32 @!p0 s1  }
0x246: {  	[bflag:$0x3] =	sbarrier.arrive $0xFFFF  }
0x247: {  	_ =	shalt  }

</sc_bundles>
